<compile_context>
chip_gen: v7x
topology: tpu7x:2x2x1
jax: 0.10.2.dev20260603
libtpu: 0.0.44.dev20260713+nightly
codegen_flags: <defaults>
</compile_context>

<pallas_src>
import functools

import jax
import jax.numpy as jnp
import numpy as np
from jax import lax
from jax.experimental import pallas as pl
from jax.experimental.pallas import tpu as pltpu
from jax.experimental.pallas import tpu_sc as plsc

_FIELD_DIMS = [1000] * 26
_OFFSETS = np.concatenate([[0], np.cumsum(_FIELD_DIMS)[:-1]]).astype(np.int32)


@functools.lru_cache(maxsize=None)
def _make_sc_kernel(B: int, F: int, V: int):
    info = plsc.get_sparse_core_info()
    NC, NS, L = info.num_cores, info.num_subcores, info.num_lanes
    NW = NC * NS
    assert B % NW == 0
    bpw = B // NW
    assert bpw % L == 0
    nchunks = bpw // L
    fsplit = [0, 6, 14, 20, F]
    NPH = len(fsplit) - 1
    vsplit = [int(_OFFSETS[f]) if f < F else V for f in fsplit]
    assert all(v % 16 == 0 for v in vsplit)
    shard = (-(-V // NS) + 15) // 16 * 16
    assert NS * shard >= V and shard % (2 * L) == 0
    cvt_iters = shard // (2 * L)

    mesh = plsc.VectorSubcoreMesh(core_axis_name="c", subcore_axis_name="s")

    @functools.partial(
        pl.kernel,
        mesh=mesh,
        compiler_params=pltpu.CompilerParams(needs_layout_passes=False),
        out_type=jax.ShapeDtypeStruct((B,), jnp.float32),
        scratch_types=[
            pltpu.VMEM((bpw * F,), jnp.int32),
            pltpu.VMEM((V // 2,), jnp.int32),
            pltpu.VMEM((shard,), jnp.float32),
            pltpu.VMEM((L,), jnp.float32),
            pltpu.VMEM((bpw,), jnp.float32),
            pltpu.VMEM((bpw * F,), jnp.int32),
            pltpu.VMEM_SHARED((V // 2,), jnp.int32),
            [pltpu.SemaphoreType.DMA] * NPH,
            pltpu.SemaphoreType.DMA,
            pltpu.SemaphoreType.DMA,
            pltpu.SemaphoreType.DMA,
        ],
    )
    def k(x_hbm, w_hbm, b_hbm, out_hbm, xv, wv, shf, bv, accv, gv, wsh,
          semw, semx, semb, semsh):
        wid = lax.axis_index("s") * NC + lax.axis_index("c")
        sid = lax.axis_index("s")
        with jax.named_scope("stage"):
            xd = pltpu.async_copy(x_hbm.at[wid], xv, semx)
            bd = pltpu.async_copy(b_hbm, bv, semb)
            start = pl.multiple_of(jnp.minimum(sid * shard, V - shard), 16)
            pstart = pl.multiple_of(start // 2, 8)
            sd = pltpu.async_copy(w_hbm.at[pl.ds(start, shard)], shf, semsh)
            sd.wait()
        with jax.named_scope("pack"):
            stepv2 = lax.iota(jnp.int32, L) * 2
            himask = jnp.full((L,), -65536, dtype=jnp.int32)

            @plsc.parallel_loop(0, cvt_iters)
            def _(i):
                base = i * (2 * L)
                ev = plsc.load_gather(shf, [stepv2 + base])
                od = plsc.load_gather(shf, [stepv2 + (base + 1)])
                ei = plsc.bitcast(ev, jnp.int32) + 32768
                oi = plsc.bitcast(od, jnp.int32) + 32768
                word = jnp.bitwise_or(
                    jnp.bitwise_and(jnp.right_shift(ei, 16), 65535),
                    jnp.bitwise_and(oi, himask))
                wv[pl.ds(pstart + i * L, L)] = word
            pltpu.sync_copy(wv.at[pl.ds(pstart, shard // 2)],
                            wsh.at[pl.ds(pstart, shard // 2)])
        with jax.named_scope("barrier"):
            plsc.subcore_barrier()
        with jax.named_scope("fanout"):
            wds = []
            for p in range(NPH):
                lo, hi = vsplit[p] // 2, vsplit[p + 1] // 2
                wds.append(pltpu.async_copy(
                    wsh.at[pl.ds(lo, hi - lo)], wv.at[pl.ds(lo, hi - lo)],
                    semw[p]))
        with jax.named_scope("wait_x"):
            xd.wait()
        stepv = lax.iota(jnp.int32, L) * F
        with jax.named_scope("pass1_idx"):
            @plsc.parallel_loop(0, nchunks)
            def _(j):
                base_t = j * (L * F)
                for f in range(F):
                    xi = plsc.load_gather(xv, [stepv + (base_t + f)])
                    gv[pl.ds((f * nchunks + j) * L, L)] = xi + int(_OFFSETS[f])
        bd.wait()
        bias = bv[...]
        himask2 = jnp.full((L,), -65536, dtype=jnp.int32)
        for p in range(NPH):
            f_beg, f_end = fsplit[p], fsplit[p + 1]
            with jax.named_scope(f"wait_w{p}"):
                wds[p].wait()
            with jax.named_scope(f"pass2_{p}"):
                @plsc.parallel_loop(0, nchunks)
                def _(j, _p=p, _f_beg=f_beg, _f_end=f_end):
                    acc = bias if _p == 0 else accv[pl.ds(j * L, L)]
                    for f in range(_f_beg, _f_end):
                        gi = gv[pl.ds((f * nchunks + j) * L, L)]
                        word = plsc.load_gather(wv, [jnp.right_shift(gi, 1)])
                        odd = jnp.bitwise_and(gi, 1) == 1
                        bits = jnp.where(odd, jnp.bitwise_and(word, himask2),
                                         jnp.left_shift(word, 16))
                        acc = acc + plsc.bitcast(bits, jnp.float32)
                    accv[pl.ds(j * L, L)] = acc
        with jax.named_scope("writeback"):
            pltpu.sync_copy(accv, out_hbm.at[pl.ds(wid * bpw, bpw)])

    return k


def kernel(x, W, b):
    B, F = x.shape
    V = W.shape[1]
    x_flat = x.reshape(32, (B // 32) * F)
    w_flat = W.reshape(V)
    b_vec = jnp.broadcast_to(b.astype(jnp.float32), (16,))
    out = _make_sc_kernel(B, F, V)(x_flat, w_flat, b_vec)
    return out.reshape(B, 1)

# --- scband reference (transcript-rebuilt; emitter-appended) ---
"""Pipeline reference for scband-features-linear-3487513445027 (READ-ONLY COPY).

The authoritative reference and input builder live on the scoring server;
editing this copy changes nothing except your own understanding.
"""

import jax, jax.numpy as jnp
import numpy as np

FIELD_DIMS = [1000] * 26
OFFSETS = np.concatenate([[0], np.cumsum(FIELD_DIMS)[:-1]]).astype(np.int32)
FEATURE_DIM = int(sum(FIELD_DIMS))
BATCH = 4096
NUM_FIELDS = 26
OUTPUT_DIM = 1


def setup_inputs(seed: int = 0) -> dict:
    key = jax.random.key(seed)
    k1, k2 = jax.random.split(key, 2)
    x = jax.random.randint(k1, (BATCH, NUM_FIELDS), 0, 1000, dtype=jnp.int32)
    W = jax.random.normal(k2, (OUTPUT_DIM, FEATURE_DIM), dtype=jnp.float32) * 0.01
    b = jnp.zeros((OUTPUT_DIM,), dtype=jnp.float32)
    return {"x": x, "W": W, "b": b}


def reference(x, W, b):
    # x: int[B, F] per-field indices; add offsets to get global feature ids
    idx = x + jnp.asarray(OFFSETS, dtype=x.dtype)[None, :]
    B = x.shape[0]
    # scatter ones into a dense one-hot multi-hot matrix (faithful to torch scatter_)
    onehot = jnp.zeros((B, FEATURE_DIM), dtype=jnp.float32)
    rows = jnp.arange(B, dtype=idx.dtype)[:, None]
    onehot = onehot.at[rows, idx].set(1.0)
    # linear layer: onehot @ W.T + b
    out = onehot @ W.T + b[None, :]
    return out

if __name__ == "__main__":
    import jax
    _d = setup_inputs()
    print(jax.jit(kernel)(*tuple(_d.values())))

</pallas_src>

<mosaic_0001>
#map = affine_map<(d0, d1) -> (0, 0)>
#map1 = affine_map<(d0, d1) -> (0)>
module attributes {stable_mosaic.version = 14 : i64} {
  func.func @k(%arg0: i32, %arg1: i32, %arg2: memref<32x3328xi32, #tpu.memory_space<hbm>>, %arg3: memref<26000xf32, #tpu.memory_space<hbm>>, %arg4: memref<16xf32, #tpu.memory_space<hbm>>, %arg5: memref<4096xf32, #tpu.memory_space<hbm>>, %arg6: memref<3328xi32, #tpu.memory_space<vmem>>, %arg7: memref<13000xi32, #tpu.memory_space<vmem>>, %arg8: memref<1632xf32, #tpu.memory_space<vmem>>, %arg9: memref<16xf32, #tpu.memory_space<vmem>>, %arg10: memref<128xf32, #tpu.memory_space<vmem>>, %arg11: memref<3328xi32, #tpu.memory_space<vmem>>, %arg12: memref<13000xi32, #tpu.memory_space<vmem_shared>>, %arg13: memref<!tpu.dma_semaphore, #tpu.memory_space<semaphore_mem>>, %arg14: memref<!tpu.dma_semaphore, #tpu.memory_space<semaphore_mem>>, %arg15: memref<!tpu.dma_semaphore, #tpu.memory_space<semaphore_mem>>, %arg16: memref<!tpu.dma_semaphore, #tpu.memory_space<semaphore_mem>>, %arg17: memref<!tpu.dma_semaphore, #tpu.memory_space<semaphore_mem>>, %arg18: memref<!tpu.dma_semaphore, #tpu.memory_space<semaphore_mem>>, %arg19: memref<!tpu.dma_semaphore, #tpu.memory_space<semaphore_mem>>) attributes {dimension_semantics = [#tpu.dimension_semantics<core_parallel>, #tpu.dimension_semantics<subcore_parallel>], iteration_bounds = array<i64: 2, 16>, scalar_prefetch = 0 : i64, scratch_operands = 14 : i64, tpu.core_type = #tpu.core_type<sc_vector_subcore>, window_params = [{transform_indices = #map}, {transform_indices = #map1}, {transform_indices = #map1}, {transform_indices = #map1}]} {
    %mul3A = arith.constant 2 : i32
    %mul3A_0 = arith.muli %arg1, %mul3A : i32
    %add3A = arith.addi %mul3A_0, %arg0 : i32
    "tpu.trace_start"() <{level = 10 : i32, message = "stage"}> : () -> ()
    %dma_start3A = arith.constant 0 : i32
    %dma_start3A_1 = tpu.memref_slice %arg2[%add3A, %dma_start3A] : memref<32x3328xi32, #tpu.memory_space<hbm>> -> memref<1x3328xi32, #tpu.memory_space<hbm>>
    %dma_start3A_2 = tpu.memref_squeeze %dma_start3A_1 : memref<1x3328xi32, #tpu.memory_space<hbm>> -> memref<3328xi32, #tpu.memory_space<hbm>>
    %dma_start3A_3 = arith.constant 0 : i32
    %dma_start3A_4 = tpu.memref_slice %arg2[%add3A, %dma_start3A_3] : memref<32x3328xi32, #tpu.memory_space<hbm>> -> memref<1x3328xi32, #tpu.memory_space<hbm>>
    %dma_start3A_5 = tpu.memref_squeeze %dma_start3A_4 : memref<1x3328xi32, #tpu.memory_space<hbm>> -> memref<3328xi32, #tpu.memory_space<hbm>>
    tpu.enqueue_dma source(%dma_start3A_5 : memref<3328xi32, #tpu.memory_space<hbm>>) target(%arg6 : memref<3328xi32, #tpu.memory_space<vmem>>) target_semaphore(%arg17 : memref<!tpu.dma_semaphore, #tpu.memory_space<semaphore_mem>>)
    tpu.enqueue_dma source(%arg4 : memref<16xf32, #tpu.memory_space<hbm>>) target(%arg9 : memref<16xf32, #tpu.memory_space<vmem>>) target_semaphore(%arg18 : memref<!tpu.dma_semaphore, #tpu.memory_space<semaphore_mem>>)
    %mul3A_6 = arith.constant 1632 : i32
    %mul3A_7 = arith.muli %arg1, %mul3A_6 : i32
    %min3A = arith.constant 24368 : i32
    %min3A_8 = arith.minsi %mul3A_7, %min3A : i32
    %multiple_of3A = tpu.assume_multiple %min3A_8, 16 : i32
    %jit3A = arith.constant 2 : i32
    %div3A = arith.divsi %multiple_of3A, %jit3A : i32
    %sign3A = arith.constant 0 : i32
    %sign3A_9 = arith.cmpi sgt, %multiple_of3A, %sign3A : i32
    %sign3A_10 = arith.extui %sign3A_9 : i1 to i32
    %sign3A_11 = arith.constant 0 : i32
    %sign3A_12 = arith.cmpi slt, %multiple_of3A, %sign3A_11 : i32
    %sign3A_13 = arith.extui %sign3A_12 : i1 to i32
    %sign3A_14 = arith.subi %sign3A_10, %sign3A_13 : i32
    %sign3A_15 = arith.constant 0 : i32
    %sign3A_16 = arith.cmpi sgt, %jit3A, %sign3A_15 : i32
    %sign3A_17 = arith.extui %sign3A_16 : i1 to i32
    %sign3A_18 = arith.constant 0 : i32
    %sign3A_19 = arith.cmpi slt, %jit3A, %sign3A_18 : i32
    %sign3A_20 = arith.extui %sign3A_19 : i1 to i32
    %sign3A_21 = arith.subi %sign3A_17, %sign3A_20 : i32
    %ne3A = arith.cmpi ne, %sign3A_14, %sign3A_21 : i32
    %rem3A = arith.remsi %multiple_of3A, %jit3A : i32
    %ne3A_22 = arith.constant 0 : i32
    %ne3A_23 = arith.cmpi ne, %rem3A, %ne3A_22 : i32
    %and3A = arith.andi %ne3A, %ne3A_23 : i1
    %sub3A = arith.constant 1 : i32
    %sub3A_24 = arith.subi %div3A, %sub3A : i32
    %select_n3A = arith.select %and3A, %sub3A_24, %div3A : i32
    %multiple_of3A_25 = tpu.assume_multiple %select_n3A, 8 : i32
    %dma_start3A_26 = tpu.memref_slice %arg3[%multiple_of3A] : memref<26000xf32, #tpu.memory_space<hbm>> -> memref<1632xf32, #tpu.memory_space<hbm>>
    %dma_start3A_27 = tpu.memref_slice %arg3[%multiple_of3A] : memref<26000xf32, #tpu.memory_space<hbm>> -> memref<1632xf32, #tpu.memory_space<hbm>>
    tpu.enqueue_dma source(%dma_start3A_27 : memref<1632xf32, #tpu.memory_space<hbm>>) target(%arg8 : memref<1632xf32, #tpu.memory_space<vmem>>) target_semaphore(%arg19 : memref<!tpu.dma_semaphore, #tpu.memory_space<semaphore_mem>>)
    %dma_wait3A = tpu.memref_slice %arg3[%multiple_of3A] : memref<26000xf32, #tpu.memory_space<hbm>> -> memref<1632xf32, #tpu.memory_space<hbm>>
    %dma_wait3A_28 = tpu.memref_slice %arg3[%multiple_of3A] : memref<26000xf32, #tpu.memory_space<hbm>> -> memref<1632xf32, #tpu.memory_space<hbm>>
    tpu.wait_dma2 semaphore(%arg19 : memref<!tpu.dma_semaphore, #tpu.memory_space<semaphore_mem>>) src(%dma_wait3A_28 : memref<1632xf32, #tpu.memory_space<hbm>>) dst(%arg8 : memref<1632xf32, #tpu.memory_space<vmem>>)
    "tpu.trace_stop"() : () -> ()
    "tpu.trace_start"() <{level = 10 : i32, message = "pack"}> : () -> ()
    %iota3A = tpu.iota {dimensions = array<i32: 0>} : vector<16xi32>
    %mul3A_29 = arith.constant 2 : i32
    %mul3A_30 = vector.broadcast %mul3A_29 : i32 to vector<16xi32>
    %mul3A_31 = arith.muli %iota3A, %mul3A_30 : vector<16xi32>
    %broadcast_in_dim3A = arith.constant -65536 : i32
    %broadcast_in_dim3A_32 = vector.broadcast %broadcast_in_dim3A : i32 to vector<16xi32>
    %parallel_loop3A = arith.constant 0 : i32
    %parallel_loop3A_33 = arith.constant 51 : i32
    %parallel_loop3A_34 = arith.constant 1 : i32
    scf.for %parallel_loop3A_129 = %parallel_loop3A to %parallel_loop3A_33 step %parallel_loop3A_34  : i32 {
      %parallel_loop3A_130 = arith.constant 32 : i32
      %parallel_loop3A_131 = arith.muli %parallel_loop3A_129, %parallel_loop3A_130 : i32
      %parallel_loop3A_132 = vector.broadcast %parallel_loop3A_131 : i32 to vector<16xi32>
      %parallel_loop3A_133 = arith.addi %mul3A_31, %parallel_loop3A_132 : vector<16xi32>
      %parallel_loop3A_134 = tpu.vector_load_idx %arg8[%parallel_loop3A_133] : memref<1632xf32, #tpu.memory_space<vmem>>[vector<16xi32>], vector<16xf32>,
      %parallel_loop3A_135 = arith.constant 1 : i32
      %parallel_loop3A_136 = arith.addi %parallel_loop3A_131, %parallel_loop3A_135 : i32
      %parallel_loop3A_137 = vector.broadcast %parallel_loop3A_136 : i32 to vector<16xi32>
      %parallel_loop3A_138 = arith.addi %mul3A_31, %parallel_loop3A_137 : vector<16xi32>
      %parallel_loop3A_139 = tpu.vector_load_idx %arg8[%parallel_loop3A_138] : memref<1632xf32, #tpu.memory_space<vmem>>[vector<16xi32>], vector<16xf32>,
      %parallel_loop3A_140 = vector.bitcast %parallel_loop3A_134 : vector<16xf32> to vector<16xi32>
      %parallel_loop3A_141 = arith.constant 32768 : i32
      %parallel_loop3A_142 = vector.broadcast %parallel_loop3A_141 : i32 to vector<16xi32>
      %parallel_loop3A_143 = arith.addi %parallel_loop3A_140, %parallel_loop3A_142 : vector<16xi32>
      %parallel_loop3A_144 = vector.bitcast %parallel_loop3A_139 : vector<16xf32> to vector<16xi32>
      %parallel_loop3A_145 = arith.constant 32768 : i32
      %parallel_loop3A_146 = vector.broadcast %parallel_loop3A_145 : i32 to vector<16xi32>
      %parallel_loop3A_147 = arith.addi %parallel_loop3A_144, %parallel_loop3A_146 : vector<16xi32>
      %parallel_loop3A_148 = arith.constant 16 : i32
      %parallel_loop3A_149 = vector.broadcast %parallel_loop3A_148 : i32 to vector<16xi32>
      %parallel_loop3A_150 = arith.shrsi %parallel_loop3A_143, %parallel_loop3A_149 : vector<16xi32>
      %parallel_loop3A_151 = arith.constant 65535 : i32
      %parallel_loop3A_152 = vector.broadcast %parallel_loop3A_151 : i32 to vector<16xi32>
      %parallel_loop3A_153 = arith.andi %parallel_loop3A_150, %parallel_loop3A_152 : vector<16xi32>
      %parallel_loop3A_154 = arith.andi %parallel_loop3A_147, %broadcast_in_dim3A_32 : vector<16xi32>
      %parallel_loop3A_155 = arith.ori %parallel_loop3A_153, %parallel_loop3A_154 : vector<16xi32>
      %parallel_loop3A_156 = arith.constant 16 : i32
      %parallel_loop3A_157 = arith.muli %parallel_loop3A_129, %parallel_loop3A_156 : i32
      %parallel_loop3A_158 = arith.addi %multiple_of3A_25, %parallel_loop3A_157 : i32
      %parallel_loop3A_159 = arith.index_cast %parallel_loop3A_158 : i32 to index
      %parallel_loop3A_160 = tpu.vector_load %arg7[%parallel_loop3A_159] {strides = array<i32>} : memref<13000xi32, #tpu.memory_space<vmem>>, vector<16xi32>,
      tpu.vector_store %arg7[%parallel_loop3A_159], %parallel_loop3A_155 {strides = array<i32>} : memref<13000xi32, #tpu.memory_space<vmem>>, vector<16xi32>,
    } {sc.loop_unroll_factor = 1 : i64, sc.parallel_access}
    "tpu.region"() ({
      %run_scoped3A = tpu.sem_alloc : memref<!tpu.dma_semaphore, #tpu.memory_space<semaphore_mem>>
      %dma_start3A_129 = tpu.memref_slice %arg7[%multiple_of3A_25] : memref<13000xi32, #tpu.memory_space<vmem>> -> memref<816xi32, #tpu.memory_space<vmem>>
      %dma_start3A_130 = tpu.memref_slice %arg12[%multiple_of3A_25] : memref<13000xi32, #tpu.memory_space<vmem_shared>> -> memref<816xi32, #tpu.memory_space<vmem_shared>>
      %dma_start3A_131 = tpu.memref_slice %arg12[%multiple_of3A_25] : memref<13000xi32, #tpu.memory_space<vmem_shared>> -> memref<816xi32, #tpu.memory_space<vmem_shared>>
      %dma_start3A_132 = tpu.memref_slice %arg7[%multiple_of3A_25] : memref<13000xi32, #tpu.memory_space<vmem>> -> memref<816xi32, #tpu.memory_space<vmem>>
      tpu.enqueue_dma source(%dma_start3A_132 : memref<816xi32, #tpu.memory_space<vmem>>) target(%dma_start3A_131 : memref<816xi32, #tpu.memory_space<vmem_shared>>) target_semaphore(%run_scoped3A : memref<!tpu.dma_semaphore, #tpu.memory_space<semaphore_mem>>)
      %dma_wait3A_133 = tpu.memref_slice %arg7[%multiple_of3A_25] : memref<13000xi32, #tpu.memory_space<vmem>> -> memref<816xi32, #tpu.memory_space<vmem>>
      %dma_wait3A_134 = tpu.memref_slice %arg12[%multiple_of3A_25] : memref<13000xi32, #tpu.memory_space<vmem_shared>> -> memref<816xi32, #tpu.memory_space<vmem_shared>>
      %dma_wait3A_135 = tpu.memref_slice %arg12[%multiple_of3A_25] : memref<13000xi32, #tpu.memory_space<vmem_shared>> -> memref<816xi32, #tpu.memory_space<vmem_shared>>
      %dma_wait3A_136 = tpu.memref_slice %arg7[%multiple_of3A_25] : memref<13000xi32, #tpu.memory_space<vmem>> -> memref<816xi32, #tpu.memory_space<vmem>>
      tpu.wait_dma2 semaphore(%run_scoped3A : memref<!tpu.dma_semaphore, #tpu.memory_space<semaphore_mem>>) src(%dma_wait3A_136 : memref<816xi32, #tpu.memory_space<vmem>>) dst(%dma_wait3A_135 : memref<816xi32, #tpu.memory_space<vmem_shared>>)
      tpu.yield
    }) : () -> ()
    "tpu.trace_stop"() : () -> ()
    "tpu.trace_start"() <{level = 10 : i32, message = "barrier"}> : () -> ()
    %barrier3A = arith.constant 0 : index
    tpu.barrier barrier_id(%barrier3A)
    "tpu.trace_stop"() : () -> ()
    "tpu.trace_start"() <{level = 10 : i32, message = "fanout"}> : () -> ()
    %dma_start3A_35 = arith.constant 0 : i32
    %dma_start3A_36 = tpu.memref_slice %arg7[%dma_start3A_35] : memref<13000xi32, #tpu.memory_space<vmem>> -> memref<3000xi32, #tpu.memory_space<vmem>>
    %dma_start3A_37 = arith.constant 0 : i32
    %dma_start3A_38 = tpu.memref_slice %arg12[%dma_start3A_37] : memref<13000xi32, #tpu.memory_space<vmem_shared>> -> memref<3000xi32, #tpu.memory_space<vmem_shared>>
    %dma_start3A_39 = arith.constant 0 : i32
    %dma_start3A_40 = tpu.memref_slice %arg7[%dma_start3A_39] : memref<13000xi32, #tpu.memory_space<vmem>> -> memref<3000xi32, #tpu.memory_space<vmem>>
    %dma_start3A_41 = arith.constant 0 : i32
    %dma_start3A_42 = tpu.memref_slice %arg12[%dma_start3A_41] : memref<13000xi32, #tpu.memory_space<vmem_shared>> -> memref<3000xi32, #tpu.memory_space<vmem_shared>>
    tpu.enqueue_dma source(%dma_start3A_42 : memref<3000xi32, #tpu.memory_space<vmem_shared>>) target(%dma_start3A_40 : memref<3000xi32, #tpu.memory_space<vmem>>) target_semaphore(%arg13 : memref<!tpu.dma_semaphore, #tpu.memory_space<semaphore_mem>>)
    %dma_start3A_43 = arith.constant 3000 : i32
    %dma_start3A_44 = tpu.memref_slice %arg7[%dma_start3A_43] : memref<13000xi32, #tpu.memory_space<vmem>> -> memref<4000xi32, #tpu.memory_space<vmem>>
    %dma_start3A_45 = arith.constant 3000 : i32
    %dma_start3A_46 = tpu.memref_slice %arg12[%dma_start3A_45] : memref<13000xi32, #tpu.memory_space<vmem_shared>> -> memref<4000xi32, #tpu.memory_space<vmem_shared>>
    %dma_start3A_47 = arith.constant 3000 : i32
    %dma_start3A_48 = tpu.memref_slice %arg7[%dma_start3A_47] : memref<13000xi32, #tpu.memory_space<vmem>> -> memref<4000xi32, #tpu.memory_space<vmem>>
    %dma_start3A_49 = arith.constant 3000 : i32
    %dma_start3A_50 = tpu.memref_slice %arg12[%dma_start3A_49] : memref<13000xi32, #tpu.memory_space<vmem_shared>> -> memref<4000xi32, #tpu.memory_space<vmem_shared>>
    tpu.enqueue_dma source(%dma_start3A_50 : memref<4000xi32, #tpu.memory_space<vmem_shared>>) target(%dma_start3A_48 : memref<4000xi32, #tpu.memory_space<vmem>>) target_semaphore(%arg14 : memref<!tpu.dma_semaphore, #tpu.memory_space<semaphore_mem>>)
    %dma_start3A_51 = arith.constant 7000 : i32
    %dma_start3A_52 = tpu.memref_slice %arg7[%dma_start3A_51] : memref<13000xi32, #tpu.memory_space<vmem>> -> memref<3000xi32, #tpu.memory_space<vmem>>
    %dma_start3A_53 = arith.constant 7000 : i32
    %dma_start3A_54 = tpu.memref_slice %arg12[%dma_start3A_53] : memref<13000xi32, #tpu.memory_space<vmem_shared>> -> memref<3000xi32, #tpu.memory_space<vmem_shared>>
    %dma_start3A_55 = arith.constant 7000 : i32
    %dma_start3A_56 = tpu.memref_slice %arg7[%dma_start3A_55] : memref<13000xi32, #tpu.memory_space<vmem>> -> memref<3000xi32, #tpu.memory_space<vmem>>
    %dma_start3A_57 = arith.constant 7000 : i32
    %dma_start3A_58 = tpu.memref_slice %arg12[%dma_start3A_57] : memref<13000xi32, #tpu.memory_space<vmem_shared>> -> memref<3000xi32, #tpu.memory_space<vmem_shared>>
    tpu.enqueue_dma source(%dma_start3A_58 : memref<3000xi32, #tpu.memory_space<vmem_shared>>) target(%dma_start3A_56 : memref<3000xi32, #tpu.memory_space<vmem>>) target_semaphore(%arg15 : memref<!tpu.dma_semaphore, #tpu.memory_space<semaphore_mem>>)
    %dma_start3A_59 = arith.constant 10000 : i32
    %dma_start3A_60 = tpu.memref_slice %arg7[%dma_start3A_59] : memref<13000xi32, #tpu.memory_space<vmem>> -> memref<3000xi32, #tpu.memory_space<vmem>>
    %dma_start3A_61 = arith.constant 10000 : i32
    %dma_start3A_62 = tpu.memref_slice %arg12[%dma_start3A_61] : memref<13000xi32, #tpu.memory_space<vmem_shared>> -> memref<3000xi32, #tpu.memory_space<vmem_shared>>
    %dma_start3A_63 = arith.constant 10000 : i32
    %dma_start3A_64 = tpu.memref_slice %arg7[%dma_start3A_63] : memref<13000xi32, #tpu.memory_space<vmem>> -> memref<3000xi32, #tpu.memory_space<vmem>>
    %dma_start3A_65 = arith.constant 10000 : i32
    %dma_start3A_66 = tpu.memref_slice %arg12[%dma_start3A_65] : memref<13000xi32, #tpu.memory_space<vmem_shared>> -> memref<3000xi32, #tpu.memory_space<vmem_shared>>
    tpu.enqueue_dma source(%dma_start3A_66 : memref<3000xi32, #tpu.memory_space<vmem_shared>>) target(%dma_start3A_64 : memref<3000xi32, #tpu.memory_space<vmem>>) target_semaphore(%arg16 : memref<!tpu.dma_semaphore, #tpu.memory_space<semaphore_mem>>)
    "tpu.trace_stop"() : () -> ()
    "tpu.trace_start"() <{level = 10 : i32, message = "wait_x"}> : () -> ()
    %dma_wait3A_67 = arith.constant 0 : i32
    %dma_wait3A_68 = tpu.memref_slice %arg2[%add3A, %dma_wait3A_67] : memref<32x3328xi32, #tpu.memory_space<hbm>> -> memref<1x3328xi32, #tpu.memory_space<hbm>>
    %dma_wait3A_69 = tpu.memref_squeeze %dma_wait3A_68 : memref<1x3328xi32, #tpu.memory_space<hbm>> -> memref<3328xi32, #tpu.memory_space<hbm>>
    %dma_wait3A_70 = arith.constant 0 : i32
    %dma_wait3A_71 = tpu.memref_slice %arg2[%add3A, %dma_wait3A_70] : memref<32x3328xi32, #tpu.memory_space<hbm>> -> memref<1x3328xi32, #tpu.memory_space<hbm>>
    %dma_wait3A_72 = tpu.memref_squeeze %dma_wait3A_71 : memref<1x3328xi32, #tpu.memory_space<hbm>> -> memref<3328xi32, #tpu.memory_space<hbm>>
    tpu.wait_dma2 semaphore(%arg17 : memref<!tpu.dma_semaphore, #tpu.memory_space<semaphore_mem>>) src(%dma_wait3A_72 : memref<3328xi32, #tpu.memory_space<hbm>>) dst(%arg6 : memref<3328xi32, #tpu.memory_space<vmem>>)
    "tpu.trace_stop"() : () -> ()
    %iota3A_73 = tpu.iota {dimensions = array<i32: 0>} : vector<16xi32>
    %mul3A_74 = arith.constant 26 : i32
    %mul3A_75 = vector.broadcast %mul3A_74 : i32 to vector<16xi32>
    %mul3A_76 = arith.muli %iota3A_73, %mul3A_75 : vector<16xi32>
    %parallel_loop3A_77 = arith.constant 0 : i32
    %parallel_loop3A_78 = arith.constant 8 : i32
    %parallel_loop3A_79 = arith.constant 1 : i32
    "tpu.trace_start"() <{level = 10 : i32, message = "pass1_idx"}> : () -> ()
    scf.for %parallel_loop3A_129 = %parallel_loop3A_77 to %parallel_loop3A_78 step %parallel_loop3A_79  : i32 {
      %parallel_loop3A_130 = arith.constant 416 : i32
      %parallel_loop3A_131 = arith.muli %parallel_loop3A_129, %parallel_loop3A_130 : i32
      %parallel_loop3A_132 = arith.constant 0 : i32
      %parallel_loop3A_133 = arith.addi %parallel_loop3A_131, %parallel_loop3A_132 : i32
      %parallel_loop3A_134 = vector.broadcast %parallel_loop3A_133 : i32 to vector<16xi32>
      %parallel_loop3A_135 = arith.addi %mul3A_76, %parallel_loop3A_134 : vector<16xi32>
      %parallel_loop3A_136 = tpu.vector_load_idx %arg6[%parallel_loop3A_135] : memref<3328xi32, #tpu.memory_space<vmem>>[vector<16xi32>], vector<16xi32>,
      %parallel_loop3A_137 = arith.constant 0 : i32
      %parallel_loop3A_138 = vector.broadcast %parallel_loop3A_137 : i32 to vector<16xi32>
      %parallel_loop3A_139 = arith.addi %parallel_loop3A_136, %parallel_loop3A_138 : vector<16xi32>
      %parallel_loop3A_140 = arith.constant 0 : i32
      %parallel_loop3A_141 = arith.addi %parallel_loop3A_140, %parallel_loop3A_129 : i32
      %parallel_loop3A_142 = arith.constant 16 : i32
      %parallel_loop3A_143 = arith.muli %parallel_loop3A_141, %parallel_loop3A_142 : i32
      %parallel_loop3A_144 = arith.index_cast %parallel_loop3A_143 : i32 to index
      %parallel_loop3A_145 = tpu.vector_load %arg11[%parallel_loop3A_144] {strides = array<i32>} : memref<3328xi32, #tpu.memory_space<vmem>>, vector<16xi32>,
      tpu.vector_store %arg11[%parallel_loop3A_144], %parallel_loop3A_139 {strides = array<i32>} : memref<3328xi32, #tpu.memory_space<vmem>>, vector<16xi32>,
      %parallel_loop3A_146 = arith.constant 1 : i32
      %parallel_loop3A_147 = arith.addi %parallel_loop3A_131, %parallel_loop3A_146 : i32
      %parallel_loop3A_148 = vector.broadcast %parallel_loop3A_147 : i32 to vector<16xi32>
      %parallel_loop3A_149 = arith.addi %mul3A_76, %parallel_loop3A_148 : vector<16xi32>
      %parallel_loop3A_150 = tpu.vector_load_idx %arg6[%parallel_loop3A_149] : memref<3328xi32, #tpu.memory_space<vmem>>[vector<16xi32>], vector<16xi32>,
      %parallel_loop3A_151 = arith.constant 1000 : i32
      %parallel_loop3A_152 = vector.broadcast %parallel_loop3A_151 : i32 to vector<16xi32>
      %parallel_loop3A_153 = arith.addi %parallel_loop3A_150, %parallel_loop3A_152 : vector<16xi32>
      %parallel_loop3A_154 = arith.constant 8 : i32
      %parallel_loop3A_155 = arith.addi %parallel_loop3A_154, %parallel_loop3A_129 : i32
      %parallel_loop3A_156 = arith.constant 16 : i32
      %parallel_loop3A_157 = arith.muli %parallel_loop3A_155, %parallel_loop3A_156 : i32
      %parallel_loop3A_158 = arith.index_cast %parallel_loop3A_157 : i32 to index
      %parallel_loop3A_159 = tpu.vector_load %arg11[%parallel_loop3A_158] {strides = array<i32>} : memref<3328xi32, #tpu.memory_space<vmem>>, vector<16xi32>,
      tpu.vector_store %arg11[%parallel_loop3A_158], %parallel_loop3A_153 {strides = array<i32>} : memref<3328xi32, #tpu.memory_space<vmem>>, vector<16xi32>,
      %parallel_loop3A_160 = arith.constant 2 : i32
      %parallel_loop3A_161 = arith.addi %parallel_loop3A_131, %parallel_loop3A_160 : i32
      %parallel_loop3A_162 = vector.broadcast %parallel_loop3A_161 : i32 to vector<16xi32>
      %parallel_loop3A_163 = arith.addi %mul3A_76, %parallel_loop3A_162 : vector<16xi32>
      %parallel_loop3A_164 = tpu.vector_load_idx %arg6[%parallel_loop3A_163] : memref<3328xi32, #tpu.memory_space<vmem>>[vector<16xi32>], vector<16xi32>,
      %parallel_loop3A_165 = arith.constant 2000 : i32
      %parallel_loop3A_166 = vector.broadcast %parallel_loop3A_165 : i32 to vector<16xi32>
      %parallel_loop3A_167 = arith.addi %parallel_loop3A_164, %parallel_loop3A_166 : vector<16xi32>
      %parallel_loop3A_168 = arith.constant 16 : i32
      %parallel_loop3A_169 = arith.addi %parallel_loop3A_168, %parallel_loop3A_129 : i32
      %parallel_loop3A_170 = arith.constant 16 : i32
      %parallel_loop3A_171 = arith.muli %parallel_loop3A_169, %parallel_loop3A_170 : i32
      %parallel_loop3A_172 = arith.index_cast %parallel_loop3A_171 : i32 to index
      %parallel_loop3A_173 = tpu.vector_load %arg11[%parallel_loop3A_172] {strides = array<i32>} : memref<3328xi32, #tpu.memory_space<vmem>>, vector<16xi32>,
      tpu.vector_store %arg11[%parallel_loop3A_172], %parallel_loop3A_167 {strides = array<i32>} : memref<3328xi32, #tpu.memory_space<vmem>>, vector<16xi32>,
      %parallel_loop3A_174 = arith.constant 3 : i32
      %parallel_loop3A_175 = arith.addi %parallel_loop3A_131, %parallel_loop3A_174 : i32
      %parallel_loop3A_176 = vector.broadcast %parallel_loop3A_175 : i32 to vector<16xi32>
      %parallel_loop3A_177 = arith.addi %mul3A_76, %parallel_loop3A_176 : vector<16xi32>
      %parallel_loop3A_178 = tpu.vector_load_idx %arg6[%parallel_loop3A_177] : memref<3328xi32, #tpu.memory_space<vmem>>[vector<16xi32>], vector<16xi32>,
      %parallel_loop3A_179 = arith.constant 3000 : i32
      %parallel_loop3A_180 = vector.broadcast %parallel_loop3A_179 : i32 to vector<16xi32>
      %parallel_loop3A_181 = arith.addi %parallel_loop3A_178, %parallel_loop3A_180 : vector<16xi32>
      %parallel_loop3A_182 = arith.constant 24 : i32
      %parallel_loop3A_183 = arith.addi %parallel_loop3A_182, %parallel_loop3A_129 : i32
      %parallel_loop3A_184 = arith.constant 16 : i32
      %parallel_loop3A_185 = arith.muli %parallel_loop3A_183, %parallel_loop3A_184 : i32
      %parallel_loop3A_186 = arith.index_cast %parallel_loop3A_185 : i32 to index
      %parallel_loop3A_187 = tpu.vector_load %arg11[%parallel_loop3A_186] {strides = array<i32>} : memref<3328xi32, #tpu.memory_space<vmem>>, vector<16xi32>,
      tpu.vector_store %arg11[%parallel_loop3A_186], %parallel_loop3A_181 {strides = array<i32>} : memref<3328xi32, #tpu.memory_space<vmem>>, vector<16xi32>,
      %parallel_loop3A_188 = arith.constant 4 : i32
      %parallel_loop3A_189 = arith.addi %parallel_loop3A_131, %parallel_loop3A_188 : i32
      %parallel_loop3A_190 = vector.broadcast %parallel_loop3A_189 : i32 to vector<16xi32>
      %parallel_loop3A_191 = arith.addi %mul3A_76, %parallel_loop3A_190 : vector<16xi32>
      %parallel_loop3A_192 = tpu.vector_load_idx %arg6[%parallel_loop3A_191] : memref<3328xi32, #tpu.memory_space<vmem>>[vector<16xi32>], vector<16xi32>,
      %parallel_loop3A_193 = arith.constant 4000 : i32
      %parallel_loop3A_194 = vector.broadcast %parallel_loop3A_193 : i32 to vector<16xi32>
      %parallel_loop3A_195 = arith.addi %parallel_loop3A_192, %parallel_loop3A_194 : vector<16xi32>
      %parallel_loop3A_196 = arith.constant 32 : i32
      %parallel_loop3A_197 = arith.addi %parallel_loop3A_196, %parallel_loop3A_129 : i32
      %parallel_loop3A_198 = arith.constant 16 : i32
      %parallel_loop3A_199 = arith.muli %parallel_loop3A_197, %parallel_loop3A_198 : i32
      %parallel_loop3A_200 = arith.index_cast %parallel_loop3A_199 : i32 to index
      %parallel_loop3A_201 = tpu.vector_load %arg11[%parallel_loop3A_200] {strides = array<i32>} : memref<3328xi32, #tpu.memory_space<vmem>>, vector<16xi32>,
      tpu.vector_store %arg11[%parallel_loop3A_200], %parallel_loop3A_195 {strides = array<i32>} : memref<3328xi32, #tpu.memory_space<vmem>>, vector<16xi32>,
      %parallel_loop3A_202 = arith.constant 5 : i32
      %parallel_loop3A_203 = arith.addi %parallel_loop3A_131, %parallel_loop3A_202 : i32
      %parallel_loop3A_204 = vector.broadcast %parallel_loop3A_203 : i32 to vector<16xi32>
      %parallel_loop3A_205 = arith.addi %mul3A_76, %parallel_loop3A_204 : vector<16xi32>
      %parallel_loop3A_206 = tpu.vector_load_idx %arg6[%parallel_loop3A_205] : memref<3328xi32, #tpu.memory_space<vmem>>[vector<16xi32>], vector<16xi32>,
      %parallel_loop3A_207 = arith.constant 5000 : i32
      %parallel_loop3A_208 = vector.broadcast %parallel_loop3A_207 : i32 to vector<16xi32>
      %parallel_loop3A_209 = arith.addi %parallel_loop3A_206, %parallel_loop3A_208 : vector<16xi32>
      %parallel_loop3A_210 = arith.constant 40 : i32
      %parallel_loop3A_211 = arith.addi %parallel_loop3A_210, %parallel_loop3A_129 : i32
      %parallel_loop3A_212 = arith.constant 16 : i32
      %parallel_loop3A_213 = arith.muli %parallel_loop3A_211, %parallel_loop3A_212 : i32
      %parallel_loop3A_214 = arith.index_cast %parallel_loop3A_213 : i32 to index
      %parallel_loop3A_215 = tpu.vector_load %arg11[%parallel_loop3A_214] {strides = array<i32>} : memref<3328xi32, #tpu.memory_space<vmem>>, vector<16xi32>,
      tpu.vector_store %arg11[%parallel_loop3A_214], %parallel_loop3A_209 {strides = array<i32>} : memref<3328xi32, #tpu.memory_space<vmem>>, vector<16xi32>,
      %parallel_loop3A_216 = arith.constant 6 : i32
      %parallel_loop3A_217 = arith.addi %parallel_loop3A_131, %parallel_loop3A_216 : i32
      %parallel_loop3A_218 = vector.broadcast %parallel_loop3A_217 : i32 to vector<16xi32>
      %parallel_loop3A_219 = arith.addi %mul3A_76, %parallel_loop3A_218 : vector<16xi32>
      %parallel_loop3A_220 = tpu.vector_load_idx %arg6[%parallel_loop3A_219] : memref<3328xi32, #tpu.memory_space<vmem>>[vector<16xi32>], vector<16xi32>,
      %parallel_loop3A_221 = arith.constant 6000 : i32
      %parallel_loop3A_222 = vector.broadcast %parallel_loop3A_221 : i32 to vector<16xi32>
      %parallel_loop3A_223 = arith.addi %parallel_loop3A_220, %parallel_loop3A_222 : vector<16xi32>
      %parallel_loop3A_224 = arith.constant 48 : i32
      %parallel_loop3A_225 = arith.addi %parallel_loop3A_224, %parallel_loop3A_129 : i32
      %parallel_loop3A_226 = arith.constant 16 : i32
      %parallel_loop3A_227 = arith.muli %parallel_loop3A_225, %parallel_loop3A_226 : i32
      %parallel_loop3A_228 = arith.index_cast %parallel_loop3A_227 : i32 to index
      %parallel_loop3A_229 = tpu.vector_load %arg11[%parallel_loop3A_228] {strides = array<i32>} : memref<3328xi32, #tpu.memory_space<vmem>>, vector<16xi32>,
      tpu.vector_store %arg11[%parallel_loop3A_228], %parallel_loop3A_223 {strides = array<i32>} : memref<3328xi32, #tpu.memory_space<vmem>>, vector<16xi32>,
      %parallel_loop3A_230 = arith.constant 7 : i32
      %parallel_loop3A_231 = arith.addi %parallel_loop3A_131, %parallel_loop3A_230 : i32
      %parallel_loop3A_232 = vector.broadcast %parallel_loop3A_231 : i32 to vector<16xi32>
      %parallel_loop3A_233 = arith.addi %mul3A_76, %parallel_loop3A_232 : vector<16xi32>
      %parallel_loop3A_234 = tpu.vector_load_idx %arg6[%parallel_loop3A_233] : memref<3328xi32, #tpu.memory_space<vmem>>[vector<16xi32>], vector<16xi32>,
      %parallel_loop3A_235 = arith.constant 7000 : i32
      %parallel_loop3A_236 = vector.broadcast %parallel_loop3A_235 : i32 to vector<16xi32>
      %parallel_loop3A_237 = arith.addi %parallel_loop3A_234, %parallel_loop3A_236 : vector<16xi32>
      %parallel_loop3A_238 = arith.constant 56 : i32
      %parallel_loop3A_239 = arith.addi %parallel_loop3A_238, %parallel_loop3A_129 : i32
      %parallel_loop3A_240 = arith.constant 16 : i32
      %parallel_loop3A_241 = arith.muli %parallel_loop3A_239, %parallel_loop3A_240 : i32
      %parallel_loop3A_242 = arith.index_cast %parallel_loop3A_241 : i32 to index
      %parallel_loop3A_243 = tpu.vector_load %arg11[%parallel_loop3A_242] {strides = array<i32>} : memref<3328xi32, #tpu.memory_space<vmem>>, vector<16xi32>,
      tpu.vector_store %arg11[%parallel_loop3A_242], %parallel_loop3A_237 {strides = array<i32>} : memref<3328xi32, #tpu.memory_space<vmem>>, vector<16xi32>,
      %parallel_loop3A_244 = arith.constant 8 : i32
      %parallel_loop3A_245 = arith.addi %parallel_loop3A_131, %parallel_loop3A_244 : i32
      %parallel_loop3A_246 = vector.broadcast %parallel_loop3A_245 : i32 to vector<16xi32>
      %parallel_loop3A_247 = arith.addi %mul3A_76, %parallel_loop3A_246 : vector<16xi32>
      %parallel_loop3A_248 = tpu.vector_load_idx %arg6[%parallel_loop3A_247] : memref<3328xi32, #tpu.memory_space<vmem>>[vector<16xi32>], vector<16xi32>,
      %parallel_loop3A_249 = arith.constant 8000 : i32
      %parallel_loop3A_250 = vector.broadcast %parallel_loop3A_249 : i32 to vector<16xi32>
      %parallel_loop3A_251 = arith.addi %parallel_loop3A_248, %parallel_loop3A_250 : vector<16xi32>
      %parallel_loop3A_252 = arith.constant 64 : i32
      %parallel_loop3A_253 = arith.addi %parallel_loop3A_252, %parallel_loop3A_129 : i32
      %parallel_loop3A_254 = arith.constant 16 : i32
      %parallel_loop3A_255 = arith.muli %parallel_loop3A_253, %parallel_loop3A_254 : i32
      %parallel_loop3A_256 = arith.index_cast %parallel_loop3A_255 : i32 to index
      %parallel_loop3A_257 = tpu.vector_load %arg11[%parallel_loop3A_256] {strides = array<i32>} : memref<3328xi32, #tpu.memory_space<vmem>>, vector<16xi32>,
      tpu.vector_store %arg11[%parallel_loop3A_256], %parallel_loop3A_251 {strides = array<i32>} : memref<3328xi32, #tpu.memory_space<vmem>>, vector<16xi32>,
      %parallel_loop3A_258 = arith.constant 9 : i32
      %parallel_loop3A_259 = arith.addi %parallel_loop3A_131, %parallel_loop3A_258 : i32
      %parallel_loop3A_260 = vector.broadcast %parallel_loop3A_259 : i32 to vector<16xi32>
      %parallel_loop3A_261 = arith.addi %mul3A_76, %parallel_loop3A_260 : vector<16xi32>
      %parallel_loop3A_262 = tpu.vector_load_idx %arg6[%parallel_loop3A_261] : memref<3328xi32, #tpu.memory_space<vmem>>[vector<16xi32>], vector<16xi32>,
      %parallel_loop3A_263 = arith.constant 9000 : i32
      %parallel_loop3A_264 = vector.broadcast %parallel_loop3A_263 : i32 to vector<16xi32>
      %parallel_loop3A_265 = arith.addi %parallel_loop3A_262, %parallel_loop3A_264 : vector<16xi32>
      %parallel_loop3A_266 = arith.constant 72 : i32
      %parallel_loop3A_267 = arith.addi %parallel_loop3A_266, %parallel_loop3A_129 : i32
      %parallel_loop3A_268 = arith.constant 16 : i32
      %parallel_loop3A_269 = arith.muli %parallel_loop3A_267, %parallel_loop3A_268 : i32
      %parallel_loop3A_270 = arith.index_cast %parallel_loop3A_269 : i32 to index
      %parallel_loop3A_271 = tpu.vector_load %arg11[%parallel_loop3A_270] {strides = array<i32>} : memref<3328xi32, #tpu.memory_space<vmem>>, vector<16xi32>,
      tpu.vector_store %arg11[%parallel_loop3A_270], %parallel_loop3A_265 {strides = array<i32>} : memref<3328xi32, #tpu.memory_space<vmem>>, vector<16xi32>,
      %parallel_loop3A_272 = arith.constant 10 : i32
      %parallel_loop3A_273 = arith.addi %parallel_loop3A_131, %parallel_loop3A_272 : i32
      %parallel_loop3A_274 = vector.broadcast %parallel_loop3A_273 : i32 to vector<16xi32>
      %parallel_loop3A_275 = arith.addi %mul3A_76, %parallel_loop3A_274 : vector<16xi32>
      %parallel_loop3A_276 = tpu.vector_load_idx %arg6[%parallel_loop3A_275] : memref<3328xi32, #tpu.memory_space<vmem>>[vector<16xi32>], vector<16xi32>,
      %parallel_loop3A_277 = arith.constant 10000 : i32
      %parallel_loop3A_278 = vector.broadcast %parallel_loop3A_277 : i32 to vector<16xi32>
      %parallel_loop3A_279 = arith.addi %parallel_loop3A_276, %parallel_loop3A_278 : vector<16xi32>
      %parallel_loop3A_280 = arith.constant 80 : i32
      %parallel_loop3A_281 = arith.addi %parallel_loop3A_280, %parallel_loop3A_129 : i32
      %parallel_loop3A_282 = arith.constant 16 : i32
      %parallel_loop3A_283 = arith.muli %parallel_loop3A_281, %parallel_loop3A_282 : i32
      %parallel_loop3A_284 = arith.index_cast %parallel_loop3A_283 : i32 to index
      %parallel_loop3A_285 = tpu.vector_load %arg11[%parallel_loop3A_284] {strides = array<i32>} : memref<3328xi32, #tpu.memory_space<vmem>>, vector<16xi32>,
      tpu.vector_store %arg11[%parallel_loop3A_284], %parallel_loop3A_279 {strides = array<i32>} : memref<3328xi32, #tpu.memory_space<vmem>>, vector<16xi32>,
      %parallel_loop3A_286 = arith.constant 11 : i32
      %parallel_loop3A_287 = arith.addi %parallel_loop3A_131, %parallel_loop3A_286 : i32
      %parallel_loop3A_288 = vector.broadcast %parallel_loop3A_287 : i32 to vector<16xi32>
      %parallel_loop3A_289 = arith.addi %mul3A_76, %parallel_loop3A_288 : vector<16xi32>
      %parallel_loop3A_290 = tpu.vector_load_idx %arg6[%parallel_loop3A_289] : memref<3328xi32, #tpu.memory_space<vmem>>[vector<16xi32>], vector<16xi32>,
      %parallel_loop3A_291 = arith.constant 11000 : i32
      %parallel_loop3A_292 = vector.broadcast %parallel_loop3A_291 : i32 to vector<16xi32>
      %parallel_loop3A_293 = arith.addi %parallel_loop3A_290, %parallel_loop3A_292 : vector<16xi32>
      %parallel_loop3A_294 = arith.constant 88 : i32
      %parallel_loop3A_295 = arith.addi %parallel_loop3A_294, %parallel_loop3A_129 : i32
      %parallel_loop3A_296 = arith.constant 16 : i32
      %parallel_loop3A_297 = arith.muli %parallel_loop3A_295, %parallel_loop3A_296 : i32
      %parallel_loop3A_298 = arith.index_cast %parallel_loop3A_297 : i32 to index
      %parallel_loop3A_299 = tpu.vector_load %arg11[%parallel_loop3A_298] {strides = array<i32>} : memref<3328xi32, #tpu.memory_space<vmem>>, vector<16xi32>,
      tpu.vector_store %arg11[%parallel_loop3A_298], %parallel_loop3A_293 {strides = array<i32>} : memref<3328xi32, #tpu.memory_space<vmem>>, vector<16xi32>,
      %parallel_loop3A_300 = arith.constant 12 : i32
      %parallel_loop3A_301 = arith.addi %parallel_loop3A_131, %parallel_loop3A_300 : i32
      %parallel_loop3A_302 = vector.broadcast %parallel_loop3A_301 : i32 to vector<16xi32>
      %parallel_loop3A_303 = arith.addi %mul3A_76, %parallel_loop3A_302 : vector<16xi32>
      %parallel_loop3A_304 = tpu.vector_load_idx %arg6[%parallel_loop3A_303] : memref<3328xi32, #tpu.memory_space<vmem>>[vector<16xi32>], vector<16xi32>,
      %parallel_loop3A_305 = arith.constant 12000 : i32
      %parallel_loop3A_306 = vector.broadcast %parallel_loop3A_305 : i32 to vector<16xi32>
      %parallel_loop3A_307 = arith.addi %parallel_loop3A_304, %parallel_loop3A_306 : vector<16xi32>
      %parallel_loop3A_308 = arith.constant 96 : i32
      %parallel_loop3A_309 = arith.addi %parallel_loop3A_308, %parallel_loop3A_129 : i32
      %parallel_loop3A_310 = arith.constant 16 : i32
      %parallel_loop3A_311 = arith.muli %parallel_loop3A_309, %parallel_loop3A_310 : i32
      %parallel_loop3A_312 = arith.index_cast %parallel_loop3A_311 : i32 to index
      %parallel_loop3A_313 = tpu.vector_load %arg11[%parallel_loop3A_312] {strides = array<i32>} : memref<3328xi32, #tpu.memory_space<vmem>>, vector<16xi32>,
      tpu.vector_store %arg11[%parallel_loop3A_312], %parallel_loop3A_307 {strides = array<i32>} : memref<3328xi32, #tpu.memory_space<vmem>>, vector<16xi32>,
      %parallel_loop3A_314 = arith.constant 13 : i32
      %parallel_loop3A_315 = arith.addi %parallel_loop3A_131, %parallel_loop3A_314 : i32
      %parallel_loop3A_316 = vector.broadcast %parallel_loop3A_315 : i32 to vector<16xi32>
      %parallel_loop3A_317 = arith.addi %mul3A_76, %parallel_loop3A_316 : vector<16xi32>
      %parallel_loop3A_318 = tpu.vector_load_idx %arg6[%parallel_loop3A_317] : memref<3328xi32, #tpu.memory_space<vmem>>[vector<16xi32>], vector<16xi32>,
      %parallel_loop3A_319 = arith.constant 13000 : i32
      %parallel_loop3A_320 = vector.broadcast %parallel_loop3A_319 : i32 to vector<16xi32>
      %parallel_loop3A_321 = arith.addi %parallel_loop3A_318, %parallel_loop3A_320 : vector<16xi32>
      %parallel_loop3A_322 = arith.constant 104 : i32
      %parallel_loop3A_323 = arith.addi %parallel_loop3A_322, %parallel_loop3A_129 : i32
      %parallel_loop3A_324 = arith.constant 16 : i32
      %parallel_loop3A_325 = arith.muli %parallel_loop3A_323, %parallel_loop3A_324 : i32
      %parallel_loop3A_326 = arith.index_cast %parallel_loop3A_325 : i32 to index
      %parallel_loop3A_327 = tpu.vector_load %arg11[%parallel_loop3A_326] {strides = array<i32>} : memref<3328xi32, #tpu.memory_space<vmem>>, vector<16xi32>,
      tpu.vector_store %arg11[%parallel_loop3A_326], %parallel_loop3A_321 {strides = array<i32>} : memref<3328xi32, #tpu.memory_space<vmem>>, vector<16xi32>,
      %parallel_loop3A_328 = arith.constant 14 : i32
      %parallel_loop3A_329 = arith.addi %parallel_loop3A_131, %parallel_loop3A_328 : i32
      %parallel_loop3A_330 = vector.broadcast %parallel_loop3A_329 : i32 to vector<16xi32>
      %parallel_loop3A_331 = arith.addi %mul3A_76, %parallel_loop3A_330 : vector<16xi32>
      %parallel_loop3A_332 = tpu.vector_load_idx %arg6[%parallel_loop3A_331] : memref<3328xi32, #tpu.memory_space<vmem>>[vector<16xi32>], vector<16xi32>,
      %parallel_loop3A_333 = arith.constant 14000 : i32
      %parallel_loop3A_334 = vector.broadcast %parallel_loop3A_333 : i32 to vector<16xi32>
      %parallel_loop3A_335 = arith.addi %parallel_loop3A_332, %parallel_loop3A_334 : vector<16xi32>
      %parallel_loop3A_336 = arith.constant 112 : i32
      %parallel_loop3A_337 = arith.addi %parallel_loop3A_336, %parallel_loop3A_129 : i32
      %parallel_loop3A_338 = arith.constant 16 : i32
      %parallel_loop3A_339 = arith.muli %parallel_loop3A_337, %parallel_loop3A_338 : i32
      %parallel_loop3A_340 = arith.index_cast %parallel_loop3A_339 : i32 to index
      %parallel_loop3A_341 = tpu.vector_load %arg11[%parallel_loop3A_340] {strides = array<i32>} : memref<3328xi32, #tpu.memory_space<vmem>>, vector<16xi32>,
      tpu.vector_store %arg11[%parallel_loop3A_340], %parallel_loop3A_335 {strides = array<i32>} : memref<3328xi32, #tpu.memory_space<vmem>>, vector<16xi32>,
      %parallel_loop3A_342 = arith.constant 15 : i32
      %parallel_loop3A_343 = arith.addi %parallel_loop3A_131, %parallel_loop3A_342 : i32
      %parallel_loop3A_344 = vector.broadcast %parallel_loop3A_343 : i32 to vector<16xi32>
      %parallel_loop3A_345 = arith.addi %mul3A_76, %parallel_loop3A_344 : vector<16xi32>
      %parallel_loop3A_346 = tpu.vector_load_idx %arg6[%parallel_loop3A_345] : memref<3328xi32, #tpu.memory_space<vmem>>[vector<16xi32>], vector<16xi32>,
      %parallel_loop3A_347 = arith.constant 15000 : i32
      %parallel_loop3A_348 = vector.broadcast %parallel_loop3A_347 : i32 to vector<16xi32>
      %parallel_loop3A_349 = arith.addi %parallel_loop3A_346, %parallel_loop3A_348 : vector<16xi32>
      %parallel_loop3A_350 = arith.constant 120 : i32
      %parallel_loop3A_351 = arith.addi %parallel_loop3A_350, %parallel_loop3A_129 : i32
      %parallel_loop3A_352 = arith.constant 16 : i32
      %parallel_loop3A_353 = arith.muli %parallel_loop3A_351, %parallel_loop3A_352 : i32
      %parallel_loop3A_354 = arith.index_cast %parallel_loop3A_353 : i32 to index
      %parallel_loop3A_355 = tpu.vector_load %arg11[%parallel_loop3A_354] {strides = array<i32>} : memref<3328xi32, #tpu.memory_space<vmem>>, vector<16xi32>,
      tpu.vector_store %arg11[%parallel_loop3A_354], %parallel_loop3A_349 {strides = array<i32>} : memref<3328xi32, #tpu.memory_space<vmem>>, vector<16xi32>,
      %parallel_loop3A_356 = arith.constant 16 : i32
      %parallel_loop3A_357 = arith.addi %parallel_loop3A_131, %parallel_loop3A_356 : i32
      %parallel_loop3A_358 = vector.broadcast %parallel_loop3A_357 : i32 to vector<16xi32>
      %parallel_loop3A_359 = arith.addi %mul3A_76, %parallel_loop3A_358 : vector<16xi32>
      %parallel_loop3A_360 = tpu.vector_load_idx %arg6[%parallel_loop3A_359] : memref<3328xi32, #tpu.memory_space<vmem>>[vector<16xi32>], vector<16xi32>,
      %parallel_loop3A_361 = arith.constant 16000 : i32
      %parallel_loop3A_362 = vector.broadcast %parallel_loop3A_361 : i32 to vector<16xi32>
      %parallel_loop3A_363 = arith.addi %parallel_loop3A_360, %parallel_loop3A_362 : vector<16xi32>
      %parallel_loop3A_364 = arith.constant 128 : i32
      %parallel_loop3A_365 = arith.addi %parallel_loop3A_364, %parallel_loop3A_129 : i32
      %parallel_loop3A_366 = arith.constant 16 : i32
      %parallel_loop3A_367 = arith.muli %parallel_loop3A_365, %parallel_loop3A_366 : i32
      %parallel_loop3A_368 = arith.index_cast %parallel_loop3A_367 : i32 to index
      %parallel_loop3A_369 = tpu.vector_load %arg11[%parallel_loop3A_368] {strides = array<i32>} : memref<3328xi32, #tpu.memory_space<vmem>>, vector<16xi32>,
      tpu.vector_store %arg11[%parallel_loop3A_368], %parallel_loop3A_363 {strides = array<i32>} : memref<3328xi32, #tpu.memory_space<vmem>>, vector<16xi32>,
      %parallel_loop3A_370 = arith.constant 17 : i32
      %parallel_loop3A_371 = arith.addi %parallel_loop3A_131, %parallel_loop3A_370 : i32
      %parallel_loop3A_372 = vector.broadcast %parallel_loop3A_371 : i32 to vector<16xi32>
      %parallel_loop3A_373 = arith.addi %mul3A_76, %parallel_loop3A_372 : vector<16xi32>
      %parallel_loop3A_374 = tpu.vector_load_idx %arg6[%parallel_loop3A_373] : memref<3328xi32, #tpu.memory_space<vmem>>[vector<16xi32>], vector<16xi32>,
      %parallel_loop3A_375 = arith.constant 17000 : i32
      %parallel_loop3A_376 = vector.broadcast %parallel_loop3A_375 : i32 to vector<16xi32>
      %parallel_loop3A_377 = arith.addi %parallel_loop3A_374, %parallel_loop3A_376 : vector<16xi32>
      %parallel_loop3A_378 = arith.constant 136 : i32
      %parallel_loop3A_379 = arith.addi %parallel_loop3A_378, %parallel_loop3A_129 : i32
      %parallel_loop3A_380 = arith.constant 16 : i32
      %parallel_loop3A_381 = arith.muli %parallel_loop3A_379, %parallel_loop3A_380 : i32
      %parallel_loop3A_382 = arith.index_cast %parallel_loop3A_381 : i32 to index
      %parallel_loop3A_383 = tpu.vector_load %arg11[%parallel_loop3A_382] {strides = array<i32>} : memref<3328xi32, #tpu.memory_space<vmem>>, vector<16xi32>,
      tpu.vector_store %arg11[%parallel_loop3A_382], %parallel_loop3A_377 {strides = array<i32>} : memref<3328xi32, #tpu.memory_space<vmem>>, vector<16xi32>,
      %parallel_loop3A_384 = arith.constant 18 : i32
      %parallel_loop3A_385 = arith.addi %parallel_loop3A_131, %parallel_loop3A_384 : i32
      %parallel_loop3A_386 = vector.broadcast %parallel_loop3A_385 : i32 to vector<16xi32>
      %parallel_loop3A_387 = arith.addi %mul3A_76, %parallel_loop3A_386 : vector<16xi32>
      %parallel_loop3A_388 = tpu.vector_load_idx %arg6[%parallel_loop3A_387] : memref<3328xi32, #tpu.memory_space<vmem>>[vector<16xi32>], vector<16xi32>,
      %parallel_loop3A_389 = arith.constant 18000 : i32
      %parallel_loop3A_390 = vector.broadcast %parallel_loop3A_389 : i32 to vector<16xi32>
      %parallel_loop3A_391 = arith.addi %parallel_loop3A_388, %parallel_loop3A_390 : vector<16xi32>
      %parallel_loop3A_392 = arith.constant 144 : i32
      %parallel_loop3A_393 = arith.addi %parallel_loop3A_392, %parallel_loop3A_129 : i32
      %parallel_loop3A_394 = arith.constant 16 : i32
      %parallel_loop3A_395 = arith.muli %parallel_loop3A_393, %parallel_loop3A_394 : i32
      %parallel_loop3A_396 = arith.index_cast %parallel_loop3A_395 : i32 to index
      %parallel_loop3A_397 = tpu.vector_load %arg11[%parallel_loop3A_396] {strides = array<i32>} : memref<3328xi32, #tpu.memory_space<vmem>>, vector<16xi32>,
      tpu.vector_store %arg11[%parallel_loop3A_396], %parallel_loop3A_391 {strides = array<i32>} : memref<3328xi32, #tpu.memory_space<vmem>>, vector<16xi32>,
      %parallel_loop3A_398 = arith.constant 19 : i32
      %parallel_loop3A_399 = arith.addi %parallel_loop3A_131, %parallel_loop3A_398 : i32
      %parallel_loop3A_400 = vector.broadcast %parallel_loop3A_399 : i32 to vector<16xi32>
      %parallel_loop3A_401 = arith.addi %mul3A_76, %parallel_loop3A_400 : vector<16xi32>
      %parallel_loop3A_402 = tpu.vector_load_idx %arg6[%parallel_loop3A_401] : memref<3328xi32, #tpu.memory_space<vmem>>[vector<16xi32>], vector<16xi32>,
      %parallel_loop3A_403 = arith.constant 19000 : i32
      %parallel_loop3A_404 = vector.broadcast %parallel_loop3A_403 : i32 to vector<16xi32>
      %parallel_loop3A_405 = arith.addi %parallel_loop3A_402, %parallel_loop3A_404 : vector<16xi32>
      %parallel_loop3A_406 = arith.constant 152 : i32
      %parallel_loop3A_407 = arith.addi %parallel_loop3A_406, %parallel_loop3A_129 : i32
      %parallel_loop3A_408 = arith.constant 16 : i32
      %parallel_loop3A_409 = arith.muli %parallel_loop3A_407, %parallel_loop3A_408 : i32
      %parallel_loop3A_410 = arith.index_cast %parallel_loop3A_409 : i32 to index
      %parallel_loop3A_411 = tpu.vector_load %arg11[%parallel_loop3A_410] {strides = array<i32>} : memref<3328xi32, #tpu.memory_space<vmem>>, vector<16xi32>,
      tpu.vector_store %arg11[%parallel_loop3A_410], %parallel_loop3A_405 {strides = array<i32>} : memref<3328xi32, #tpu.memory_space<vmem>>, vector<16xi32>,
      %parallel_loop3A_412 = arith.constant 20 : i32
      %parallel_loop3A_413 = arith.addi %parallel_loop3A_131, %parallel_loop3A_412 : i32
      %parallel_loop3A_414 = vector.broadcast %parallel_loop3A_413 : i32 to vector<16xi32>
      %parallel_loop3A_415 = arith.addi %mul3A_76, %parallel_loop3A_414 : vector<16xi32>
      %parallel_loop3A_416 = tpu.vector_load_idx %arg6[%parallel_loop3A_415] : memref<3328xi32, #tpu.memory_space<vmem>>[vector<16xi32>], vector<16xi32>,
      %parallel_loop3A_417 = arith.constant 20000 : i32
      %parallel_loop3A_418 = vector.broadcast %parallel_loop3A_417 : i32 to vector<16xi32>
      %parallel_loop3A_419 = arith.addi %parallel_loop3A_416, %parallel_loop3A_418 : vector<16xi32>
      %parallel_loop3A_420 = arith.constant 160 : i32
      %parallel_loop3A_421 = arith.addi %parallel_loop3A_420, %parallel_loop3A_129 : i32
      %parallel_loop3A_422 = arith.constant 16 : i32
      %parallel_loop3A_423 = arith.muli %parallel_loop3A_421, %parallel_loop3A_422 : i32
      %parallel_loop3A_424 = arith.index_cast %parallel_loop3A_423 : i32 to index
      %parallel_loop3A_425 = tpu.vector_load %arg11[%parallel_loop3A_424] {strides = array<i32>} : memref<3328xi32, #tpu.memory_space<vmem>>, vector<16xi32>,
      tpu.vector_store %arg11[%parallel_loop3A_424], %parallel_loop3A_419 {strides = array<i32>} : memref<3328xi32, #tpu.memory_space<vmem>>, vector<16xi32>,
      %parallel_loop3A_426 = arith.constant 21 : i32
      %parallel_loop3A_427 = arith.addi %parallel_loop3A_131, %parallel_loop3A_426 : i32
      %parallel_loop3A_428 = vector.broadcast %parallel_loop3A_427 : i32 to vector<16xi32>
      %parallel_loop3A_429 = arith.addi %mul3A_76, %parallel_loop3A_428 : vector<16xi32>
      %parallel_loop3A_430 = tpu.vector_load_idx %arg6[%parallel_loop3A_429] : memref<3328xi32, #tpu.memory_space<vmem>>[vector<16xi32>], vector<16xi32>,
      %parallel_loop3A_431 = arith.constant 21000 : i32
      %parallel_loop3A_432 = vector.broadcast %parallel_loop3A_431 : i32 to vector<16xi32>
      %parallel_loop3A_433 = arith.addi %parallel_loop3A_430, %parallel_loop3A_432 : vector<16xi32>
      %parallel_loop3A_434 = arith.constant 168 : i32
      %parallel_loop3A_435 = arith.addi %parallel_loop3A_434, %parallel_loop3A_129 : i32
      %parallel_loop3A_436 = arith.constant 16 : i32
      %parallel_loop3A_437 = arith.muli %parallel_loop3A_435, %parallel_loop3A_436 : i32
      %parallel_loop3A_438 = arith.index_cast %parallel_loop3A_437 : i32 to index
      %parallel_loop3A_439 = tpu.vector_load %arg11[%parallel_loop3A_438] {strides = array<i32>} : memref<3328xi32, #tpu.memory_space<vmem>>, vector<16xi32>,
      tpu.vector_store %arg11[%parallel_loop3A_438], %parallel_loop3A_433 {strides = array<i32>} : memref<3328xi32, #tpu.memory_space<vmem>>, vector<16xi32>,
      %parallel_loop3A_440 = arith.constant 22 : i32
      %parallel_loop3A_441 = arith.addi %parallel_loop3A_131, %parallel_loop3A_440 : i32
      %parallel_loop3A_442 = vector.broadcast %parallel_loop3A_441 : i32 to vector<16xi32>
      %parallel_loop3A_443 = arith.addi %mul3A_76, %parallel_loop3A_442 : vector<16xi32>
      %parallel_loop3A_444 = tpu.vector_load_idx %arg6[%parallel_loop3A_443] : memref<3328xi32, #tpu.memory_space<vmem>>[vector<16xi32>], vector<16xi32>,
      %parallel_loop3A_445 = arith.constant 22000 : i32
      %parallel_loop3A_446 = vector.broadcast %parallel_loop3A_445 : i32 to vector<16xi32>
      %parallel_loop3A_447 = arith.addi %parallel_loop3A_444, %parallel_loop3A_446 : vector<16xi32>
      %parallel_loop3A_448 = arith.constant 176 : i32
      %parallel_loop3A_449 = arith.addi %parallel_loop3A_448, %parallel_loop3A_129 : i32
      %parallel_loop3A_450 = arith.constant 16 : i32
      %parallel_loop3A_451 = arith.muli %parallel_loop3A_449, %parallel_loop3A_450 : i32
      %parallel_loop3A_452 = arith.index_cast %parallel_loop3A_451 : i32 to index
      %parallel_loop3A_453 = tpu.vector_load %arg11[%parallel_loop3A_452] {strides = array<i32>} : memref<3328xi32, #tpu.memory_space<vmem>>, vector<16xi32>,
      tpu.vector_store %arg11[%parallel_loop3A_452], %parallel_loop3A_447 {strides = array<i32>} : memref<3328xi32, #tpu.memory_space<vmem>>, vector<16xi32>,
      %parallel_loop3A_454 = arith.constant 23 : i32
      %parallel_loop3A_455 = arith.addi %parallel_loop3A_131, %parallel_loop3A_454 : i32
      %parallel_loop3A_456 = vector.broadcast %parallel_loop3A_455 : i32 to vector<16xi32>
      %parallel_loop3A_457 = arith.addi %mul3A_76, %parallel_loop3A_456 : vector<16xi32>
      %parallel_loop3A_458 = tpu.vector_load_idx %arg6[%parallel_loop3A_457] : memref<3328xi32, #tpu.memory_space<vmem>>[vector<16xi32>], vector<16xi32>,
      %parallel_loop3A_459 = arith.constant 23000 : i32
      %parallel_loop3A_460 = vector.broadcast %parallel_loop3A_459 : i32 to vector<16xi32>
      %parallel_loop3A_461 = arith.addi %parallel_loop3A_458, %parallel_loop3A_460 : vector<16xi32>
      %parallel_loop3A_462 = arith.constant 184 : i32
      %parallel_loop3A_463 = arith.addi %parallel_loop3A_462, %parallel_loop3A_129 : i32
      %parallel_loop3A_464 = arith.constant 16 : i32
      %parallel_loop3A_465 = arith.muli %parallel_loop3A_463, %parallel_loop3A_464 : i32
      %parallel_loop3A_466 = arith.index_cast %parallel_loop3A_465 : i32 to index
      %parallel_loop3A_467 = tpu.vector_load %arg11[%parallel_loop3A_466] {strides = array<i32>} : memref<3328xi32, #tpu.memory_space<vmem>>, vector<16xi32>,
      tpu.vector_store %arg11[%parallel_loop3A_466], %parallel_loop3A_461 {strides = array<i32>} : memref<3328xi32, #tpu.memory_space<vmem>>, vector<16xi32>,
      %parallel_loop3A_468 = arith.constant 24 : i32
      %parallel_loop3A_469 = arith.addi %parallel_loop3A_131, %parallel_loop3A_468 : i32
      %parallel_loop3A_470 = vector.broadcast %parallel_loop3A_469 : i32 to vector<16xi32>
      %parallel_loop3A_471 = arith.addi %mul3A_76, %parallel_loop3A_470 : vector<16xi32>
      %parallel_loop3A_472 = tpu.vector_load_idx %arg6[%parallel_loop3A_471] : memref<3328xi32, #tpu.memory_space<vmem>>[vector<16xi32>], vector<16xi32>,
      %parallel_loop3A_473 = arith.constant 24000 : i32
      %parallel_loop3A_474 = vector.broadcast %parallel_loop3A_473 : i32 to vector<16xi32>
      %parallel_loop3A_475 = arith.addi %parallel_loop3A_472, %parallel_loop3A_474 : vector<16xi32>
      %parallel_loop3A_476 = arith.constant 192 : i32
      %parallel_loop3A_477 = arith.addi %parallel_loop3A_476, %parallel_loop3A_129 : i32
      %parallel_loop3A_478 = arith.constant 16 : i32
      %parallel_loop3A_479 = arith.muli %parallel_loop3A_477, %parallel_loop3A_478 : i32
      %parallel_loop3A_480 = arith.index_cast %parallel_loop3A_479 : i32 to index
      %parallel_loop3A_481 = tpu.vector_load %arg11[%parallel_loop3A_480] {strides = array<i32>} : memref<3328xi32, #tpu.memory_space<vmem>>, vector<16xi32>,
      tpu.vector_store %arg11[%parallel_loop3A_480], %parallel_loop3A_475 {strides = array<i32>} : memref<3328xi32, #tpu.memory_space<vmem>>, vector<16xi32>,
      %parallel_loop3A_482 = arith.constant 25 : i32
      %parallel_loop3A_483 = arith.addi %parallel_loop3A_131, %parallel_loop3A_482 : i32
      %parallel_loop3A_484 = vector.broadcast %parallel_loop3A_483 : i32 to vector<16xi32>
      %parallel_loop3A_485 = arith.addi %mul3A_76, %parallel_loop3A_484 : vector<16xi32>
      %parallel_loop3A_486 = tpu.vector_load_idx %arg6[%parallel_loop3A_485] : memref<3328xi32, #tpu.memory_space<vmem>>[vector<16xi32>], vector<16xi32>,
      %parallel_loop3A_487 = arith.constant 25000 : i32
      %parallel_loop3A_488 = vector.broadcast %parallel_loop3A_487 : i32 to vector<16xi32>
      %parallel_loop3A_489 = arith.addi %parallel_loop3A_486, %parallel_loop3A_488 : vector<16xi32>
      %parallel_loop3A_490 = arith.constant 200 : i32
      %parallel_loop3A_491 = arith.addi %parallel_loop3A_490, %parallel_loop3A_129 : i32
      %parallel_loop3A_492 = arith.constant 16 : i32
      %parallel_loop3A_493 = arith.muli %parallel_loop3A_491, %parallel_loop3A_492 : i32
      %parallel_loop3A_494 = arith.index_cast %parallel_loop3A_493 : i32 to index
      %parallel_loop3A_495 = tpu.vector_load %arg11[%parallel_loop3A_494] {strides = array<i32>} : memref<3328xi32, #tpu.memory_space<vmem>>, vector<16xi32>,
      tpu.vector_store %arg11[%parallel_loop3A_494], %parallel_loop3A_489 {strides = array<i32>} : memref<3328xi32, #tpu.memory_space<vmem>>, vector<16xi32>,
    } {sc.loop_unroll_factor = 1 : i64, sc.parallel_access}
    "tpu.trace_stop"() : () -> ()
    tpu.wait_dma2 semaphore(%arg18 : memref<!tpu.dma_semaphore, #tpu.memory_space<semaphore_mem>>) src(%arg4 : memref<16xf32, #tpu.memory_space<hbm>>) dst(%arg9 : memref<16xf32, #tpu.memory_space<vmem>>)
    %get3A = arith.constant 0 : index
    %get3A_80 = tpu.vector_load %arg9[%get3A] {strides = array<i32>} : memref<16xf32, #tpu.memory_space<vmem>>, vector<16xf32>,
    %broadcast_in_dim3A_81 = arith.constant -65536 : i32
    %broadcast_in_dim3A_82 = vector.broadcast %broadcast_in_dim3A_81 : i32 to vector<16xi32>
    "tpu.trace_start"() <{level = 10 : i32, message = "wait_w0"}> : () -> ()
    %dma_wait3A_83 = arith.constant 0 : i32
    %dma_wait3A_84 = tpu.memref_slice %arg7[%dma_wait3A_83] : memref<13000xi32, #tpu.memory_space<vmem>> -> memref<3000xi32, #tpu.memory_space<vmem>>
    %dma_wait3A_85 = arith.constant 0 : i32
    %dma_wait3A_86 = tpu.memref_slice %arg12[%dma_wait3A_85] : memref<13000xi32, #tpu.memory_space<vmem_shared>> -> memref<3000xi32, #tpu.memory_space<vmem_shared>>
    %dma_wait3A_87 = arith.constant 0 : i32
    %dma_wait3A_88 = tpu.memref_slice %arg7[%dma_wait3A_87] : memref<13000xi32, #tpu.memory_space<vmem>> -> memref<3000xi32, #tpu.memory_space<vmem>>
    %dma_wait3A_89 = arith.constant 0 : i32
    %dma_wait3A_90 = tpu.memref_slice %arg12[%dma_wait3A_89] : memref<13000xi32, #tpu.memory_space<vmem_shared>> -> memref<3000xi32, #tpu.memory_space<vmem_shared>>
    tpu.wait_dma2 semaphore(%arg13 : memref<!tpu.dma_semaphore, #tpu.memory_space<semaphore_mem>>) src(%dma_wait3A_90 : memref<3000xi32, #tpu.memory_space<vmem_shared>>) dst(%dma_wait3A_88 : memref<3000xi32, #tpu.memory_space<vmem>>)
    %parallel_loop3A_91 = arith.constant 0 : i32
    %parallel_loop3A_92 = arith.constant 8 : i32
    %parallel_loop3A_93 = arith.constant 1 : i32
    "tpu.trace_stop"() : () -> ()
    "tpu.trace_start"() <{level = 10 : i32, message = "pass2_0"}> : () -> ()
    scf.for %parallel_loop3A_129 = %parallel_loop3A_91 to %parallel_loop3A_92 step %parallel_loop3A_93  : i32 {
      %parallel_loop3A_130 = arith.constant 0 : i32
      %parallel_loop3A_131 = arith.addi %parallel_loop3A_130, %parallel_loop3A_129 : i32
      %parallel_loop3A_132 = arith.constant 16 : i32
      %parallel_loop3A_133 = arith.muli %parallel_loop3A_131, %parallel_loop3A_132 : i32
      %parallel_loop3A_134 = arith.index_cast %parallel_loop3A_133 : i32 to index
      %parallel_loop3A_135 = tpu.vector_load %arg11[%parallel_loop3A_134] {strides = array<i32>} : memref<3328xi32, #tpu.memory_space<vmem>>, vector<16xi32>,
      %parallel_loop3A_136 = arith.constant 1 : i32
      %parallel_loop3A_137 = vector.broadcast %parallel_loop3A_136 : i32 to vector<16xi32>
      %parallel_loop3A_138 = arith.shrsi %parallel_loop3A_135, %parallel_loop3A_137 : vector<16xi32>
      %parallel_loop3A_139 = tpu.vector_load_idx %arg7[%parallel_loop3A_138] : memref<13000xi32, #tpu.memory_space<vmem>>[vector<16xi32>], vector<16xi32>,
      %parallel_loop3A_140 = arith.constant 1 : i32
      %parallel_loop3A_141 = vector.broadcast %parallel_loop3A_140 : i32 to vector<16xi32>
      %parallel_loop3A_142 = arith.andi %parallel_loop3A_135, %parallel_loop3A_141 : vector<16xi32>
      %parallel_loop3A_143 = arith.constant 1 : i32
      %parallel_loop3A_144 = vector.broadcast %parallel_loop3A_143 : i32 to vector<16xi32>
      %parallel_loop3A_145 = arith.cmpi eq, %parallel_loop3A_142, %parallel_loop3A_144 : vector<16xi32>
      %parallel_loop3A_146 = arith.andi %parallel_loop3A_139, %broadcast_in_dim3A_82 : vector<16xi32>
      %parallel_loop3A_147 = arith.constant 16 : i32
      %parallel_loop3A_148 = vector.broadcast %parallel_loop3A_147 : i32 to vector<16xi32>
      %parallel_loop3A_149 = arith.shli %parallel_loop3A_139, %parallel_loop3A_148 : vector<16xi32>
      %parallel_loop3A_150 = arith.select %parallel_loop3A_145, %parallel_loop3A_146, %parallel_loop3A_149 : vector<16xi1>, vector<16xi32>
      %parallel_loop3A_151 = vector.bitcast %parallel_loop3A_150 : vector<16xi32> to vector<16xf32>
      %parallel_loop3A_152 = arith.addf %get3A_80, %parallel_loop3A_151 : vector<16xf32>
      %parallel_loop3A_153 = arith.constant 8 : i32
      %parallel_loop3A_154 = arith.addi %parallel_loop3A_153, %parallel_loop3A_129 : i32
      %parallel_loop3A_155 = arith.constant 16 : i32
      %parallel_loop3A_156 = arith.muli %parallel_loop3A_154, %parallel_loop3A_155 : i32
      %parallel_loop3A_157 = arith.index_cast %parallel_loop3A_156 : i32 to index
      %parallel_loop3A_158 = tpu.vector_load %arg11[%parallel_loop3A_157] {strides = array<i32>} : memref<3328xi32, #tpu.memory_space<vmem>>, vector<16xi32>,
      %parallel_loop3A_159 = arith.constant 1 : i32
      %parallel_loop3A_160 = vector.broadcast %parallel_loop3A_159 : i32 to vector<16xi32>
      %parallel_loop3A_161 = arith.shrsi %parallel_loop3A_158, %parallel_loop3A_160 : vector<16xi32>
      %parallel_loop3A_162 = tpu.vector_load_idx %arg7[%parallel_loop3A_161] : memref<13000xi32, #tpu.memory_space<vmem>>[vector<16xi32>], vector<16xi32>,
      %parallel_loop3A_163 = arith.constant 1 : i32
      %parallel_loop3A_164 = vector.broadcast %parallel_loop3A_163 : i32 to vector<16xi32>
      %parallel_loop3A_165 = arith.andi %parallel_loop3A_158, %parallel_loop3A_164 : vector<16xi32>
      %parallel_loop3A_166 = arith.constant 1 : i32
      %parallel_loop3A_167 = vector.broadcast %parallel_loop3A_166 : i32 to vector<16xi32>
      %parallel_loop3A_168 = arith.cmpi eq, %parallel_loop3A_165, %parallel_loop3A_167 : vector<16xi32>
      %parallel_loop3A_169 = arith.andi %parallel_loop3A_162, %broadcast_in_dim3A_82 : vector<16xi32>
      %parallel_loop3A_170 = arith.constant 16 : i32
      %parallel_loop3A_171 = vector.broadcast %parallel_loop3A_170 : i32 to vector<16xi32>
      %parallel_loop3A_172 = arith.shli %parallel_loop3A_162, %parallel_loop3A_171 : vector<16xi32>
      %parallel_loop3A_173 = arith.select %parallel_loop3A_168, %parallel_loop3A_169, %parallel_loop3A_172 : vector<16xi1>, vector<16xi32>
      %parallel_loop3A_174 = vector.bitcast %parallel_loop3A_173 : vector<16xi32> to vector<16xf32>
      %parallel_loop3A_175 = arith.addf %parallel_loop3A_152, %parallel_loop3A_174 : vector<16xf32>
      %parallel_loop3A_176 = arith.constant 16 : i32
      %parallel_loop3A_177 = arith.addi %parallel_loop3A_176, %parallel_loop3A_129 : i32
      %parallel_loop3A_178 = arith.constant 16 : i32
      %parallel_loop3A_179 = arith.muli %parallel_loop3A_177, %parallel_loop3A_178 : i32
      %parallel_loop3A_180 = arith.index_cast %parallel_loop3A_179 : i32 to index
      %parallel_loop3A_181 = tpu.vector_load %arg11[%parallel_loop3A_180] {strides = array<i32>} : memref<3328xi32, #tpu.memory_space<vmem>>, vector<16xi32>,
      %parallel_loop3A_182 = arith.constant 1 : i32
      %parallel_loop3A_183 = vector.broadcast %parallel_loop3A_182 : i32 to vector<16xi32>
      %parallel_loop3A_184 = arith.shrsi %parallel_loop3A_181, %parallel_loop3A_183 : vector<16xi32>
      %parallel_loop3A_185 = tpu.vector_load_idx %arg7[%parallel_loop3A_184] : memref<13000xi32, #tpu.memory_space<vmem>>[vector<16xi32>], vector<16xi32>,
      %parallel_loop3A_186 = arith.constant 1 : i32
      %parallel_loop3A_187 = vector.broadcast %parallel_loop3A_186 : i32 to vector<16xi32>
      %parallel_loop3A_188 = arith.andi %parallel_loop3A_181, %parallel_loop3A_187 : vector<16xi32>
      %parallel_loop3A_189 = arith.constant 1 : i32
      %parallel_loop3A_190 = vector.broadcast %parallel_loop3A_189 : i32 to vector<16xi32>
      %parallel_loop3A_191 = arith.cmpi eq, %parallel_loop3A_188, %parallel_loop3A_190 : vector<16xi32>
      %parallel_loop3A_192 = arith.andi %parallel_loop3A_185, %broadcast_in_dim3A_82 : vector<16xi32>
      %parallel_loop3A_193 = arith.constant 16 : i32
      %parallel_loop3A_194 = vector.broadcast %parallel_loop3A_193 : i32 to vector<16xi32>
      %parallel_loop3A_195 = arith.shli %parallel_loop3A_185, %parallel_loop3A_194 : vector<16xi32>
      %parallel_loop3A_196 = arith.select %parallel_loop3A_191, %parallel_loop3A_192, %parallel_loop3A_195 : vector<16xi1>, vector<16xi32>
      %parallel_loop3A_197 = vector.bitcast %parallel_loop3A_196 : vector<16xi32> to vector<16xf32>
      %parallel_loop3A_198 = arith.addf %parallel_loop3A_175, %parallel_loop3A_197 : vector<16xf32>
      %parallel_loop3A_199 = arith.constant 24 : i32
      %parallel_loop3A_200 = arith.addi %parallel_loop3A_199, %parallel_loop3A_129 : i32
      %parallel_loop3A_201 = arith.constant 16 : i32
      %parallel_loop3A_202 = arith.muli %parallel_loop3A_200, %parallel_loop3A_201 : i32
      %parallel_loop3A_203 = arith.index_cast %parallel_loop3A_202 : i32 to index
      %parallel_loop3A_204 = tpu.vector_load %arg11[%parallel_loop3A_203] {strides = array<i32>} : memref<3328xi32, #tpu.memory_space<vmem>>, vector<16xi32>,
      %parallel_loop3A_205 = arith.constant 1 : i32
      %parallel_loop3A_206 = vector.broadcast %parallel_loop3A_205 : i32 to vector<16xi32>
      %parallel_loop3A_207 = arith.shrsi %parallel_loop3A_204, %parallel_loop3A_206 : vector<16xi32>
      %parallel_loop3A_208 = tpu.vector_load_idx %arg7[%parallel_loop3A_207] : memref<13000xi32, #tpu.memory_space<vmem>>[vector<16xi32>], vector<16xi32>,
      %parallel_loop3A_209 = arith.constant 1 : i32
      %parallel_loop3A_210 = vector.broadcast %parallel_loop3A_209 : i32 to vector<16xi32>
      %parallel_loop3A_211 = arith.andi %parallel_loop3A_204, %parallel_loop3A_210 : vector<16xi32>
      %parallel_loop3A_212 = arith.constant 1 : i32
      %parallel_loop3A_213 = vector.broadcast %parallel_loop3A_212 : i32 to vector<16xi32>
      %parallel_loop3A_214 = arith.cmpi eq, %parallel_loop3A_211, %parallel_loop3A_213 : vector<16xi32>
      %parallel_loop3A_215 = arith.andi %parallel_loop3A_208, %broadcast_in_dim3A_82 : vector<16xi32>
      %parallel_loop3A_216 = arith.constant 16 : i32
      %parallel_loop3A_217 = vector.broadcast %parallel_loop3A_216 : i32 to vector<16xi32>
      %parallel_loop3A_218 = arith.shli %parallel_loop3A_208, %parallel_loop3A_217 : vector<16xi32>
      %parallel_loop3A_219 = arith.select %parallel_loop3A_214, %parallel_loop3A_215, %parallel_loop3A_218 : vector<16xi1>, vector<16xi32>
      %parallel_loop3A_220 = vector.bitcast %parallel_loop3A_219 : vector<16xi32> to vector<16xf32>
      %parallel_loop3A_221 = arith.addf %parallel_loop3A_198, %parallel_loop3A_220 : vector<16xf32>
      %parallel_loop3A_222 = arith.constant 32 : i32
      %parallel_loop3A_223 = arith.addi %parallel_loop3A_222, %parallel_loop3A_129 : i32
      %parallel_loop3A_224 = arith.constant 16 : i32
      %parallel_loop3A_225 = arith.muli %parallel_loop3A_223, %parallel_loop3A_224 : i32
      %parallel_loop3A_226 = arith.index_cast %parallel_loop3A_225 : i32 to index
      %parallel_loop3A_227 = tpu.vector_load %arg11[%parallel_loop3A_226] {strides = array<i32>} : memref<3328xi32, #tpu.memory_space<vmem>>, vector<16xi32>,
      %parallel_loop3A_228 = arith.constant 1 : i32
      %parallel_loop3A_229 = vector.broadcast %parallel_loop3A_228 : i32 to vector<16xi32>
      %parallel_loop3A_230 = arith.shrsi %parallel_loop3A_227, %parallel_loop3A_229 : vector<16xi32>
      %parallel_loop3A_231 = tpu.vector_load_idx %arg7[%parallel_loop3A_230] : memref<13000xi32, #tpu.memory_space<vmem>>[vector<16xi32>], vector<16xi32>,
      %parallel_loop3A_232 = arith.constant 1 : i32
      %parallel_loop3A_233 = vector.broadcast %parallel_loop3A_232 : i32 to vector<16xi32>
      %parallel_loop3A_234 = arith.andi %parallel_loop3A_227, %parallel_loop3A_233 : vector<16xi32>
      %parallel_loop3A_235 = arith.constant 1 : i32
      %parallel_loop3A_236 = vector.broadcast %parallel_loop3A_235 : i32 to vector<16xi32>
      %parallel_loop3A_237 = arith.cmpi eq, %parallel_loop3A_234, %parallel_loop3A_236 : vector<16xi32>
      %parallel_loop3A_238 = arith.andi %parallel_loop3A_231, %broadcast_in_dim3A_82 : vector<16xi32>
      %parallel_loop3A_239 = arith.constant 16 : i32
      %parallel_loop3A_240 = vector.broadcast %parallel_loop3A_239 : i32 to vector<16xi32>
      %parallel_loop3A_241 = arith.shli %parallel_loop3A_231, %parallel_loop3A_240 : vector<16xi32>
      %parallel_loop3A_242 = arith.select %parallel_loop3A_237, %parallel_loop3A_238, %parallel_loop3A_241 : vector<16xi1>, vector<16xi32>
      %parallel_loop3A_243 = vector.bitcast %parallel_loop3A_242 : vector<16xi32> to vector<16xf32>
      %parallel_loop3A_244 = arith.addf %parallel_loop3A_221, %parallel_loop3A_243 : vector<16xf32>
      %parallel_loop3A_245 = arith.constant 40 : i32
      %parallel_loop3A_246 = arith.addi %parallel_loop3A_245, %parallel_loop3A_129 : i32
      %parallel_loop3A_247 = arith.constant 16 : i32
      %parallel_loop3A_248 = arith.muli %parallel_loop3A_246, %parallel_loop3A_247 : i32
      %parallel_loop3A_249 = arith.index_cast %parallel_loop3A_248 : i32 to index
      %parallel_loop3A_250 = tpu.vector_load %arg11[%parallel_loop3A_249] {strides = array<i32>} : memref<3328xi32, #tpu.memory_space<vmem>>, vector<16xi32>,
      %parallel_loop3A_251 = arith.constant 1 : i32
      %parallel_loop3A_252 = vector.broadcast %parallel_loop3A_251 : i32 to vector<16xi32>
      %parallel_loop3A_253 = arith.shrsi %parallel_loop3A_250, %parallel_loop3A_252 : vector<16xi32>
      %parallel_loop3A_254 = tpu.vector_load_idx %arg7[%parallel_loop3A_253] : memref<13000xi32, #tpu.memory_space<vmem>>[vector<16xi32>], vector<16xi32>,
      %parallel_loop3A_255 = arith.constant 1 : i32
      %parallel_loop3A_256 = vector.broadcast %parallel_loop3A_255 : i32 to vector<16xi32>
      %parallel_loop3A_257 = arith.andi %parallel_loop3A_250, %parallel_loop3A_256 : vector<16xi32>
      %parallel_loop3A_258 = arith.constant 1 : i32
      %parallel_loop3A_259 = vector.broadcast %parallel_loop3A_258 : i32 to vector<16xi32>
      %parallel_loop3A_260 = arith.cmpi eq, %parallel_loop3A_257, %parallel_loop3A_259 : vector<16xi32>
      %parallel_loop3A_261 = arith.andi %parallel_loop3A_254, %broadcast_in_dim3A_82 : vector<16xi32>
      %parallel_loop3A_262 = arith.constant 16 : i32
      %parallel_loop3A_263 = vector.broadcast %parallel_loop3A_262 : i32 to vector<16xi32>
      %parallel_loop3A_264 = arith.shli %parallel_loop3A_254, %parallel_loop3A_263 : vector<16xi32>
      %parallel_loop3A_265 = arith.select %parallel_loop3A_260, %parallel_loop3A_261, %parallel_loop3A_264 : vector<16xi1>, vector<16xi32>
      %parallel_loop3A_266 = vector.bitcast %parallel_loop3A_265 : vector<16xi32> to vector<16xf32>
      %parallel_loop3A_267 = arith.addf %parallel_loop3A_244, %parallel_loop3A_266 : vector<16xf32>
      %parallel_loop3A_268 = arith.constant 16 : i32
      %parallel_loop3A_269 = arith.muli %parallel_loop3A_129, %parallel_loop3A_268 : i32
      %parallel_loop3A_270 = arith.index_cast %parallel_loop3A_269 : i32 to index
      %parallel_loop3A_271 = tpu.vector_load %arg10[%parallel_loop3A_270] {strides = array<i32>} : memref<128xf32, #tpu.memory_space<vmem>>, vector<16xf32>,
      tpu.vector_store %arg10[%parallel_loop3A_270], %parallel_loop3A_267 {strides = array<i32>} : memref<128xf32, #tpu.memory_space<vmem>>, vector<16xf32>,
    } {sc.loop_unroll_factor = 1 : i64, sc.parallel_access}
    "tpu.trace_stop"() : () -> ()
    "tpu.trace_start"() <{level = 10 : i32, message = "wait_w1"}> : () -> ()
    %dma_wait3A_94 = arith.constant 3000 : i32
    %dma_wait3A_95 = tpu.memref_slice %arg7[%dma_wait3A_94] : memref<13000xi32, #tpu.memory_space<vmem>> -> memref<4000xi32, #tpu.memory_space<vmem>>
    %dma_wait3A_96 = arith.constant 3000 : i32
    %dma_wait3A_97 = tpu.memref_slice %arg12[%dma_wait3A_96] : memref<13000xi32, #tpu.memory_space<vmem_shared>> -> memref<4000xi32, #tpu.memory_space<vmem_shared>>
    %dma_wait3A_98 = arith.constant 3000 : i32
    %dma_wait3A_99 = tpu.memref_slice %arg7[%dma_wait3A_98] : memref<13000xi32, #tpu.memory_space<vmem>> -> memref<4000xi32, #tpu.memory_space<vmem>>
    %dma_wait3A_100 = arith.constant 3000 : i32
    %dma_wait3A_101 = tpu.memref_slice %arg12[%dma_wait3A_100] : memref<13000xi32, #tpu.memory_space<vmem_shared>> -> memref<4000xi32, #tpu.memory_space<vmem_shared>>
    tpu.wait_dma2 semaphore(%arg14 : memref<!tpu.dma_semaphore, #tpu.memory_space<semaphore_mem>>) src(%dma_wait3A_101 : memref<4000xi32, #tpu.memory_space<vmem_shared>>) dst(%dma_wait3A_99 : memref<4000xi32, #tpu.memory_space<vmem>>)
    %parallel_loop3A_102 = arith.constant 0 : i32
    %parallel_loop3A_103 = arith.constant 8 : i32
    %parallel_loop3A_104 = arith.constant 1 : i32
    "tpu.trace_stop"() : () -> ()
    "tpu.trace_start"() <{level = 10 : i32, message = "pass2_1"}> : () -> ()
    scf.for %parallel_loop3A_129 = %parallel_loop3A_102 to %parallel_loop3A_103 step %parallel_loop3A_104  : i32 {
      %parallel_loop3A_130 = arith.constant 16 : i32
      %parallel_loop3A_131 = arith.muli %parallel_loop3A_129, %parallel_loop3A_130 : i32
      %parallel_loop3A_132 = arith.index_cast %parallel_loop3A_131 : i32 to index
      %parallel_loop3A_133 = tpu.vector_load %arg10[%parallel_loop3A_132] {strides = array<i32>} : memref<128xf32, #tpu.memory_space<vmem>>, vector<16xf32>,
      %parallel_loop3A_134 = arith.constant 48 : i32
      %parallel_loop3A_135 = arith.addi %parallel_loop3A_134, %parallel_loop3A_129 : i32
      %parallel_loop3A_136 = arith.constant 16 : i32
      %parallel_loop3A_137 = arith.muli %parallel_loop3A_135, %parallel_loop3A_136 : i32
      %parallel_loop3A_138 = arith.index_cast %parallel_loop3A_137 : i32 to index
      %parallel_loop3A_139 = tpu.vector_load %arg11[%parallel_loop3A_138] {strides = array<i32>} : memref<3328xi32, #tpu.memory_space<vmem>>, vector<16xi32>,
      %parallel_loop3A_140 = arith.constant 1 : i32
      %parallel_loop3A_141 = vector.broadcast %parallel_loop3A_140 : i32 to vector<16xi32>
      %parallel_loop3A_142 = arith.shrsi %parallel_loop3A_139, %parallel_loop3A_141 : vector<16xi32>
      %parallel_loop3A_143 = tpu.vector_load_idx %arg7[%parallel_loop3A_142] : memref<13000xi32, #tpu.memory_space<vmem>>[vector<16xi32>], vector<16xi32>,
      %parallel_loop3A_144 = arith.constant 1 : i32
      %parallel_loop3A_145 = vector.broadcast %parallel_loop3A_144 : i32 to vector<16xi32>
      %parallel_loop3A_146 = arith.andi %parallel_loop3A_139, %parallel_loop3A_145 : vector<16xi32>
      %parallel_loop3A_147 = arith.constant 1 : i32
      %parallel_loop3A_148 = vector.broadcast %parallel_loop3A_147 : i32 to vector<16xi32>
      %parallel_loop3A_149 = arith.cmpi eq, %parallel_loop3A_146, %parallel_loop3A_148 : vector<16xi32>
      %parallel_loop3A_150 = arith.andi %parallel_loop3A_143, %broadcast_in_dim3A_82 : vector<16xi32>
      %parallel_loop3A_151 = arith.constant 16 : i32
      %parallel_loop3A_152 = vector.broadcast %parallel_loop3A_151 : i32 to vector<16xi32>
      %parallel_loop3A_153 = arith.shli %parallel_loop3A_143, %parallel_loop3A_152 : vector<16xi32>
      %parallel_loop3A_154 = arith.select %parallel_loop3A_149, %parallel_loop3A_150, %parallel_loop3A_153 : vector<16xi1>, vector<16xi32>
      %parallel_loop3A_155 = vector.bitcast %parallel_loop3A_154 : vector<16xi32> to vector<16xf32>
      %parallel_loop3A_156 = arith.addf %parallel_loop3A_133, %parallel_loop3A_155 : vector<16xf32>
      %parallel_loop3A_157 = arith.constant 56 : i32
      %parallel_loop3A_158 = arith.addi %parallel_loop3A_157, %parallel_loop3A_129 : i32
      %parallel_loop3A_159 = arith.constant 16 : i32
      %parallel_loop3A_160 = arith.muli %parallel_loop3A_158, %parallel_loop3A_159 : i32
      %parallel_loop3A_161 = arith.index_cast %parallel_loop3A_160 : i32 to index
      %parallel_loop3A_162 = tpu.vector_load %arg11[%parallel_loop3A_161] {strides = array<i32>} : memref<3328xi32, #tpu.memory_space<vmem>>, vector<16xi32>,
      %parallel_loop3A_163 = arith.constant 1 : i32
      %parallel_loop3A_164 = vector.broadcast %parallel_loop3A_163 : i32 to vector<16xi32>
      %parallel_loop3A_165 = arith.shrsi %parallel_loop3A_162, %parallel_loop3A_164 : vector<16xi32>
      %parallel_loop3A_166 = tpu.vector_load_idx %arg7[%parallel_loop3A_165] : memref<13000xi32, #tpu.memory_space<vmem>>[vector<16xi32>], vector<16xi32>,
      %parallel_loop3A_167 = arith.constant 1 : i32
      %parallel_loop3A_168 = vector.broadcast %parallel_loop3A_167 : i32 to vector<16xi32>
      %parallel_loop3A_169 = arith.andi %parallel_loop3A_162, %parallel_loop3A_168 : vector<16xi32>
      %parallel_loop3A_170 = arith.constant 1 : i32
      %parallel_loop3A_171 = vector.broadcast %parallel_loop3A_170 : i32 to vector<16xi32>
      %parallel_loop3A_172 = arith.cmpi eq, %parallel_loop3A_169, %parallel_loop3A_171 : vector<16xi32>
      %parallel_loop3A_173 = arith.andi %parallel_loop3A_166, %broadcast_in_dim3A_82 : vector<16xi32>
      %parallel_loop3A_174 = arith.constant 16 : i32
      %parallel_loop3A_175 = vector.broadcast %parallel_loop3A_174 : i32 to vector<16xi32>
      %parallel_loop3A_176 = arith.shli %parallel_loop3A_166, %parallel_loop3A_175 : vector<16xi32>
      %parallel_loop3A_177 = arith.select %parallel_loop3A_172, %parallel_loop3A_173, %parallel_loop3A_176 : vector<16xi1>, vector<16xi32>
      %parallel_loop3A_178 = vector.bitcast %parallel_loop3A_177 : vector<16xi32> to vector<16xf32>
      %parallel_loop3A_179 = arith.addf %parallel_loop3A_156, %parallel_loop3A_178 : vector<16xf32>
      %parallel_loop3A_180 = arith.constant 64 : i32
      %parallel_loop3A_181 = arith.addi %parallel_loop3A_180, %parallel_loop3A_129 : i32
      %parallel_loop3A_182 = arith.constant 16 : i32
      %parallel_loop3A_183 = arith.muli %parallel_loop3A_181, %parallel_loop3A_182 : i32
      %parallel_loop3A_184 = arith.index_cast %parallel_loop3A_183 : i32 to index
      %parallel_loop3A_185 = tpu.vector_load %arg11[%parallel_loop3A_184] {strides = array<i32>} : memref<3328xi32, #tpu.memory_space<vmem>>, vector<16xi32>,
      %parallel_loop3A_186 = arith.constant 1 : i32
      %parallel_loop3A_187 = vector.broadcast %parallel_loop3A_186 : i32 to vector<16xi32>
      %parallel_loop3A_188 = arith.shrsi %parallel_loop3A_185, %parallel_loop3A_187 : vector<16xi32>
      %parallel_loop3A_189 = tpu.vector_load_idx %arg7[%parallel_loop3A_188] : memref<13000xi32, #tpu.memory_space<vmem>>[vector<16xi32>], vector<16xi32>,
      %parallel_loop3A_190 = arith.constant 1 : i32
      %parallel_loop3A_191 = vector.broadcast %parallel_loop3A_190 : i32 to vector<16xi32>
      %parallel_loop3A_192 = arith.andi %parallel_loop3A_185, %parallel_loop3A_191 : vector<16xi32>
      %parallel_loop3A_193 = arith.constant 1 : i32
      %parallel_loop3A_194 = vector.broadcast %parallel_loop3A_193 : i32 to vector<16xi32>
      %parallel_loop3A_195 = arith.cmpi eq, %parallel_loop3A_192, %parallel_loop3A_194 : vector<16xi32>
      %parallel_loop3A_196 = arith.andi %parallel_loop3A_189, %broadcast_in_dim3A_82 : vector<16xi32>
      %parallel_loop3A_197 = arith.constant 16 : i32
      %parallel_loop3A_198 = vector.broadcast %parallel_loop3A_197 : i32 to vector<16xi32>
      %parallel_loop3A_199 = arith.shli %parallel_loop3A_189, %parallel_loop3A_198 : vector<16xi32>
      %parallel_loop3A_200 = arith.select %parallel_loop3A_195, %parallel_loop3A_196, %parallel_loop3A_199 : vector<16xi1>, vector<16xi32>
      %parallel_loop3A_201 = vector.bitcast %parallel_loop3A_200 : vector<16xi32> to vector<16xf32>
      %parallel_loop3A_202 = arith.addf %parallel_loop3A_179, %parallel_loop3A_201 : vector<16xf32>
      %parallel_loop3A_203 = arith.constant 72 : i32
      %parallel_loop3A_204 = arith.addi %parallel_loop3A_203, %parallel_loop3A_129 : i32
      %parallel_loop3A_205 = arith.constant 16 : i32
      %parallel_loop3A_206 = arith.muli %parallel_loop3A_204, %parallel_loop3A_205 : i32
      %parallel_loop3A_207 = arith.index_cast %parallel_loop3A_206 : i32 to index
      %parallel_loop3A_208 = tpu.vector_load %arg11[%parallel_loop3A_207] {strides = array<i32>} : memref<3328xi32, #tpu.memory_space<vmem>>, vector<16xi32>,
      %parallel_loop3A_209 = arith.constant 1 : i32
      %parallel_loop3A_210 = vector.broadcast %parallel_loop3A_209 : i32 to vector<16xi32>
      %parallel_loop3A_211 = arith.shrsi %parallel_loop3A_208, %parallel_loop3A_210 : vector<16xi32>
      %parallel_loop3A_212 = tpu.vector_load_idx %arg7[%parallel_loop3A_211] : memref<13000xi32, #tpu.memory_space<vmem>>[vector<16xi32>], vector<16xi32>,
      %parallel_loop3A_213 = arith.constant 1 : i32
      %parallel_loop3A_214 = vector.broadcast %parallel_loop3A_213 : i32 to vector<16xi32>
      %parallel_loop3A_215 = arith.andi %parallel_loop3A_208, %parallel_loop3A_214 : vector<16xi32>
      %parallel_loop3A_216 = arith.constant 1 : i32
      %parallel_loop3A_217 = vector.broadcast %parallel_loop3A_216 : i32 to vector<16xi32>
      %parallel_loop3A_218 = arith.cmpi eq, %parallel_loop3A_215, %parallel_loop3A_217 : vector<16xi32>
      %parallel_loop3A_219 = arith.andi %parallel_loop3A_212, %broadcast_in_dim3A_82 : vector<16xi32>
      %parallel_loop3A_220 = arith.constant 16 : i32
      %parallel_loop3A_221 = vector.broadcast %parallel_loop3A_220 : i32 to vector<16xi32>
      %parallel_loop3A_222 = arith.shli %parallel_loop3A_212, %parallel_loop3A_221 : vector<16xi32>
      %parallel_loop3A_223 = arith.select %parallel_loop3A_218, %parallel_loop3A_219, %parallel_loop3A_222 : vector<16xi1>, vector<16xi32>
      %parallel_loop3A_224 = vector.bitcast %parallel_loop3A_223 : vector<16xi32> to vector<16xf32>
      %parallel_loop3A_225 = arith.addf %parallel_loop3A_202, %parallel_loop3A_224 : vector<16xf32>
      %parallel_loop3A_226 = arith.constant 80 : i32
      %parallel_loop3A_227 = arith.addi %parallel_loop3A_226, %parallel_loop3A_129 : i32
      %parallel_loop3A_228 = arith.constant 16 : i32
      %parallel_loop3A_229 = arith.muli %parallel_loop3A_227, %parallel_loop3A_228 : i32
      %parallel_loop3A_230 = arith.index_cast %parallel_loop3A_229 : i32 to index
      %parallel_loop3A_231 = tpu.vector_load %arg11[%parallel_loop3A_230] {strides = array<i32>} : memref<3328xi32, #tpu.memory_space<vmem>>, vector<16xi32>,
      %parallel_loop3A_232 = arith.constant 1 : i32
      %parallel_loop3A_233 = vector.broadcast %parallel_loop3A_232 : i32 to vector<16xi32>
      %parallel_loop3A_234 = arith.shrsi %parallel_loop3A_231, %parallel_loop3A_233 : vector<16xi32>
      %parallel_loop3A_235 = tpu.vector_load_idx %arg7[%parallel_loop3A_234] : memref<13000xi32, #tpu.memory_space<vmem>>[vector<16xi32>], vector<16xi32>,
      %parallel_loop3A_236 = arith.constant 1 : i32
      %parallel_loop3A_237 = vector.broadcast %parallel_loop3A_236 : i32 to vector<16xi32>
      %parallel_loop3A_238 = arith.andi %parallel_loop3A_231, %parallel_loop3A_237 : vector<16xi32>
      %parallel_loop3A_239 = arith.constant 1 : i32
      %parallel_loop3A_240 = vector.broadcast %parallel_loop3A_239 : i32 to vector<16xi32>
      %parallel_loop3A_241 = arith.cmpi eq, %parallel_loop3A_238, %parallel_loop3A_240 : vector<16xi32>
      %parallel_loop3A_242 = arith.andi %parallel_loop3A_235, %broadcast_in_dim3A_82 : vector<16xi32>
      %parallel_loop3A_243 = arith.constant 16 : i32
      %parallel_loop3A_244 = vector.broadcast %parallel_loop3A_243 : i32 to vector<16xi32>
      %parallel_loop3A_245 = arith.shli %parallel_loop3A_235, %parallel_loop3A_244 : vector<16xi32>
      %parallel_loop3A_246 = arith.select %parallel_loop3A_241, %parallel_loop3A_242, %parallel_loop3A_245 : vector<16xi1>, vector<16xi32>
      %parallel_loop3A_247 = vector.bitcast %parallel_loop3A_246 : vector<16xi32> to vector<16xf32>
      %parallel_loop3A_248 = arith.addf %parallel_loop3A_225, %parallel_loop3A_247 : vector<16xf32>
      %parallel_loop3A_249 = arith.constant 88 : i32
      %parallel_loop3A_250 = arith.addi %parallel_loop3A_249, %parallel_loop3A_129 : i32
      %parallel_loop3A_251 = arith.constant 16 : i32
      %parallel_loop3A_252 = arith.muli %parallel_loop3A_250, %parallel_loop3A_251 : i32
      %parallel_loop3A_253 = arith.index_cast %parallel_loop3A_252 : i32 to index
      %parallel_loop3A_254 = tpu.vector_load %arg11[%parallel_loop3A_253] {strides = array<i32>} : memref<3328xi32, #tpu.memory_space<vmem>>, vector<16xi32>,
      %parallel_loop3A_255 = arith.constant 1 : i32
      %parallel_loop3A_256 = vector.broadcast %parallel_loop3A_255 : i32 to vector<16xi32>
      %parallel_loop3A_257 = arith.shrsi %parallel_loop3A_254, %parallel_loop3A_256 : vector<16xi32>
      %parallel_loop3A_258 = tpu.vector_load_idx %arg7[%parallel_loop3A_257] : memref<13000xi32, #tpu.memory_space<vmem>>[vector<16xi32>], vector<16xi32>,
      %parallel_loop3A_259 = arith.constant 1 : i32
      %parallel_loop3A_260 = vector.broadcast %parallel_loop3A_259 : i32 to vector<16xi32>
      %parallel_loop3A_261 = arith.andi %parallel_loop3A_254, %parallel_loop3A_260 : vector<16xi32>
      %parallel_loop3A_262 = arith.constant 1 : i32
      %parallel_loop3A_263 = vector.broadcast %parallel_loop3A_262 : i32 to vector<16xi32>
      %parallel_loop3A_264 = arith.cmpi eq, %parallel_loop3A_261, %parallel_loop3A_263 : vector<16xi32>
      %parallel_loop3A_265 = arith.andi %parallel_loop3A_258, %broadcast_in_dim3A_82 : vector<16xi32>
      %parallel_loop3A_266 = arith.constant 16 : i32
      %parallel_loop3A_267 = vector.broadcast %parallel_loop3A_266 : i32 to vector<16xi32>
      %parallel_loop3A_268 = arith.shli %parallel_loop3A_258, %parallel_loop3A_267 : vector<16xi32>
      %parallel_loop3A_269 = arith.select %parallel_loop3A_264, %parallel_loop3A_265, %parallel_loop3A_268 : vector<16xi1>, vector<16xi32>
      %parallel_loop3A_270 = vector.bitcast %parallel_loop3A_269 : vector<16xi32> to vector<16xf32>
      %parallel_loop3A_271 = arith.addf %parallel_loop3A_248, %parallel_loop3A_270 : vector<16xf32>
      %parallel_loop3A_272 = arith.constant 96 : i32
      %parallel_loop3A_273 = arith.addi %parallel_loop3A_272, %parallel_loop3A_129 : i32
      %parallel_loop3A_274 = arith.constant 16 : i32
      %parallel_loop3A_275 = arith.muli %parallel_loop3A_273, %parallel_loop3A_274 : i32
      %parallel_loop3A_276 = arith.index_cast %parallel_loop3A_275 : i32 to index
      %parallel_loop3A_277 = tpu.vector_load %arg11[%parallel_loop3A_276] {strides = array<i32>} : memref<3328xi32, #tpu.memory_space<vmem>>, vector<16xi32>,
      %parallel_loop3A_278 = arith.constant 1 : i32
      %parallel_loop3A_279 = vector.broadcast %parallel_loop3A_278 : i32 to vector<16xi32>
      %parallel_loop3A_280 = arith.shrsi %parallel_loop3A_277, %parallel_loop3A_279 : vector<16xi32>
      %parallel_loop3A_281 = tpu.vector_load_idx %arg7[%parallel_loop3A_280] : memref<13000xi32, #tpu.memory_space<vmem>>[vector<16xi32>], vector<16xi32>,
      %parallel_loop3A_282 = arith.constant 1 : i32
      %parallel_loop3A_283 = vector.broadcast %parallel_loop3A_282 : i32 to vector<16xi32>
      %parallel_loop3A_284 = arith.andi %parallel_loop3A_277, %parallel_loop3A_283 : vector<16xi32>
      %parallel_loop3A_285 = arith.constant 1 : i32
      %parallel_loop3A_286 = vector.broadcast %parallel_loop3A_285 : i32 to vector<16xi32>
      %parallel_loop3A_287 = arith.cmpi eq, %parallel_loop3A_284, %parallel_loop3A_286 : vector<16xi32>
      %parallel_loop3A_288 = arith.andi %parallel_loop3A_281, %broadcast_in_dim3A_82 : vector<16xi32>
      %parallel_loop3A_289 = arith.constant 16 : i32
      %parallel_loop3A_290 = vector.broadcast %parallel_loop3A_289 : i32 to vector<16xi32>
      %parallel_loop3A_291 = arith.shli %parallel_loop3A_281, %parallel_loop3A_290 : vector<16xi32>
      %parallel_loop3A_292 = arith.select %parallel_loop3A_287, %parallel_loop3A_288, %parallel_loop3A_291 : vector<16xi1>, vector<16xi32>
      %parallel_loop3A_293 = vector.bitcast %parallel_loop3A_292 : vector<16xi32> to vector<16xf32>
      %parallel_loop3A_294 = arith.addf %parallel_loop3A_271, %parallel_loop3A_293 : vector<16xf32>
      %parallel_loop3A_295 = arith.constant 104 : i32
      %parallel_loop3A_296 = arith.addi %parallel_loop3A_295, %parallel_loop3A_129 : i32
      %parallel_loop3A_297 = arith.constant 16 : i32
      %parallel_loop3A_298 = arith.muli %parallel_loop3A_296, %parallel_loop3A_297 : i32
      %parallel_loop3A_299 = arith.index_cast %parallel_loop3A_298 : i32 to index
      %parallel_loop3A_300 = tpu.vector_load %arg11[%parallel_loop3A_299] {strides = array<i32>} : memref<3328xi32, #tpu.memory_space<vmem>>, vector<16xi32>,
      %parallel_loop3A_301 = arith.constant 1 : i32
      %parallel_loop3A_302 = vector.broadcast %parallel_loop3A_301 : i32 to vector<16xi32>
      %parallel_loop3A_303 = arith.shrsi %parallel_loop3A_300, %parallel_loop3A_302 : vector<16xi32>
      %parallel_loop3A_304 = tpu.vector_load_idx %arg7[%parallel_loop3A_303] : memref<13000xi32, #tpu.memory_space<vmem>>[vector<16xi32>], vector<16xi32>,
      %parallel_loop3A_305 = arith.constant 1 : i32
      %parallel_loop3A_306 = vector.broadcast %parallel_loop3A_305 : i32 to vector<16xi32>
      %parallel_loop3A_307 = arith.andi %parallel_loop3A_300, %parallel_loop3A_306 : vector<16xi32>
      %parallel_loop3A_308 = arith.constant 1 : i32
      %parallel_loop3A_309 = vector.broadcast %parallel_loop3A_308 : i32 to vector<16xi32>
      %parallel_loop3A_310 = arith.cmpi eq, %parallel_loop3A_307, %parallel_loop3A_309 : vector<16xi32>
      %parallel_loop3A_311 = arith.andi %parallel_loop3A_304, %broadcast_in_dim3A_82 : vector<16xi32>
      %parallel_loop3A_312 = arith.constant 16 : i32
      %parallel_loop3A_313 = vector.broadcast %parallel_loop3A_312 : i32 to vector<16xi32>
      %parallel_loop3A_314 = arith.shli %parallel_loop3A_304, %parallel_loop3A_313 : vector<16xi32>
      %parallel_loop3A_315 = arith.select %parallel_loop3A_310, %parallel_loop3A_311, %parallel_loop3A_314 : vector<16xi1>, vector<16xi32>
      %parallel_loop3A_316 = vector.bitcast %parallel_loop3A_315 : vector<16xi32> to vector<16xf32>
      %parallel_loop3A_317 = arith.addf %parallel_loop3A_294, %parallel_loop3A_316 : vector<16xf32>
      %parallel_loop3A_318 = arith.constant 16 : i32
      %parallel_loop3A_319 = arith.muli %parallel_loop3A_129, %parallel_loop3A_318 : i32
      %parallel_loop3A_320 = arith.index_cast %parallel_loop3A_319 : i32 to index
      %parallel_loop3A_321 = tpu.vector_load %arg10[%parallel_loop3A_320] {strides = array<i32>} : memref<128xf32, #tpu.memory_space<vmem>>, vector<16xf32>,
      tpu.vector_store %arg10[%parallel_loop3A_320], %parallel_loop3A_317 {strides = array<i32>} : memref<128xf32, #tpu.memory_space<vmem>>, vector<16xf32>,
    } {sc.loop_unroll_factor = 1 : i64, sc.parallel_access}
    "tpu.trace_stop"() : () -> ()
    "tpu.trace_start"() <{level = 10 : i32, message = "wait_w2"}> : () -> ()
    %dma_wait3A_105 = arith.constant 7000 : i32
    %dma_wait3A_106 = tpu.memref_slice %arg7[%dma_wait3A_105] : memref<13000xi32, #tpu.memory_space<vmem>> -> memref<3000xi32, #tpu.memory_space<vmem>>
    %dma_wait3A_107 = arith.constant 7000 : i32
    %dma_wait3A_108 = tpu.memref_slice %arg12[%dma_wait3A_107] : memref<13000xi32, #tpu.memory_space<vmem_shared>> -> memref<3000xi32, #tpu.memory_space<vmem_shared>>
    %dma_wait3A_109 = arith.constant 7000 : i32
    %dma_wait3A_110 = tpu.memref_slice %arg7[%dma_wait3A_109] : memref<13000xi32, #tpu.memory_space<vmem>> -> memref<3000xi32, #tpu.memory_space<vmem>>
    %dma_wait3A_111 = arith.constant 7000 : i32
    %dma_wait3A_112 = tpu.memref_slice %arg12[%dma_wait3A_111] : memref<13000xi32, #tpu.memory_space<vmem_shared>> -> memref<3000xi32, #tpu.memory_space<vmem_shared>>
    tpu.wait_dma2 semaphore(%arg15 : memref<!tpu.dma_semaphore, #tpu.memory_space<semaphore_mem>>) src(%dma_wait3A_112 : memref<3000xi32, #tpu.memory_space<vmem_shared>>) dst(%dma_wait3A_110 : memref<3000xi32, #tpu.memory_space<vmem>>)
    %parallel_loop3A_113 = arith.constant 0 : i32
    %parallel_loop3A_114 = arith.constant 8 : i32
    %parallel_loop3A_115 = arith.constant 1 : i32
    "tpu.trace_stop"() : () -> ()
    "tpu.trace_start"() <{level = 10 : i32, message = "pass2_2"}> : () -> ()
    scf.for %parallel_loop3A_129 = %parallel_loop3A_113 to %parallel_loop3A_114 step %parallel_loop3A_115  : i32 {
      %parallel_loop3A_130 = arith.constant 16 : i32
      %parallel_loop3A_131 = arith.muli %parallel_loop3A_129, %parallel_loop3A_130 : i32
      %parallel_loop3A_132 = arith.index_cast %parallel_loop3A_131 : i32 to index
      %parallel_loop3A_133 = tpu.vector_load %arg10[%parallel_loop3A_132] {strides = array<i32>} : memref<128xf32, #tpu.memory_space<vmem>>, vector<16xf32>,
      %parallel_loop3A_134 = arith.constant 112 : i32
      %parallel_loop3A_135 = arith.addi %parallel_loop3A_134, %parallel_loop3A_129 : i32
      %parallel_loop3A_136 = arith.constant 16 : i32
      %parallel_loop3A_137 = arith.muli %parallel_loop3A_135, %parallel_loop3A_136 : i32
      %parallel_loop3A_138 = arith.index_cast %parallel_loop3A_137 : i32 to index
      %parallel_loop3A_139 = tpu.vector_load %arg11[%parallel_loop3A_138] {strides = array<i32>} : memref<3328xi32, #tpu.memory_space<vmem>>, vector<16xi32>,
      %parallel_loop3A_140 = arith.constant 1 : i32
      %parallel_loop3A_141 = vector.broadcast %parallel_loop3A_140 : i32 to vector<16xi32>
      %parallel_loop3A_142 = arith.shrsi %parallel_loop3A_139, %parallel_loop3A_141 : vector<16xi32>
      %parallel_loop3A_143 = tpu.vector_load_idx %arg7[%parallel_loop3A_142] : memref<13000xi32, #tpu.memory_space<vmem>>[vector<16xi32>], vector<16xi32>,
      %parallel_loop3A_144 = arith.constant 1 : i32
      %parallel_loop3A_145 = vector.broadcast %parallel_loop3A_144 : i32 to vector<16xi32>
      %parallel_loop3A_146 = arith.andi %parallel_loop3A_139, %parallel_loop3A_145 : vector<16xi32>
      %parallel_loop3A_147 = arith.constant 1 : i32
      %parallel_loop3A_148 = vector.broadcast %parallel_loop3A_147 : i32 to vector<16xi32>
      %parallel_loop3A_149 = arith.cmpi eq, %parallel_loop3A_146, %parallel_loop3A_148 : vector<16xi32>
      %parallel_loop3A_150 = arith.andi %parallel_loop3A_143, %broadcast_in_dim3A_82 : vector<16xi32>
      %parallel_loop3A_151 = arith.constant 16 : i32
      %parallel_loop3A_152 = vector.broadcast %parallel_loop3A_151 : i32 to vector<16xi32>
      %parallel_loop3A_153 = arith.shli %parallel_loop3A_143, %parallel_loop3A_152 : vector<16xi32>
      %parallel_loop3A_154 = arith.select %parallel_loop3A_149, %parallel_loop3A_150, %parallel_loop3A_153 : vector<16xi1>, vector<16xi32>
      %parallel_loop3A_155 = vector.bitcast %parallel_loop3A_154 : vector<16xi32> to vector<16xf32>
      %parallel_loop3A_156 = arith.addf %parallel_loop3A_133, %parallel_loop3A_155 : vector<16xf32>
      %parallel_loop3A_157 = arith.constant 120 : i32
      %parallel_loop3A_158 = arith.addi %parallel_loop3A_157, %parallel_loop3A_129 : i32
      %parallel_loop3A_159 = arith.constant 16 : i32
      %parallel_loop3A_160 = arith.muli %parallel_loop3A_158, %parallel_loop3A_159 : i32
      %parallel_loop3A_161 = arith.index_cast %parallel_loop3A_160 : i32 to index
      %parallel_loop3A_162 = tpu.vector_load %arg11[%parallel_loop3A_161] {strides = array<i32>} : memref<3328xi32, #tpu.memory_space<vmem>>, vector<16xi32>,
      %parallel_loop3A_163 = arith.constant 1 : i32
      %parallel_loop3A_164 = vector.broadcast %parallel_loop3A_163 : i32 to vector<16xi32>
      %parallel_loop3A_165 = arith.shrsi %parallel_loop3A_162, %parallel_loop3A_164 : vector<16xi32>
      %parallel_loop3A_166 = tpu.vector_load_idx %arg7[%parallel_loop3A_165] : memref<13000xi32, #tpu.memory_space<vmem>>[vector<16xi32>], vector<16xi32>,
      %parallel_loop3A_167 = arith.constant 1 : i32
      %parallel_loop3A_168 = vector.broadcast %parallel_loop3A_167 : i32 to vector<16xi32>
      %parallel_loop3A_169 = arith.andi %parallel_loop3A_162, %parallel_loop3A_168 : vector<16xi32>
      %parallel_loop3A_170 = arith.constant 1 : i32
      %parallel_loop3A_171 = vector.broadcast %parallel_loop3A_170 : i32 to vector<16xi32>
      %parallel_loop3A_172 = arith.cmpi eq, %parallel_loop3A_169, %parallel_loop3A_171 : vector<16xi32>
      %parallel_loop3A_173 = arith.andi %parallel_loop3A_166, %broadcast_in_dim3A_82 : vector<16xi32>
      %parallel_loop3A_174 = arith.constant 16 : i32
      %parallel_loop3A_175 = vector.broadcast %parallel_loop3A_174 : i32 to vector<16xi32>
      %parallel_loop3A_176 = arith.shli %parallel_loop3A_166, %parallel_loop3A_175 : vector<16xi32>
      %parallel_loop3A_177 = arith.select %parallel_loop3A_172, %parallel_loop3A_173, %parallel_loop3A_176 : vector<16xi1>, vector<16xi32>
      %parallel_loop3A_178 = vector.bitcast %parallel_loop3A_177 : vector<16xi32> to vector<16xf32>
      %parallel_loop3A_179 = arith.addf %parallel_loop3A_156, %parallel_loop3A_178 : vector<16xf32>
      %parallel_loop3A_180 = arith.constant 128 : i32
      %parallel_loop3A_181 = arith.addi %parallel_loop3A_180, %parallel_loop3A_129 : i32
      %parallel_loop3A_182 = arith.constant 16 : i32
      %parallel_loop3A_183 = arith.muli %parallel_loop3A_181, %parallel_loop3A_182 : i32
      %parallel_loop3A_184 = arith.index_cast %parallel_loop3A_183 : i32 to index
      %parallel_loop3A_185 = tpu.vector_load %arg11[%parallel_loop3A_184] {strides = array<i32>} : memref<3328xi32, #tpu.memory_space<vmem>>, vector<16xi32>,
      %parallel_loop3A_186 = arith.constant 1 : i32
      %parallel_loop3A_187 = vector.broadcast %parallel_loop3A_186 : i32 to vector<16xi32>
      %parallel_loop3A_188 = arith.shrsi %parallel_loop3A_185, %parallel_loop3A_187 : vector<16xi32>
      %parallel_loop3A_189 = tpu.vector_load_idx %arg7[%parallel_loop3A_188] : memref<13000xi32, #tpu.memory_space<vmem>>[vector<16xi32>], vector<16xi32>,
      %parallel_loop3A_190 = arith.constant 1 : i32
      %parallel_loop3A_191 = vector.broadcast %parallel_loop3A_190 : i32 to vector<16xi32>
      %parallel_loop3A_192 = arith.andi %parallel_loop3A_185, %parallel_loop3A_191 : vector<16xi32>
      %parallel_loop3A_193 = arith.constant 1 : i32
      %parallel_loop3A_194 = vector.broadcast %parallel_loop3A_193 : i32 to vector<16xi32>
      %parallel_loop3A_195 = arith.cmpi eq, %parallel_loop3A_192, %parallel_loop3A_194 : vector<16xi32>
      %parallel_loop3A_196 = arith.andi %parallel_loop3A_189, %broadcast_in_dim3A_82 : vector<16xi32>
      %parallel_loop3A_197 = arith.constant 16 : i32
      %parallel_loop3A_198 = vector.broadcast %parallel_loop3A_197 : i32 to vector<16xi32>
      %parallel_loop3A_199 = arith.shli %parallel_loop3A_189, %parallel_loop3A_198 : vector<16xi32>
      %parallel_loop3A_200 = arith.select %parallel_loop3A_195, %parallel_loop3A_196, %parallel_loop3A_199 : vector<16xi1>, vector<16xi32>
      %parallel_loop3A_201 = vector.bitcast %parallel_loop3A_200 : vector<16xi32> to vector<16xf32>
      %parallel_loop3A_202 = arith.addf %parallel_loop3A_179, %parallel_loop3A_201 : vector<16xf32>
      %parallel_loop3A_203 = arith.constant 136 : i32
      %parallel_loop3A_204 = arith.addi %parallel_loop3A_203, %parallel_loop3A_129 : i32
      %parallel_loop3A_205 = arith.constant 16 : i32
      %parallel_loop3A_206 = arith.muli %parallel_loop3A_204, %parallel_loop3A_205 : i32
      %parallel_loop3A_207 = arith.index_cast %parallel_loop3A_206 : i32 to index
      %parallel_loop3A_208 = tpu.vector_load %arg11[%parallel_loop3A_207] {strides = array<i32>} : memref<3328xi32, #tpu.memory_space<vmem>>, vector<16xi32>,
      %parallel_loop3A_209 = arith.constant 1 : i32
      %parallel_loop3A_210 = vector.broadcast %parallel_loop3A_209 : i32 to vector<16xi32>
      %parallel_loop3A_211 = arith.shrsi %parallel_loop3A_208, %parallel_loop3A_210 : vector<16xi32>
      %parallel_loop3A_212 = tpu.vector_load_idx %arg7[%parallel_loop3A_211] : memref<13000xi32, #tpu.memory_space<vmem>>[vector<16xi32>], vector<16xi32>,
      %parallel_loop3A_213 = arith.constant 1 : i32
      %parallel_loop3A_214 = vector.broadcast %parallel_loop3A_213 : i32 to vector<16xi32>
      %parallel_loop3A_215 = arith.andi %parallel_loop3A_208, %parallel_loop3A_214 : vector<16xi32>
      %parallel_loop3A_216 = arith.constant 1 : i32
      %parallel_loop3A_217 = vector.broadcast %parallel_loop3A_216 : i32 to vector<16xi32>
      %parallel_loop3A_218 = arith.cmpi eq, %parallel_loop3A_215, %parallel_loop3A_217 : vector<16xi32>
      %parallel_loop3A_219 = arith.andi %parallel_loop3A_212, %broadcast_in_dim3A_82 : vector<16xi32>
      %parallel_loop3A_220 = arith.constant 16 : i32
      %parallel_loop3A_221 = vector.broadcast %parallel_loop3A_220 : i32 to vector<16xi32>
      %parallel_loop3A_222 = arith.shli %parallel_loop3A_212, %parallel_loop3A_221 : vector<16xi32>
      %parallel_loop3A_223 = arith.select %parallel_loop3A_218, %parallel_loop3A_219, %parallel_loop3A_222 : vector<16xi1>, vector<16xi32>
      %parallel_loop3A_224 = vector.bitcast %parallel_loop3A_223 : vector<16xi32> to vector<16xf32>
      %parallel_loop3A_225 = arith.addf %parallel_loop3A_202, %parallel_loop3A_224 : vector<16xf32>
      %parallel_loop3A_226 = arith.constant 144 : i32
      %parallel_loop3A_227 = arith.addi %parallel_loop3A_226, %parallel_loop3A_129 : i32
      %parallel_loop3A_228 = arith.constant 16 : i32
      %parallel_loop3A_229 = arith.muli %parallel_loop3A_227, %parallel_loop3A_228 : i32
      %parallel_loop3A_230 = arith.index_cast %parallel_loop3A_229 : i32 to index
      %parallel_loop3A_231 = tpu.vector_load %arg11[%parallel_loop3A_230] {strides = array<i32>} : memref<3328xi32, #tpu.memory_space<vmem>>, vector<16xi32>,
      %parallel_loop3A_232 = arith.constant 1 : i32
      %parallel_loop3A_233 = vector.broadcast %parallel_loop3A_232 : i32 to vector<16xi32>
      %parallel_loop3A_234 = arith.shrsi %parallel_loop3A_231, %parallel_loop3A_233 : vector<16xi32>
      %parallel_loop3A_235 = tpu.vector_load_idx %arg7[%parallel_loop3A_234] : memref<13000xi32, #tpu.memory_space<vmem>>[vector<16xi32>], vector<16xi32>,
      %parallel_loop3A_236 = arith.constant 1 : i32
      %parallel_loop3A_237 = vector.broadcast %parallel_loop3A_236 : i32 to vector<16xi32>
      %parallel_loop3A_238 = arith.andi %parallel_loop3A_231, %parallel_loop3A_237 : vector<16xi32>
      %parallel_loop3A_239 = arith.constant 1 : i32
      %parallel_loop3A_240 = vector.broadcast %parallel_loop3A_239 : i32 to vector<16xi32>
      %parallel_loop3A_241 = arith.cmpi eq, %parallel_loop3A_238, %parallel_loop3A_240 : vector<16xi32>
      %parallel_loop3A_242 = arith.andi %parallel_loop3A_235, %broadcast_in_dim3A_82 : vector<16xi32>
      %parallel_loop3A_243 = arith.constant 16 : i32
      %parallel_loop3A_244 = vector.broadcast %parallel_loop3A_243 : i32 to vector<16xi32>
      %parallel_loop3A_245 = arith.shli %parallel_loop3A_235, %parallel_loop3A_244 : vector<16xi32>
      %parallel_loop3A_246 = arith.select %parallel_loop3A_241, %parallel_loop3A_242, %parallel_loop3A_245 : vector<16xi1>, vector<16xi32>
      %parallel_loop3A_247 = vector.bitcast %parallel_loop3A_246 : vector<16xi32> to vector<16xf32>
      %parallel_loop3A_248 = arith.addf %parallel_loop3A_225, %parallel_loop3A_247 : vector<16xf32>
      %parallel_loop3A_249 = arith.constant 152 : i32
      %parallel_loop3A_250 = arith.addi %parallel_loop3A_249, %parallel_loop3A_129 : i32
      %parallel_loop3A_251 = arith.constant 16 : i32
      %parallel_loop3A_252 = arith.muli %parallel_loop3A_250, %parallel_loop3A_251 : i32
      %parallel_loop3A_253 = arith.index_cast %parallel_loop3A_252 : i32 to index
      %parallel_loop3A_254 = tpu.vector_load %arg11[%parallel_loop3A_253] {strides = array<i32>} : memref<3328xi32, #tpu.memory_space<vmem>>, vector<16xi32>,
      %parallel_loop3A_255 = arith.constant 1 : i32
      %parallel_loop3A_256 = vector.broadcast %parallel_loop3A_255 : i32 to vector<16xi32>
      %parallel_loop3A_257 = arith.shrsi %parallel_loop3A_254, %parallel_loop3A_256 : vector<16xi32>
      %parallel_loop3A_258 = tpu.vector_load_idx %arg7[%parallel_loop3A_257] : memref<13000xi32, #tpu.memory_space<vmem>>[vector<16xi32>], vector<16xi32>,
      %parallel_loop3A_259 = arith.constant 1 : i32
      %parallel_loop3A_260 = vector.broadcast %parallel_loop3A_259 : i32 to vector<16xi32>
      %parallel_loop3A_261 = arith.andi %parallel_loop3A_254, %parallel_loop3A_260 : vector<16xi32>
      %parallel_loop3A_262 = arith.constant 1 : i32
      %parallel_loop3A_263 = vector.broadcast %parallel_loop3A_262 : i32 to vector<16xi32>
      %parallel_loop3A_264 = arith.cmpi eq, %parallel_loop3A_261, %parallel_loop3A_263 : vector<16xi32>
      %parallel_loop3A_265 = arith.andi %parallel_loop3A_258, %broadcast_in_dim3A_82 : vector<16xi32>
      %parallel_loop3A_266 = arith.constant 16 : i32
      %parallel_loop3A_267 = vector.broadcast %parallel_loop3A_266 : i32 to vector<16xi32>
      %parallel_loop3A_268 = arith.shli %parallel_loop3A_258, %parallel_loop3A_267 : vector<16xi32>
      %parallel_loop3A_269 = arith.select %parallel_loop3A_264, %parallel_loop3A_265, %parallel_loop3A_268 : vector<16xi1>, vector<16xi32>
      %parallel_loop3A_270 = vector.bitcast %parallel_loop3A_269 : vector<16xi32> to vector<16xf32>
      %parallel_loop3A_271 = arith.addf %parallel_loop3A_248, %parallel_loop3A_270 : vector<16xf32>
      %parallel_loop3A_272 = arith.constant 16 : i32
      %parallel_loop3A_273 = arith.muli %parallel_loop3A_129, %parallel_loop3A_272 : i32
      %parallel_loop3A_274 = arith.index_cast %parallel_loop3A_273 : i32 to index
      %parallel_loop3A_275 = tpu.vector_load %arg10[%parallel_loop3A_274] {strides = array<i32>} : memref<128xf32, #tpu.memory_space<vmem>>, vector<16xf32>,
      tpu.vector_store %arg10[%parallel_loop3A_274], %parallel_loop3A_271 {strides = array<i32>} : memref<128xf32, #tpu.memory_space<vmem>>, vector<16xf32>,
    } {sc.loop_unroll_factor = 1 : i64, sc.parallel_access}
    "tpu.trace_stop"() : () -> ()
    "tpu.trace_start"() <{level = 10 : i32, message = "wait_w3"}> : () -> ()
    %dma_wait3A_116 = arith.constant 10000 : i32
    %dma_wait3A_117 = tpu.memref_slice %arg7[%dma_wait3A_116] : memref<13000xi32, #tpu.memory_space<vmem>> -> memref<3000xi32, #tpu.memory_space<vmem>>
    %dma_wait3A_118 = arith.constant 10000 : i32
    %dma_wait3A_119 = tpu.memref_slice %arg12[%dma_wait3A_118] : memref<13000xi32, #tpu.memory_space<vmem_shared>> -> memref<3000xi32, #tpu.memory_space<vmem_shared>>
    %dma_wait3A_120 = arith.constant 10000 : i32
    %dma_wait3A_121 = tpu.memref_slice %arg7[%dma_wait3A_120] : memref<13000xi32, #tpu.memory_space<vmem>> -> memref<3000xi32, #tpu.memory_space<vmem>>
    %dma_wait3A_122 = arith.constant 10000 : i32
    %dma_wait3A_123 = tpu.memref_slice %arg12[%dma_wait3A_122] : memref<13000xi32, #tpu.memory_space<vmem_shared>> -> memref<3000xi32, #tpu.memory_space<vmem_shared>>
    tpu.wait_dma2 semaphore(%arg16 : memref<!tpu.dma_semaphore, #tpu.memory_space<semaphore_mem>>) src(%dma_wait3A_123 : memref<3000xi32, #tpu.memory_space<vmem_shared>>) dst(%dma_wait3A_121 : memref<3000xi32, #tpu.memory_space<vmem>>)
    %parallel_loop3A_124 = arith.constant 0 : i32
    %parallel_loop3A_125 = arith.constant 8 : i32
    %parallel_loop3A_126 = arith.constant 1 : i32
    "tpu.trace_stop"() : () -> ()
    "tpu.trace_start"() <{level = 10 : i32, message = "pass2_3"}> : () -> ()
    scf.for %parallel_loop3A_129 = %parallel_loop3A_124 to %parallel_loop3A_125 step %parallel_loop3A_126  : i32 {
      %parallel_loop3A_130 = arith.constant 16 : i32
      %parallel_loop3A_131 = arith.muli %parallel_loop3A_129, %parallel_loop3A_130 : i32
      %parallel_loop3A_132 = arith.index_cast %parallel_loop3A_131 : i32 to index
      %parallel_loop3A_133 = tpu.vector_load %arg10[%parallel_loop3A_132] {strides = array<i32>} : memref<128xf32, #tpu.memory_space<vmem>>, vector<16xf32>,
      %parallel_loop3A_134 = arith.constant 160 : i32
      %parallel_loop3A_135 = arith.addi %parallel_loop3A_134, %parallel_loop3A_129 : i32
      %parallel_loop3A_136 = arith.constant 16 : i32
      %parallel_loop3A_137 = arith.muli %parallel_loop3A_135, %parallel_loop3A_136 : i32
      %parallel_loop3A_138 = arith.index_cast %parallel_loop3A_137 : i32 to index
      %parallel_loop3A_139 = tpu.vector_load %arg11[%parallel_loop3A_138] {strides = array<i32>} : memref<3328xi32, #tpu.memory_space<vmem>>, vector<16xi32>,
      %parallel_loop3A_140 = arith.constant 1 : i32
      %parallel_loop3A_141 = vector.broadcast %parallel_loop3A_140 : i32 to vector<16xi32>
      %parallel_loop3A_142 = arith.shrsi %parallel_loop3A_139, %parallel_loop3A_141 : vector<16xi32>
      %parallel_loop3A_143 = tpu.vector_load_idx %arg7[%parallel_loop3A_142] : memref<13000xi32, #tpu.memory_space<vmem>>[vector<16xi32>], vector<16xi32>,
      %parallel_loop3A_144 = arith.constant 1 : i32
      %parallel_loop3A_145 = vector.broadcast %parallel_loop3A_144 : i32 to vector<16xi32>
      %parallel_loop3A_146 = arith.andi %parallel_loop3A_139, %parallel_loop3A_145 : vector<16xi32>
      %parallel_loop3A_147 = arith.constant 1 : i32
      %parallel_loop3A_148 = vector.broadcast %parallel_loop3A_147 : i32 to vector<16xi32>
      %parallel_loop3A_149 = arith.cmpi eq, %parallel_loop3A_146, %parallel_loop3A_148 : vector<16xi32>
      %parallel_loop3A_150 = arith.andi %parallel_loop3A_143, %broadcast_in_dim3A_82 : vector<16xi32>
      %parallel_loop3A_151 = arith.constant 16 : i32
      %parallel_loop3A_152 = vector.broadcast %parallel_loop3A_151 : i32 to vector<16xi32>
      %parallel_loop3A_153 = arith.shli %parallel_loop3A_143, %parallel_loop3A_152 : vector<16xi32>
      %parallel_loop3A_154 = arith.select %parallel_loop3A_149, %parallel_loop3A_150, %parallel_loop3A_153 : vector<16xi1>, vector<16xi32>
      %parallel_loop3A_155 = vector.bitcast %parallel_loop3A_154 : vector<16xi32> to vector<16xf32>
      %parallel_loop3A_156 = arith.addf %parallel_loop3A_133, %parallel_loop3A_155 : vector<16xf32>
      %parallel_loop3A_157 = arith.constant 168 : i32
      %parallel_loop3A_158 = arith.addi %parallel_loop3A_157, %parallel_loop3A_129 : i32
      %parallel_loop3A_159 = arith.constant 16 : i32
      %parallel_loop3A_160 = arith.muli %parallel_loop3A_158, %parallel_loop3A_159 : i32
      %parallel_loop3A_161 = arith.index_cast %parallel_loop3A_160 : i32 to index
      %parallel_loop3A_162 = tpu.vector_load %arg11[%parallel_loop3A_161] {strides = array<i32>} : memref<3328xi32, #tpu.memory_space<vmem>>, vector<16xi32>,
      %parallel_loop3A_163 = arith.constant 1 : i32
      %parallel_loop3A_164 = vector.broadcast %parallel_loop3A_163 : i32 to vector<16xi32>
      %parallel_loop3A_165 = arith.shrsi %parallel_loop3A_162, %parallel_loop3A_164 : vector<16xi32>
      %parallel_loop3A_166 = tpu.vector_load_idx %arg7[%parallel_loop3A_165] : memref<13000xi32, #tpu.memory_space<vmem>>[vector<16xi32>], vector<16xi32>,
      %parallel_loop3A_167 = arith.constant 1 : i32
      %parallel_loop3A_168 = vector.broadcast %parallel_loop3A_167 : i32 to vector<16xi32>
      %parallel_loop3A_169 = arith.andi %parallel_loop3A_162, %parallel_loop3A_168 : vector<16xi32>
      %parallel_loop3A_170 = arith.constant 1 : i32
      %parallel_loop3A_171 = vector.broadcast %parallel_loop3A_170 : i32 to vector<16xi32>
      %parallel_loop3A_172 = arith.cmpi eq, %parallel_loop3A_169, %parallel_loop3A_171 : vector<16xi32>
      %parallel_loop3A_173 = arith.andi %parallel_loop3A_166, %broadcast_in_dim3A_82 : vector<16xi32>
      %parallel_loop3A_174 = arith.constant 16 : i32
      %parallel_loop3A_175 = vector.broadcast %parallel_loop3A_174 : i32 to vector<16xi32>
      %parallel_loop3A_176 = arith.shli %parallel_loop3A_166, %parallel_loop3A_175 : vector<16xi32>
      %parallel_loop3A_177 = arith.select %parallel_loop3A_172, %parallel_loop3A_173, %parallel_loop3A_176 : vector<16xi1>, vector<16xi32>
      %parallel_loop3A_178 = vector.bitcast %parallel_loop3A_177 : vector<16xi32> to vector<16xf32>
      %parallel_loop3A_179 = arith.addf %parallel_loop3A_156, %parallel_loop3A_178 : vector<16xf32>
      %parallel_loop3A_180 = arith.constant 176 : i32
      %parallel_loop3A_181 = arith.addi %parallel_loop3A_180, %parallel_loop3A_129 : i32
      %parallel_loop3A_182 = arith.constant 16 : i32
      %parallel_loop3A_183 = arith.muli %parallel_loop3A_181, %parallel_loop3A_182 : i32
      %parallel_loop3A_184 = arith.index_cast %parallel_loop3A_183 : i32 to index
      %parallel_loop3A_185 = tpu.vector_load %arg11[%parallel_loop3A_184] {strides = array<i32>} : memref<3328xi32, #tpu.memory_space<vmem>>, vector<16xi32>,
      %parallel_loop3A_186 = arith.constant 1 : i32
      %parallel_loop3A_187 = vector.broadcast %parallel_loop3A_186 : i32 to vector<16xi32>
      %parallel_loop3A_188 = arith.shrsi %parallel_loop3A_185, %parallel_loop3A_187 : vector<16xi32>
      %parallel_loop3A_189 = tpu.vector_load_idx %arg7[%parallel_loop3A_188] : memref<13000xi32, #tpu.memory_space<vmem>>[vector<16xi32>], vector<16xi32>,
      %parallel_loop3A_190 = arith.constant 1 : i32
      %parallel_loop3A_191 = vector.broadcast %parallel_loop3A_190 : i32 to vector<16xi32>
      %parallel_loop3A_192 = arith.andi %parallel_loop3A_185, %parallel_loop3A_191 : vector<16xi32>
      %parallel_loop3A_193 = arith.constant 1 : i32
      %parallel_loop3A_194 = vector.broadcast %parallel_loop3A_193 : i32 to vector<16xi32>
      %parallel_loop3A_195 = arith.cmpi eq, %parallel_loop3A_192, %parallel_loop3A_194 : vector<16xi32>
      %parallel_loop3A_196 = arith.andi %parallel_loop3A_189, %broadcast_in_dim3A_82 : vector<16xi32>
      %parallel_loop3A_197 = arith.constant 16 : i32
      %parallel_loop3A_198 = vector.broadcast %parallel_loop3A_197 : i32 to vector<16xi32>
      %parallel_loop3A_199 = arith.shli %parallel_loop3A_189, %parallel_loop3A_198 : vector<16xi32>
      %parallel_loop3A_200 = arith.select %parallel_loop3A_195, %parallel_loop3A_196, %parallel_loop3A_199 : vector<16xi1>, vector<16xi32>
      %parallel_loop3A_201 = vector.bitcast %parallel_loop3A_200 : vector<16xi32> to vector<16xf32>
      %parallel_loop3A_202 = arith.addf %parallel_loop3A_179, %parallel_loop3A_201 : vector<16xf32>
      %parallel_loop3A_203 = arith.constant 184 : i32
      %parallel_loop3A_204 = arith.addi %parallel_loop3A_203, %parallel_loop3A_129 : i32
      %parallel_loop3A_205 = arith.constant 16 : i32
      %parallel_loop3A_206 = arith.muli %parallel_loop3A_204, %parallel_loop3A_205 : i32
      %parallel_loop3A_207 = arith.index_cast %parallel_loop3A_206 : i32 to index
      %parallel_loop3A_208 = tpu.vector_load %arg11[%parallel_loop3A_207] {strides = array<i32>} : memref<3328xi32, #tpu.memory_space<vmem>>, vector<16xi32>,
      %parallel_loop3A_209 = arith.constant 1 : i32
      %parallel_loop3A_210 = vector.broadcast %parallel_loop3A_209 : i32 to vector<16xi32>
      %parallel_loop3A_211 = arith.shrsi %parallel_loop3A_208, %parallel_loop3A_210 : vector<16xi32>
      %parallel_loop3A_212 = tpu.vector_load_idx %arg7[%parallel_loop3A_211] : memref<13000xi32, #tpu.memory_space<vmem>>[vector<16xi32>], vector<16xi32>,
      %parallel_loop3A_213 = arith.constant 1 : i32
      %parallel_loop3A_214 = vector.broadcast %parallel_loop3A_213 : i32 to vector<16xi32>
      %parallel_loop3A_215 = arith.andi %parallel_loop3A_208, %parallel_loop3A_214 : vector<16xi32>
      %parallel_loop3A_216 = arith.constant 1 : i32
      %parallel_loop3A_217 = vector.broadcast %parallel_loop3A_216 : i32 to vector<16xi32>
      %parallel_loop3A_218 = arith.cmpi eq, %parallel_loop3A_215, %parallel_loop3A_217 : vector<16xi32>
      %parallel_loop3A_219 = arith.andi %parallel_loop3A_212, %broadcast_in_dim3A_82 : vector<16xi32>
      %parallel_loop3A_220 = arith.constant 16 : i32
      %parallel_loop3A_221 = vector.broadcast %parallel_loop3A_220 : i32 to vector<16xi32>
      %parallel_loop3A_222 = arith.shli %parallel_loop3A_212, %parallel_loop3A_221 : vector<16xi32>
      %parallel_loop3A_223 = arith.select %parallel_loop3A_218, %parallel_loop3A_219, %parallel_loop3A_222 : vector<16xi1>, vector<16xi32>
      %parallel_loop3A_224 = vector.bitcast %parallel_loop3A_223 : vector<16xi32> to vector<16xf32>
      %parallel_loop3A_225 = arith.addf %parallel_loop3A_202, %parallel_loop3A_224 : vector<16xf32>
      %parallel_loop3A_226 = arith.constant 192 : i32
      %parallel_loop3A_227 = arith.addi %parallel_loop3A_226, %parallel_loop3A_129 : i32
      %parallel_loop3A_228 = arith.constant 16 : i32
      %parallel_loop3A_229 = arith.muli %parallel_loop3A_227, %parallel_loop3A_228 : i32
      %parallel_loop3A_230 = arith.index_cast %parallel_loop3A_229 : i32 to index
      %parallel_loop3A_231 = tpu.vector_load %arg11[%parallel_loop3A_230] {strides = array<i32>} : memref<3328xi32, #tpu.memory_space<vmem>>, vector<16xi32>,
      %parallel_loop3A_232 = arith.constant 1 : i32
      %parallel_loop3A_233 = vector.broadcast %parallel_loop3A_232 : i32 to vector<16xi32>
      %parallel_loop3A_234 = arith.shrsi %parallel_loop3A_231, %parallel_loop3A_233 : vector<16xi32>
      %parallel_loop3A_235 = tpu.vector_load_idx %arg7[%parallel_loop3A_234] : memref<13000xi32, #tpu.memory_space<vmem>>[vector<16xi32>], vector<16xi32>,
      %parallel_loop3A_236 = arith.constant 1 : i32
      %parallel_loop3A_237 = vector.broadcast %parallel_loop3A_236 : i32 to vector<16xi32>
      %parallel_loop3A_238 = arith.andi %parallel_loop3A_231, %parallel_loop3A_237 : vector<16xi32>
      %parallel_loop3A_239 = arith.constant 1 : i32
      %parallel_loop3A_240 = vector.broadcast %parallel_loop3A_239 : i32 to vector<16xi32>
      %parallel_loop3A_241 = arith.cmpi eq, %parallel_loop3A_238, %parallel_loop3A_240 : vector<16xi32>
      %parallel_loop3A_242 = arith.andi %parallel_loop3A_235, %broadcast_in_dim3A_82 : vector<16xi32>
      %parallel_loop3A_243 = arith.constant 16 : i32
      %parallel_loop3A_244 = vector.broadcast %parallel_loop3A_243 : i32 to vector<16xi32>
      %parallel_loop3A_245 = arith.shli %parallel_loop3A_235, %parallel_loop3A_244 : vector<16xi32>
      %parallel_loop3A_246 = arith.select %parallel_loop3A_241, %parallel_loop3A_242, %parallel_loop3A_245 : vector<16xi1>, vector<16xi32>
      %parallel_loop3A_247 = vector.bitcast %parallel_loop3A_246 : vector<16xi32> to vector<16xf32>
      %parallel_loop3A_248 = arith.addf %parallel_loop3A_225, %parallel_loop3A_247 : vector<16xf32>
      %parallel_loop3A_249 = arith.constant 200 : i32
      %parallel_loop3A_250 = arith.addi %parallel_loop3A_249, %parallel_loop3A_129 : i32
      %parallel_loop3A_251 = arith.constant 16 : i32
      %parallel_loop3A_252 = arith.muli %parallel_loop3A_250, %parallel_loop3A_251 : i32
      %parallel_loop3A_253 = arith.index_cast %parallel_loop3A_252 : i32 to index
      %parallel_loop3A_254 = tpu.vector_load %arg11[%parallel_loop3A_253] {strides = array<i32>} : memref<3328xi32, #tpu.memory_space<vmem>>, vector<16xi32>,
      %parallel_loop3A_255 = arith.constant 1 : i32
      %parallel_loop3A_256 = vector.broadcast %parallel_loop3A_255 : i32 to vector<16xi32>
      %parallel_loop3A_257 = arith.shrsi %parallel_loop3A_254, %parallel_loop3A_256 : vector<16xi32>
      %parallel_loop3A_258 = tpu.vector_load_idx %arg7[%parallel_loop3A_257] : memref<13000xi32, #tpu.memory_space<vmem>>[vector<16xi32>], vector<16xi32>,
      %parallel_loop3A_259 = arith.constant 1 : i32
      %parallel_loop3A_260 = vector.broadcast %parallel_loop3A_259 : i32 to vector<16xi32>
      %parallel_loop3A_261 = arith.andi %parallel_loop3A_254, %parallel_loop3A_260 : vector<16xi32>
      %parallel_loop3A_262 = arith.constant 1 : i32
      %parallel_loop3A_263 = vector.broadcast %parallel_loop3A_262 : i32 to vector<16xi32>
      %parallel_loop3A_264 = arith.cmpi eq, %parallel_loop3A_261, %parallel_loop3A_263 : vector<16xi32>
      %parallel_loop3A_265 = arith.andi %parallel_loop3A_258, %broadcast_in_dim3A_82 : vector<16xi32>
      %parallel_loop3A_266 = arith.constant 16 : i32
      %parallel_loop3A_267 = vector.broadcast %parallel_loop3A_266 : i32 to vector<16xi32>
      %parallel_loop3A_268 = arith.shli %parallel_loop3A_258, %parallel_loop3A_267 : vector<16xi32>
      %parallel_loop3A_269 = arith.select %parallel_loop3A_264, %parallel_loop3A_265, %parallel_loop3A_268 : vector<16xi1>, vector<16xi32>
      %parallel_loop3A_270 = vector.bitcast %parallel_loop3A_269 : vector<16xi32> to vector<16xf32>
      %parallel_loop3A_271 = arith.addf %parallel_loop3A_248, %parallel_loop3A_270 : vector<16xf32>
      %parallel_loop3A_272 = arith.constant 16 : i32
      %parallel_loop3A_273 = arith.muli %parallel_loop3A_129, %parallel_loop3A_272 : i32
      %parallel_loop3A_274 = arith.index_cast %parallel_loop3A_273 : i32 to index
      %parallel_loop3A_275 = tpu.vector_load %arg10[%parallel_loop3A_274] {strides = array<i32>} : memref<128xf32, #tpu.memory_space<vmem>>, vector<16xf32>,
      tpu.vector_store %arg10[%parallel_loop3A_274], %parallel_loop3A_271 {strides = array<i32>} : memref<128xf32, #tpu.memory_space<vmem>>, vector<16xf32>,
    } {sc.loop_unroll_factor = 1 : i64, sc.parallel_access}
    "tpu.trace_stop"() : () -> ()
    "tpu.trace_start"() <{level = 10 : i32, message = "writeback"}> : () -> ()
    %mul3A_127 = arith.constant 128 : i32
    %mul3A_128 = arith.muli %add3A, %mul3A_127 : i32
    "tpu.region"() ({
      %run_scoped3A = tpu.sem_alloc : memref<!tpu.dma_semaphore, #tpu.memory_space<semaphore_mem>>
      %dma_start3A_129 = tpu.memref_slice %arg5[%mul3A_128] : memref<4096xf32, #tpu.memory_space<hbm>> -> memref<128xf32, #tpu.memory_space<hbm>>
      %dma_start3A_130 = tpu.memref_slice %arg5[%mul3A_128] : memref<4096xf32, #tpu.memory_space<hbm>> -> memref<128xf32, #tpu.memory_space<hbm>>
      tpu.enqueue_dma source(%arg10 : memref<128xf32, #tpu.memory_space<vmem>>) target(%dma_start3A_130 : memref<128xf32, #tpu.memory_space<hbm>>) target_semaphore(%run_scoped3A : memref<!tpu.dma_semaphore, #tpu.memory_space<semaphore_mem>>)
      %dma_wait3A_131 = tpu.memref_slice %arg5[%mul3A_128] : memref<4096xf32, #tpu.memory_space<hbm>> -> memref<128xf32, #tpu.memory_space<hbm>>
      %dma_wait3A_132 = tpu.memref_slice %arg5[%mul3A_128] : memref<4096xf32, #tpu.memory_space<hbm>> -> memref<128xf32, #tpu.memory_space<hbm>>
      tpu.wait_dma2 semaphore(%run_scoped3A : memref<!tpu.dma_semaphore, #tpu.memory_space<semaphore_mem>>) src(%arg10 : memref<128xf32, #tpu.memory_space<vmem>>) dst(%dma_wait3A_132 : memref<128xf32, #tpu.memory_space<hbm>>)
      tpu.yield
    }) : () -> ()
    "tpu.trace_stop"() : () -> ()
    return
  }
}

</mosaic_0001>

<sc_bundles>
// kernel: kernel.3.cloned.1.call-start
scs
__scs_entry_jumppad:
0x0: {  	(pc) =	sbr.rel $0x88, $3  }
0x1: {  	(tag) =	ssettag $0x0;
	lr =	simm.s32 $0x1  }
0x2: {  	[smem:$0x3F9E] =	sst lr;
	_ =	strace $0xD0000000  }
0x3: {  	_ = 	snop  }
0x4: {  	_ = 	snop  }
0x5: {  	_ = 	snop  }
0x6: {  	_ = 	snop  }
0x7: {  	_ = 	snop  }
__scs_overlays_trampoline_lowered:
0x8: {  	[smem:$0x3FAD] =	sst s0  }
0x9: {  	[smem:$0x3FAE] =	sst s1  }
0xa: {  	[smem:$0x3FAF] =	sst s2  }
0xb: {  	[smem:$0x3FB0] =	sst s3  }
0xc: {  	[smem:$0x3FB1] =	sst s4  }
0xd: {  	[smem:$0x3FB2] =	sst s5  }
0xe: {  	[smem:$0x3FB3] =	sst s6  }
0xf: {  	[smem:$0x3FB4] =	sst s7  }
0x10: {  	[smem:$0x3FB5] =	sst s8  }
0x11: {  	[smem:$0x3FB6] =	sst s9;
	s0 =	simm.s32 @!p0 $0x0  }
0x12: {  	s1 =	sld [smem:$0x3F9C];
	s0 =	simm.s32 @p0 $0x1  }
0x13: {  	[smem:$0x3FB7] =	sst s0;
	s0 =	simm.s32 @!p1 $0x0  }
0x14: {  	s2 =	sld [smem:$0x3F9B];
	s0 =	simm.s32 @p1 $0x1  }
0x15: {  	[smem:$0x3FB8] =	sst s0;
	s0 =	simm.s32 @!p2 $0x0  }
0x16: {  	s3 =	sld [smem:$0x3FDB];
	s0 =	simm.s32 @p2 $0x1  }
0x17: {  	s4 =	simm.s32 $0x1BF5;
	[smem:$0x3FBA] =	sst s0  }
0x18: {  	s0 =	sld [smem:$0x3F9D];
	_ =	swait.ge [sflag:s4], $0x0  }
0x19: {  	s7 =	sld [smem:$0x3F9E]  }
0x1a: {  	s8 =	sadd.s32 $0xFFFFE003, lr  }
0x1b: {  	s9 =	sadd.s32 $0xFFFFFEF7, lr;
	s5 =	simm.s32 $0xFFFFFFFF;
	p2 =	slt.u32 s8, $0xFFFFF086  }
0x1c: {  	p1 =	slt.u32 s9, $0xF7A;
	s5 =	simm.s32 @!p2 $0x0  }
0x1d: {  	s5 =	simm.s32 @p1 $0x1;
	p0 =	seq.s32 s7, s2  }
0x1e: {  	s7 =	smul.u32 @!p0 $0xF7A, s2;
	p2 =	seq.s32 @!p0 s5, $0x0  }
0x1f: {  	s9 =	smul.u32 $0xF7A, s1;
	s8 =	simm.s32 @!p0 $0x1BF5;
	p2 =	por !p2, p0  }
0x20: {  	[sflag:s8] =	ssyncset.s32 @!p0 $0xFFFFF086;
	s6 =	sadd.s32 @!p0 s3, s7;
	s7 =	simm.s32 @!p0 $0x108  }
0x21: {  	s3 =	sadd.s32 s3, s9;
	s6 =	sadd.s32 @!p0 $0x88, s6;
	s7 =	simm.s32 @p2 $0x1082  }
0x22: {  	[simem:s7], [sflag:s8] =	dma.local @!p0 [hbm:s6], $0xF7A  }
0x23: {  	s9 =	sor.u32 $0xD0000000, s2;
	s6 =	simm.s32 $0x108;
	_ =	swait.ge @!p0 [sflag:s8], $0x0  }
0x24: {  	s3 =	sadd.s32 $0x88, s3;
	s6 =	simm.s32 @!p1 $0x1082;
	[sflag:s4] =	ssyncset.s32 $0xFFFFF086  }
0x25: {  	[simem:s6], [sflag:s4] =	dma.local [hbm:s3], $0xF7A  }
0x26: {  	[smem:$0x3F9E] =	sst s1;
	(tag) =	ssettag s2;
	_ =	strace s9  }
0x27: {  	s1 =	sld [smem:$0x3FAE]  }
0x28: {  	s2 =	sld [smem:$0x3FAF]  }
0x29: {  	s4 =	sld [smem:$0x3FB1]  }
0x2a: {  	p0 =	seq.s32 s5, $0x0;
	s5 =	sld [smem:$0x3FB2]  }
0x2b: {  	s6 =	sld [smem:$0x3FB3]  }
0x2c: {  	s7 =	sld [smem:$0x3FB4]  }
0x2d: {  	s3 =	simm.s32 $0x108;
	s8 =	sld [smem:$0x3FB5]  }
0x2e: {  	s3 =	simm.s32 @!p0 $0x1082;
	s9 =	sld [smem:$0x3FB6]  }
0x2f: {  	lr =	sadd.s32 s0, s3;
	s0 =	sld [smem:$0x3FAD]  }
0x30: {  	s3 =	sld [smem:$0x3FB0]  }
0x31: {  	[smem:$0x3FB9] =	sst s10  }
0x32: {  	s10 =	sld [smem:$0x3FB7];
	_ =	sdelay $0x3  }
0x33: {  	p0 =	seq.s32 s10, $0x1;
	s10 =	sld [smem:$0x3FB9];
	_ =	sdelay $0x3  }
0x34: {  	[smem:$0x3FB9] =	sst s10  }
0x35: {  	s10 =	sld [smem:$0x3FB8];
	_ =	sdelay $0x3  }
0x36: {  	p1 =	seq.s32 s10, $0x1;
	s10 =	sld [smem:$0x3FB9];
	_ =	sdelay $0x3  }
0x37: {  	[smem:$0x3FB9] =	sst s10  }
0x38: {  	s10 =	sld [smem:$0x3FBA]  }
0x39: {  	_ = 	snop;
	(pc) =	sbr.ind lr, $3  }
0x3a: {  	_ = 	snop  }
0x3b: {  	_ = 	snop  }
0x3c: {  	p2 =	seq.s32 s10, $0x1;
	s10 =	sld [smem:$0x3FB9]  }
0x3d: {  	_ =	shalt  }
0x3e: {  	_ =	shalt  }
0x3f: {  	_ =	shalt  }
0x40: {  	_ =	shalt  }
0x41: {  	_ =	shalt  }
0x42: {  	_ =	shalt  }
0x43: {  	_ =	shalt  }
0x44: {  	_ =	shalt  }
0x45: {  	_ =	shalt  }
0x46: {  	_ =	shalt  }
0x47: {  	_ =	shalt  }
0x48: {  	_ =	shalt  }
0x49: {  	_ =	shalt  }
0x4a: {  	_ =	shalt  }
0x4b: {  	_ =	shalt  }
0x4c: {  	_ =	shalt  }
0x4d: {  	_ =	shalt  }
0x4e: {  	_ =	shalt  }
0x4f: {  	_ =	shalt  }
0x50: {  	_ =	shalt  }
0x51: {  	_ =	shalt  }
0x52: {  	_ =	shalt  }
0x53: {  	_ =	shalt  }
0x54: {  	_ =	shalt  }
0x55: {  	_ =	shalt  }
0x56: {  	_ =	shalt  }
0x57: {  	_ =	shalt  }
0x58: {  	_ =	shalt  }
0x59: {  	_ =	shalt  }
0x5a: {  	_ =	shalt  }
0x5b: {  	_ =	shalt  }
0x5c: {  	_ =	shalt  }
0x5d: {  	_ =	shalt  }
0x5e: {  	_ =	shalt  }
0x5f: {  	_ =	shalt  }
0x60: {  	_ =	shalt  }
0x61: {  	_ =	shalt  }
0x62: {  	_ =	shalt  }
0x63: {  	_ =	shalt  }
0x64: {  	_ =	shalt  }
0x65: {  	_ =	shalt  }
0x66: {  	_ =	shalt  }
0x67: {  	_ =	shalt  }
0x68: {  	_ =	shalt  }
0x69: {  	_ =	shalt  }
0x6a: {  	_ =	shalt  }
0x6b: {  	_ =	shalt  }
0x6c: {  	_ =	shalt  }
0x6d: {  	_ =	shalt  }
0x6e: {  	_ =	shalt  }
0x6f: {  	_ =	shalt  }
0x70: {  	_ =	shalt  }
0x71: {  	_ =	shalt  }
0x72: {  	_ =	shalt  }
0x73: {  	_ =	shalt  }
0x74: {  	_ =	shalt  }
0x75: {  	_ =	shalt  }
0x76: {  	_ =	shalt  }
0x77: {  	_ =	shalt  }
0x78: {  	_ =	shalt  }
0x79: {  	_ =	shalt  }
0x7a: {  	_ =	shalt  }
0x7b: {  	_ =	shalt  }
0x7c: {  	_ =	shalt  }
0x7d: {  	_ =	shalt  }
0x7e: {  	_ =	shalt  }
0x7f: {  	_ =	shalt  }
0x80: {  	_ =	shalt  }
0x81: {  	_ =	shalt  }
0x82: {  	_ =	shalt  }
0x83: {  	_ =	shalt  }
0x84: {  	_ =	shalt  }
0x85: {  	_ =	shalt  }
0x86: {  	_ =	shalt  }
0x87: {  	_ =	shalt  }
.Lfunc_end0:
.L_simem_size_0:
called_computation_lowered:
.L_overlay_start_0:
0x88: {  	s2 =	sld [smem:$0x3FD9]  }
0x89: {  	s3 =	sld [smem:$0x3FFE];
	_ =	sdelay $0x1  }
0x8a: {  	s1 =	srdreg.scid  }
0x8b: {  	s0 =	sand.u32 $0x1, s1  }
0x8c: {  	s17 =	sshll.u32 s0, $0xA;
	s2 =	sadd.s32 s3, s2  }
0x8d: {  	s2 =	sadd.s32 s2, s17  }
0x8e: {  	[smem:$0x3FC5] =	sst s2  }
0x8f: {  	_ = 	snop  }
0x90: {  	s2 =	sld [smem:$0x3FD0];
	(tm) =	ssettm $0x1  }
0x91: {  	s18 =	sld [smem:$0x3FFB];
	_ =	sdelay $0x3  }
0x92: {  	_ =	strace s18  }
0x93: {  	s3 =	sld [smem:$0x3FFC];
	_ =	sdelay $0x3  }
0x94: {  	_ =	strace s3  }
0x95: {  	s3 =	sld [smem:$0x3FFD];
	_ =	sdelay $0x3  }
0x96: {  	_ =	strace s3  }
0x97: {  	_ =	strace $0x8FFFFFFF  }
0x98: {  	s19 =	sld [smem:$0x3FDB];
	_ =	sdelay $0x1  }
0x99: {  	s4 =	simm.s32 $_scs_section_size  }
0x9a: {  	s5 =	simm.s32 $_size__tile_overlayer_lowered;
	s6 =	simm.s32 $_tile_overlayer_lowered  }
0x9b: {  	s22 =	simm.s32 $0x1BFF;
	s21 =	sshll.u32 s6, $0x1;
	s3 =	sadd.s32 s4, s19  }
0x9c: {  	s7 =	simm.s32 $0x0;
	s20 =	sshll.u32 s5, $0x1;
	s5 =	sadd.s32 s21, s3  }
0x9d: {  	[timem:s7], [sflag:s22] =	dma.local [hbm:s5], s20  }
0x9e: {  	_ =	swait.ge [sflag:s22], s20  }
0x9f: {  	s4 =	ssub.s32 $0x0, s20;
	[sflag:s22] =	ssyncset.done $0x0  }
0xa0: {  	[sflag:s22] =	ssyncadd.s32 s4;
	_ =	sdelay $0x1  }
0xa1: {  	s23 =	simm.s32 $0x1B8B  }
0xa2: {  	_ =	swait.ge [sflag:s23], $0x1  }
0xa3: {  	[sflag:s23] =	ssyncset.done $0x0  }
0xa4: {  	s25 =	simm.s32 $0x1B8E;
	s24 =	sld [smem:$0x3FFE];
	[sflag:s23] =	ssyncadd.s32 $0xFFFFFFFF  }
0xa5: {  	s26 =	simm.s32 $execute0_lowered;
	[smem:$0x3FD2] =	sst s25  }
0xa6: {  	s5 =	sshll.u32 s26, $0x1;
	_ =	strace $0x80000046;
	[dreg:$0x1] =	wrdreg $0xFFFFFFFF  }
0xa7: {  	s28 =	simm.s32 $_size_execute0_lowered;
	s3 =	sadd.s32 s3, s5;
	[dreg:$0x0] =	wrdreg $0x0  }
0xa8: {  	s5 =	sshll.u32 s28, $0x1;
	[dreg:$0x2] =	wrdreg s3  }
0xa9: {  	[dreg:$0x3] =	wrdreg s5  }
0xaa: {  	[dreg:$0x4] =	wrdreg $0xC0  }
0xab: {  	_ =	task [dreg:s7], $0x5FFFF  }
0xac: {  	[dreg:$0x1] =	wrdreg $0xFFFFFFFF  }
0xad: {  	[dreg:$0x0] =	wrdreg $0x60  }
0xae: {  	[dreg:$0x2] =	wrdreg s24  }
0xaf: {  	[dreg:$0x3] =	wrdreg s2  }
0xb0: {  	[dreg:$0x4] =	wrdreg $0x54800  }
0xb1: {  	[dreg:$0x5] =	wrdreg $0x9  }
0xb2: {  	_ =	task.clear_ibuf [dreg:s7], $0x6FFFF;
	_ =	strace $0x90000046  }
0xb3: {  	s29 =	simm.s32 $0x9;
	_ =	strace $0x80000057  }
0xb4: {  	_ =	swait.ge [sflag:s29], $0x1  }
0xb5: {  	[sflag:s29] =	ssyncadd.s32 $0xFFFFFFFF  }
0xb6: {  	_ =	strace $0x90000057  }
0xb7: {  	_ =	sfence  }
0xb8: {  	s30 =	sld [smem:$0x0];
	_ =	sdelay $0x2  }
0xb9: {  	s31 =	sshll.u32 s1, $0xD;
	s1 =	sshrl.u32 s1, $0x2  }
0xba: {  	s3 =	sand.u32 $0x4000, s31;
	s1 =	sadd.s32 s1, s30  }
0xbb: {  	s0 =	sor.u32 s3, s0;
	s1 =	sshll.u32 s1, $0x11  }
0xbc: {  	s0 =	sor.u32 s1, s0  }
0xbd: {  	s0 =	sadd.s32 $0x8F2B, s0  }
0xbe: {  	[sflag:s0] =	ssyncadd.remote.s32 $0x1  }
0xbf: {  	_ =	sfence.sel $0xFFFF  }
0xc0: {  	[dreg:$0x0] =	wrdreg $0xFFFFFFFF;
	(pc) =	sbr.abs _section_cstart, $3  }
0xc1: {  	[dreg:$0x1] =	wrdreg $0xFFFFFFFF  }
0xc2: {  	_ =	task.clear_ibuf [dreg:s7], $0x2FFFF;
	_ =	strace $0x9FFFFFFF  }
0xc3: {  	(tm) =	ssettm $0x7FFFFFFF  }
tec
execute0_lowered:
.L_overlay_start_1:
0x0: {  	(tag) =	ssettag $0x1  }
0x1: {  	s0 =	rddreg [dreg:$0x0]  }
0x2: {  	s1 =	srdreg.scid;
	s2 =	rddreg [dreg:$0x1]  }
0x3: {  	s7 =	stileid.u32;
	s8 =	rddreg [dreg:$0x2]  }
0x4: {  	s17 =	simm.s32 $0x4000;
	s18 =	simm.s32 $0x7;
	s19 =	simm.s32 $0x8  }
0x5: {  	s28 =	simm.s32 $0x2;
	s29 =	simm.s32 $0x3;
	s30 =	simm.s32 $0x4  }
0x6: {  	s1 =	sand.u32 $0x1, s1;
	s3 =	sshll.u32 s7, $0x1;
	s20 =	sshrl.u32 s7, $0x2  }
0x7: {  	s7 =	smul.u32 $0x660, s7;
	s26 =	sadd.s32 $0xBB8, s8;
	s10 =	sadd.s32 $0x1B58, s8  }
0x8: {  	s11 =	sadd.s32 $0x2710, s8;
	s4 =	sor.u32 s1, s3;
	s5 =	smul.u32 $0x6800, s20  }
0x9: {  	s3 =	simm.s32 $0x0;
	s1 =	ssub.s32 $0x2, s1;
	s20 =	simm.s32 $0xD00  }
0xa: {  	s6 =	sshll.u32 s4, $0x7;
	[smem:$0x7FF] =	sst s3;
	s21 =	smin.u32 s7, $0x5F30  }
0xb: {  	s22 =	sshrl.u32 s1, $0x1;
	s31 =	sshll.u32 s4, $0x4;
	s6 =	sand.u32 $0x380, s6  }
0xc: {  	_ =	strace $0x80000047;
	s7 =	sshrl.u32 s21, $0x3;
	s24 =	sshrl.u32 s21, $0x1  }
0xd: {  	[dreg:$0x8] =	wrdreg s26;
	s12 =	sadd.s32 s2, s31;
	s5 =	sor.u32 s5, s6  }
0xe: {  	s26 =	simm.s32 $0x1;
	s7 =	sadd.s32 s7, s0;
	s5 =	sshrl.u32 s5, $0x3  }
0xf: {  	s25 =	sadd.s32 $0x3600, s7;
	s7 =	sadd.s32 $0xD00, s24;
	s5 =	sadd.s32 s5, s0  }
0x10: {  	s0 =	sadd.s32 $0x4400, s0;
	[dreg:$0x6] =	wrdreg s25;
	s25 =	simm.s32 $0x6  }
0x11: {  	v1 =	vlaneseq.u32;
	[dreg:$0x4] =	wrdreg s0;
	s0 =	ssub.s32 s1, s22;
	s23 =	sadd.s32 $0x200, s5  }
0x12: {  	v0 =	vmul.u32 $0x2, v1;
	s1 =	sadd.s32 s24, s8;
	s24 =	simm.s32 $0x5;
	[dreg:$0x5] =	wrdreg s23  }
0x13: {  	v1 =	vmul.u32 $0x1A, v1;
	[dreg:$0x7] =	wrdreg s1;
	s13 =	smax.u32 s0, $0x1;
	s1 =	simm.s32 $0x0  }
.LBB2_1:
0x14: {  	_ =	strace $0x80000048  }
0x15: {  	s2 =	simm.s32 $0x80;
	s4 =	simm.s32 $0x400;
	s0 =	rddreg [dreg:$0x5]  }
0x16: {  	[tilespmem:s3], [sflag:$0x5] =	stream.strided.gather [hbm4b:s0+s2], $0xD00, s4, s2, $0x200038;
	[tilespmem:$0x57B0] =	vst v63  }
0x17: {  	s14 =	simm.s32 $0x4680;
	s9 =	rddreg [dreg:$0x4]  }
0x18: {  	[tilespmem:s14], [sflag:$0x6] =	stream.linear.gather [hbm4b:s9+s3], $0x80, $0x200038;
	[tilespmem:$0x57B0] =	vst v63  }
0x19: {  	s15 =	rddreg [dreg:$0x6]  }
0x1a: {  	[tilespmem:s17], [sflag:$0x7] =	stream.linear.gather [hbm4b:s15+s3], $0x660, $0x200038;
	[tilespmem:$0x57B0] =	vst v63  }
0x1b: {  	v2 =	vor.u32 s26, v0;
	_ =	swait.ge [sflag:s18], $0x660  }
0x1c: {  	s16 =	simm.s32 $0x0;
	[sflag:s18] =	ssyncset.done $0x0  }
0x1d: {  	v3 =	vor.u32 s16, v0;
	[sflag:s18] =	ssyncadd.s32 $0xFFFFF9A0  }
0x1e: {  	_ =	strace $0x90000048  }
0x1f: {  	s21 =	simm.s32 $0x21;
	_ =	strace $0x80000049  }
0x20: {  	s22 =	simm.s32 $0x20;
	v4 =	vor.u32 s21, v0;
	v2 =	vld.idx.msk [tilespmem:v2+s17+$0x0], $0xffff  }
0x21: {  	v5 =	vor.u32 s22, v0  }
0x22: {  	v3 =	vld.idx.msk [tilespmem:v3+s17+$0x0], $0xffff;
	_ =	sdelay $0x1  }
0x23: {  	s23 =	simm.s32 $0x41  }
0x24: {  	s31 =	simm.s32 $0x40;
	v6 =	vor.u32 s23, v0;
	v4 =	vld.idx.msk [tilespmem:v4+s17+$0x0], $0xffff;
	v2 =	vadd.s32 $0x8000, v2  }
0x25: {  	v7 =	vand.u32 $0xFFFF0000, v2;
	v2 =	vld.idx.msk [tilespmem:v5+s17+$0x0], $0xffff;
	v5 =	vor.u32 s31, v0  }
0x26: {  	v3 =	vadd.s32 $0x8000, v3  }
0x27: {  	v3 =	vshrl.u32 v3, $0x10  }
0x28: {  	v3 =	vor.u32 v3, v7  }
0x29: {  	s2 =	simm.s32 $0x61;
	s0 =	smov.u32 s7;
	[tilespmem:s7+$0x0] =	vst v3;
	v3 =	vld.idx.msk [tilespmem:v6+s17+$0x0], $0xffff  }
.LBB2_2:
0x2a: {  	s4 =	sadd.s32 $0xFFFFFFFF, s2;
	v6 =	vor.u32 s2, v0;
	p0 =	sne.s32 s2, $0x641;
	s2 =	sadd.s32 $0x20, s2;
	v7 =	vadd.s32 $0x8000, v2;
	v2 =	vld.idx.msk [tilespmem:v5+s17+$0x0], $0xffff;
	v4 =	vadd.s32 $0x8000, v4  }
.Ltmp0:
0x2b: {  	v5 =	vor.u32 s4, v0;
	v7 =	vshrl.u32 v7, $0x10;
	v4 =	vand.u32 $0xFFFF0000, v4;
	(pc) =	sbr.rel @p0 .LBB2_2-.Ltmp0, $3  }
0x2c: {  	s0 =	sadd.s32 $0x10, s0;
	v4 =	vor.u32 v7, v4  }
0x2d: {  	[tilespmem:s0+$0x0] =	vst v4;
	_ =	sdelay $0x1  }
0x2e: {  	v4 =	vmov v3;
	v3 =	vld.idx.msk [tilespmem:v6+s17+$0x0], $0xffff  }
0x2f: {  	_ =	sdelay $0x3  }
0x30: {  	v5 =	vld.idx.msk [tilespmem:v5+s17+$0x0], $0xffff;
	_ =	sdelay $0x2  }
0x31: {  	v2 =	vadd.s32 $0x8000, v2  }
0x32: {  	v4 =	vadd.s32 $0x8000, v4;
	v2 =	vshrl.u32 v2, $0x10  }
0x33: {  	v4 =	vand.u32 $0xFFFF0000, v4;
	v3 =	vadd.s32 $0x8000, v3;
	v5 =	vadd.s32 $0x8000, v5  }
0x34: {  	s0 =	sadd.s32 $0x10, s0;
	v2 =	vor.u32 v2, v4;
	v3 =	vand.u32 $0xFFFF0000, v3;
	v4 =	vshrl.u32 v5, $0x10  }
0x35: {  	[tilespmem:s0+$0x0] =	vst v2;
	s0 =	sadd.s32 $0x10, s0;
	v2 =	vor.u32 v4, v3  }
0x36: {  	[tilespmem:s0+$0x0] =	vst v2  }
0x37: {  	s0 =	rddreg [dreg:$0x7]  }
0x38: {  	[spmem:s0] =	stream.linear.scatter [tilespmem:s7], [sflag:$0x8], $0x330, $0x200038;
	[tilespmem:$0x57B0] =	vst v63  }
0x39: {  	_ =	swait.ge [sflag:s19], $0x330  }
0x3a: {  	[sflag:s19] =	ssyncset.done $0x0  }
0x3b: {  	[sflag:s19] =	ssyncadd.s32 $0xFFFFFCD0  }
0x3c: {  	_ =	strace $0x90000049  }
0x3d: {  	_ =	strace $0x8000004A  }
0x3e: {  	[bflag:$0x0] =	sbarrier.arrive $0xFFFF  }
0x3f: {  	_ =	strace $0x9000004A  }
0x40: {  	_ =	strace $0x8000004B  }
0x41: {  	s5 =	rddreg [dreg:$0x2]  }
0x42: {  	[tilespmem:s20], [sflag:$0x1] =	stream.linear.gather [spmem:s5], $0xBB8, $0x200038;
	[tilespmem:$0x57B0] =	vst v63  }
0x43: {  	s2 =	simm.s32 $0x18B8;
	s6 =	rddreg [dreg:$0x8]  }
0x44: {  	[tilespmem:s2], [sflag:$0x2] =	stream.linear.gather [spmem:s6], $0xFA0, $0x200038;
	[tilespmem:$0x57B0] =	vst v63  }
0x45: {  	s8 =	simm.s32 $0x2858  }
0x46: {  	[tilespmem:s8], [sflag:$0x3] =	stream.linear.gather [spmem:s10], $0xBB8, $0x200038;
	[tilespmem:$0x57B0] =	vst v63  }
0x47: {  	s9 =	simm.s32 $0x3410  }
0x48: {  	[tilespmem:s9], [sflag:$0x4] =	stream.linear.gather [spmem:s11], $0xBB8, $0x200038;
	[tilespmem:$0x57B0] =	vst v63  }
0x49: {  	_ =	strace $0x9000004B  }
0x4a: {  	s14 =	simm.s32 $0x0;
	_ =	strace $0x8000004C  }
0x4b: {  	v2 =	vadd.s32 s14, v1;
	_ =	swait.ge [sflag:s24], $0xD00  }
0x4c: {  	[sflag:s24] =	ssyncset.done $0x0  }
0x4d: {  	[sflag:s24] =	ssyncadd.s32 $0xFFFFF300  }
0x4e: {  	_ =	strace $0x9000004C  }
0x4f: {  	_ =	strace $0x8000004D  }
0x50: {  	s15 =	simm.s32 $0x1;
	v2 =	vld.idx.msk [tilespmem:v2+s3+$0x0], $0xffff  }
0x51: {  	v3 =	vadd.s32 s15, v1;
	_ =	sdelay $0x2  }
0x52: {  	s0 =	simm.s32 $0x4E00  }
0x53: {  	[tilespmem:s0+$0xFFFFF980] =	vst v2  }
0x54: {  	v2 =	vld.idx.msk [tilespmem:v3+s3+$0x0], $0xffff  }
0x55: {  	s16 =	simm.s32 $0x2  }
0x56: {  	v3 =	vadd.s32 s16, v1;
	_ =	sdelay $0x2  }
0x57: {  	v2 =	vadd.s32 $0x3E8, v2  }
0x58: {  	[tilespmem:s0+$0xFFFFFA00] =	vst v2  }
0x59: {  	v2 =	vld.idx.msk [tilespmem:v3+s3+$0x0], $0xffff  }
0x5a: {  	s21 =	simm.s32 $0x3  }
0x5b: {  	v3 =	vadd.s32 s21, v1;
	_ =	sdelay $0x2  }
0x5c: {  	v2 =	vadd.s32 $0x7D0, v2  }
0x5d: {  	[tilespmem:s0+$0xFFFFFA80] =	vst v2  }
0x5e: {  	v2 =	vld.idx.msk [tilespmem:v3+s3+$0x0], $0xffff  }
0x5f: {  	s22 =	simm.s32 $0x4  }
0x60: {  	v3 =	vadd.s32 s22, v1;
	_ =	sdelay $0x2  }
0x61: {  	v2 =	vadd.s32 $0xBB8, v2  }
0x62: {  	s23 =	simm.s32 $0x1A0;
	[tilespmem:s0+$0xFFFFFB00] =	vst v2  }
0x63: {  	v2 =	vadd.s32 s23, v1;
	v3 =	vld.idx.msk [tilespmem:v3+s3+$0x0], $0xffff  }
0x64: {  	s4 =	simm.s32 $0x5  }
0x65: {  	v4 =	vadd.s32 s4, v1;
	_ =	sdelay $0x2  }
0x66: {  	s5 =	simm.s32 $0x1A1;
	v2 =	vld.idx.msk [tilespmem:v2+s3+$0x0], $0xffff;
	v3 =	vadd.s32 $0xFA0, v3  }
0x67: {  	v5 =	vadd.s32 s5, v1;
	[tilespmem:s0+$0xFFFFFB80] =	vst v3  }
0x68: {  	v3 =	vld.idx.msk [tilespmem:v4+s3+$0x0], $0xffff  }
0x69: {  	s6 =	simm.s32 $0x6  }
0x6a: {  	s14 =	simm.s32 $0x4E10;
	v4 =	vadd.s32 s6, v1  }
0x6b: {  	[tilespmem:s14+$0xFFFFF980] =	vst v2  }
0x6c: {  	v2 =	vld.idx.msk [tilespmem:v5+s3+$0x0], $0xffff  }
0x6d: {  	s8 =	simm.s32 $0x1A2;
	v3 =	vadd.s32 $0x1388, v3  }
0x6e: {  	v5 =	vadd.s32 s8, v1;
	[tilespmem:s0+$0xFFFFFC00] =	vst v3  }
0x6f: {  	v3 =	vld.idx.msk [tilespmem:v4+s3+$0x0], $0xffff  }
0x70: {  	s9 =	simm.s32 $0x7  }
0x71: {  	v4 =	vadd.s32 s9, v1;
	v2 =	vadd.s32 $0x3E8, v2  }
0x72: {  	[tilespmem:s14+$0xFFFFFA00] =	vst v2  }
0x73: {  	v2 =	vld.idx.msk [tilespmem:v5+s3+$0x0], $0xffff  }
0x74: {  	s15 =	simm.s32 $0x1A3;
	v3 =	vadd.s32 $0x1770, v3  }
0x75: {  	v5 =	vadd.s32 s15, v1;
	[tilespmem:s0+$0xFFFFFC80] =	vst v3  }
0x76: {  	v3 =	vld.idx.msk [tilespmem:v4+s3+$0x0], $0xffff  }
0x77: {  	s16 =	simm.s32 $0x8  }
0x78: {  	v4 =	vadd.s32 s16, v1;
	v2 =	vadd.s32 $0x7D0, v2  }
0x79: {  	[tilespmem:s14+$0xFFFFFA80] =	vst v2  }
0x7a: {  	v2 =	vld.idx.msk [tilespmem:v5+s3+$0x0], $0xffff  }
0x7b: {  	s21 =	simm.s32 $0x1A4;
	v3 =	vadd.s32 $0x1B58, v3  }
0x7c: {  	v5 =	vadd.s32 s21, v1;
	[tilespmem:s0+$0xFFFFFD00] =	vst v3  }
0x7d: {  	s22 =	simm.s32 $0x340;
	v3 =	vld.idx.msk [tilespmem:v4+s3+$0x0], $0xffff  }
0x7e: {  	s23 =	simm.s32 $0x9;
	v4 =	vadd.s32 s22, v1  }
0x7f: {  	v6 =	vadd.s32 s23, v1;
	v2 =	vadd.s32 $0xBB8, v2  }
0x80: {  	[tilespmem:s14+$0xFFFFFB00] =	vst v2  }
0x81: {  	v2 =	vld.idx.msk [tilespmem:v5+s3+$0x0], $0xffff  }
0x82: {  	s4 =	simm.s32 $0x1A5;
	v3 =	vadd.s32 $0x1F40, v3  }
0x83: {  	v5 =	vadd.s32 s4, v1;
	v4 =	vld.idx.msk [tilespmem:v4+s3+$0x0], $0xffff;
	[tilespmem:s0+$0xFFFFFD80] =	vst v3  }
0x84: {  	s5 =	simm.s32 $0x341;
	v3 =	vld.idx.msk [tilespmem:v6+s3+$0x0], $0xffff  }
0x85: {  	s6 =	simm.s32 $0xA;
	v6 =	vadd.s32 s5, v1  }
0x86: {  	v7 =	vadd.s32 s6, v1;
	v2 =	vadd.s32 $0xFA0, v2  }
0x87: {  	[tilespmem:s14+$0xFFFFFB80] =	vst v2  }
0x88: {  	s15 =	simm.s32 $0x4E20;
	v2 =	vld.idx.msk [tilespmem:v5+s3+$0x0], $0xffff  }
0x89: {  	s8 =	simm.s32 $0x1A6;
	[tilespmem:s15+$0xFFFFF980] =	vst v4;
	v3 =	vadd.s32 $0x2328, v3  }
0x8a: {  	v4 =	vadd.s32 s8, v1;
	v5 =	vld.idx.msk [tilespmem:v6+s3+$0x0], $0xffff;
	[tilespmem:s0+$0xFFFFFE00] =	vst v3  }
0x8b: {  	s9 =	simm.s32 $0x342;
	v3 =	vld.idx.msk [tilespmem:v7+s3+$0x0], $0xffff  }
0x8c: {  	s16 =	simm.s32 $0xB;
	v6 =	vadd.s32 s9, v1  }
0x8d: {  	v7 =	vadd.s32 s16, v1;
	v2 =	vadd.s32 $0x1388, v2  }
0x8e: {  	[tilespmem:s14+$0xFFFFFC00] =	vst v2  }
0x8f: {  	v2 =	vld.idx.msk [tilespmem:v4+s3+$0x0], $0xffff;
	v4 =	vadd.s32 $0x3E8, v5  }
0x90: {  	s21 =	simm.s32 $0x1A7;
	[tilespmem:s15+$0xFFFFFA00] =	vst v4;
	v3 =	vadd.s32 $0x2710, v3  }
0x91: {  	v4 =	vadd.s32 s21, v1;
	v5 =	vld.idx.msk [tilespmem:v6+s3+$0x0], $0xffff;
	[tilespmem:s0+$0xFFFFFE80] =	vst v3  }
0x92: {  	s22 =	simm.s32 $0x343;
	v3 =	vld.idx.msk [tilespmem:v7+s3+$0x0], $0xffff  }
0x93: {  	s23 =	simm.s32 $0xC;
	v6 =	vadd.s32 s22, v1  }
0x94: {  	v7 =	vadd.s32 s23, v1;
	v2 =	vadd.s32 $0x1770, v2  }
0x95: {  	[tilespmem:s14+$0xFFFFFC80] =	vst v2  }
0x96: {  	v2 =	vld.idx.msk [tilespmem:v4+s3+$0x0], $0xffff;
	v4 =	vadd.s32 $0x7D0, v5  }
0x97: {  	s4 =	simm.s32 $0x1A8;
	[tilespmem:s15+$0xFFFFFA80] =	vst v4;
	v3 =	vadd.s32 $0x2AF8, v3  }
0x98: {  	v5 =	vadd.s32 s4, v1;
	v4 =	vld.idx.msk [tilespmem:v6+s3+$0x0], $0xffff;
	[tilespmem:s0+$0xFFFFFF00] =	vst v3  }
0x99: {  	s5 =	simm.s32 $0x344;
	v3 =	vld.idx.msk [tilespmem:v7+s3+$0x0], $0xffff  }
0x9a: {  	s6 =	simm.s32 $0xD;
	v6 =	vadd.s32 s5, v1  }
0x9b: {  	v7 =	vadd.s32 s6, v1;
	v2 =	vadd.s32 $0x1B58, v2  }
0x9c: {  	[tilespmem:s14+$0xFFFFFD00] =	vst v2  }
0x9d: {  	s8 =	simm.s32 $0x4E0;
	v2 =	vld.idx.msk [tilespmem:v5+s3+$0x0], $0xffff;
	v4 =	vadd.s32 $0xBB8, v4  }
0x9e: {  	s9 =	simm.s32 $0x1A9;
	v5 =	vadd.s32 s8, v1;
	[tilespmem:s15+$0xFFFFFB00] =	vst v4;
	v3 =	vadd.s32 $0x2EE0, v3  }
0x9f: {  	v4 =	vld.idx.msk [tilespmem:v6+s3+$0x0], $0xffff;
	v6 =	vadd.s32 s9, v1;
	[tilespmem:s0+$0xFFFFFF80] =	vst v3  }
0xa0: {  	s16 =	simm.s32 $0x345;
	v3 =	vld.idx.msk [tilespmem:v7+s3+$0x0], $0xffff  }
0xa1: {  	s21 =	simm.s32 $0xE;
	v7 =	vadd.s32 s16, v1  }
0xa2: {  	v8 =	vadd.s32 s21, v1;
	v2 =	vadd.s32 $0x1F40, v2  }
0xa3: {  	v5 =	vld.idx.msk [tilespmem:v5+s3+$0x0], $0xffff;
	[tilespmem:s14+$0xFFFFFD80] =	vst v2  }
0xa4: {  	s22 =	simm.s32 $0x4E1;
	v2 =	vld.idx.msk [tilespmem:v6+s3+$0x0], $0xffff;
	v4 =	vadd.s32 $0xFA0, v4  }
0xa5: {  	s23 =	simm.s32 $0x1AA;
	v6 =	vadd.s32 s22, v1;
	[tilespmem:s15+$0xFFFFFB80] =	vst v4;
	v3 =	vadd.s32 $0x32C8, v3  }
0xa6: {  	v4 =	vld.idx.msk [tilespmem:v7+s3+$0x0], $0xffff;
	v7 =	vadd.s32 s23, v1;
	[tilespmem:s0+$0x0] =	vst v3  }
0xa7: {  	s4 =	simm.s32 $0x346;
	v3 =	vld.idx.msk [tilespmem:v8+s3+$0x0], $0xffff  }
0xa8: {  	s5 =	simm.s32 $0xF;
	s16 =	simm.s32 $0x4E30;
	v8 =	vadd.s32 s4, v1  }
0xa9: {  	[tilespmem:s16+$0xFFFFF980] =	vst v5;
	v5 =	vadd.s32 s5, v1;
	v2 =	vadd.s32 $0x2328, v2  }
0xaa: {  	v6 =	vld.idx.msk [tilespmem:v6+s3+$0x0], $0xffff;
	[tilespmem:s14+$0xFFFFFE00] =	vst v2  }
0xab: {  	s6 =	simm.s32 $0x4E2;
	v2 =	vld.idx.msk [tilespmem:v7+s3+$0x0], $0xffff;
	v4 =	vadd.s32 $0x1388, v4  }
0xac: {  	s8 =	simm.s32 $0x1AB;
	v7 =	vadd.s32 s6, v1;
	[tilespmem:s15+$0xFFFFFC00] =	vst v4;
	v3 =	vadd.s32 $0x36B0, v3  }
0xad: {  	v4 =	vld.idx.msk [tilespmem:v8+s3+$0x0], $0xffff;
	v8 =	vadd.s32 s8, v1;
	[tilespmem:s0+$0x80] =	vst v3  }
0xae: {  	s9 =	simm.s32 $0x347;
	v3 =	vld.idx.msk [tilespmem:v5+s3+$0x0], $0xffff  }
0xaf: {  	s21 =	simm.s32 $0x10;
	v5 =	vadd.s32 $0x3E8, v6;
	v6 =	vadd.s32 s9, v1  }
0xb0: {  	[tilespmem:s16+$0xFFFFFA00] =	vst v5;
	v2 =	vadd.s32 $0x2710, v2;
	v5 =	vadd.s32 s21, v1  }
0xb1: {  	v7 =	vld.idx.msk [tilespmem:v7+s3+$0x0], $0xffff;
	[tilespmem:s14+$0xFFFFFE80] =	vst v2  }
0xb2: {  	s22 =	simm.s32 $0x4E3;
	v2 =	vld.idx.msk [tilespmem:v8+s3+$0x0], $0xffff;
	v4 =	vadd.s32 $0x1770, v4  }
0xb3: {  	s23 =	simm.s32 $0x1AC;
	v8 =	vadd.s32 s22, v1;
	[tilespmem:s15+$0xFFFFFC80] =	vst v4;
	v3 =	vadd.s32 $0x3A98, v3  }
0xb4: {  	v4 =	vld.idx.msk [tilespmem:v6+s3+$0x0], $0xffff;
	v6 =	vadd.s32 s23, v1;
	[tilespmem:s0+$0x100] =	vst v3  }
0xb5: {  	s4 =	simm.s32 $0x348;
	v3 =	vld.idx.msk [tilespmem:v5+s3+$0x0], $0xffff  }
0xb6: {  	s5 =	simm.s32 $0x11;
	v5 =	vadd.s32 $0x7D0, v7;
	v7 =	vadd.s32 s4, v1  }
0xb7: {  	[tilespmem:s16+$0xFFFFFA80] =	vst v5;
	v2 =	vadd.s32 $0x2AF8, v2;
	v5 =	vadd.s32 s5, v1  }
0xb8: {  	v8 =	vld.idx.msk [tilespmem:v8+s3+$0x0], $0xffff;
	[tilespmem:s14+$0xFFFFFF00] =	vst v2  }
0xb9: {  	s6 =	simm.s32 $0x4E4;
	v2 =	vld.idx.msk [tilespmem:v6+s3+$0x0], $0xffff;
	v4 =	vadd.s32 $0x1B58, v4  }
0xba: {  	s8 =	simm.s32 $0x1AD;
	v6 =	vadd.s32 s6, v1;
	[tilespmem:s15+$0xFFFFFD00] =	vst v4;
	v3 =	vadd.s32 $0x3E80, v3  }
0xbb: {  	s9 =	simm.s32 $0x680;
	v4 =	vadd.s32 s8, v1;
	[tilespmem:s0+$0x180] =	vst v3;
	v3 =	vld.idx.msk [tilespmem:v7+s3+$0x0], $0xffff  }
0xbc: {  	s21 =	simm.s32 $0x349;
	v7 =	vadd.s32 s9, v1;
	v5 =	vld.idx.msk [tilespmem:v5+s3+$0x0], $0xffff  }
0xbd: {  	v9 =	vadd.s32 s21, v1;
	s22 =	simm.s32 $0x12;
	v8 =	vadd.s32 $0xBB8, v8  }
0xbe: {  	[tilespmem:s16+$0xFFFFFB00] =	vst v8;
	v2 =	vadd.s32 $0x2EE0, v2;
	v8 =	vadd.s32 s22, v1  }
0xbf: {  	v6 =	vld.idx.msk [tilespmem:v6+s3+$0x0], $0xffff;
	[tilespmem:s14+$0xFFFFFF80] =	vst v2  }
0xc0: {  	s23 =	simm.s32 $0x4E5;
	v2 =	vld.idx.msk [tilespmem:v4+s3+$0x0], $0xffff;
	v3 =	vadd.s32 $0x1F40, v3  }
0xc1: {  	s4 =	simm.s32 $0x1AE;
	v4 =	vadd.s32 s23, v1;
	v7 =	vld.idx.msk [tilespmem:v7+s3+$0x0], $0xffff;
	[tilespmem:s15+$0xFFFFFD80] =	vst v3;
	v3 =	vadd.s32 $0x4268, v5  }
0xc2: {  	s5 =	simm.s32 $0x681;
	v5 =	vadd.s32 s4, v1;
	v9 =	vld.idx.msk [tilespmem:v9+s3+$0x0], $0xffff;
	[tilespmem:s0+$0x200] =	vst v3  }
0xc3: {  	s6 =	simm.s32 $0x34A;
	v3 =	vld.idx.msk [tilespmem:v8+s3+$0x0], $0xffff;
	v8 =	vadd.s32 s5, v1  }
0xc4: {  	v10 =	vadd.s32 s6, v1;
	s8 =	simm.s32 $0x13;
	v6 =	vadd.s32 $0xFA0, v6  }
0xc5: {  	[tilespmem:s16+$0xFFFFFB80] =	vst v6;
	v2 =	vadd.s32 $0x32C8, v2;
	v6 =	vadd.s32 s8, v1  }
0xc6: {  	s8 =	simm.s32 $0x4E40;
	v4 =	vld.idx.msk [tilespmem:v4+s3+$0x0], $0xffff;
	[tilespmem:s14+$0x0] =	vst v2  }
0xc7: {  	s9 =	simm.s32 $0x4E6;
	[tilespmem:s8+$0xFFFFF980] =	vst v7;
	v2 =	vld.idx.msk [tilespmem:v5+s3+$0x0], $0xffff;
	v5 =	vadd.s32 $0x2328, v9  }
0xc8: {  	s21 =	simm.s32 $0x1AF;
	v7 =	vadd.s32 s9, v1;
	v8 =	vld.idx.msk [tilespmem:v8+s3+$0x0], $0xffff;
	[tilespmem:s15+$0xFFFFFE00] =	vst v5;
	v3 =	vadd.s32 $0x4650, v3  }
0xc9: {  	s22 =	simm.s32 $0x682;
	v5 =	vadd.s32 s21, v1;
	v9 =	vld.idx.msk [tilespmem:v10+s3+$0x0], $0xffff;
	[tilespmem:s0+$0x280] =	vst v3  }
0xca: {  	v3 =	vld.idx.msk [tilespmem:v6+s3+$0x0], $0xffff;
	v6 =	vadd.s32 s22, v1  }
0xcb: {  	s4 =	simm.s32 $0x14;
	v4 =	vadd.s32 $0x1388, v4  }
0xcc: {  	s23 =	simm.s32 $0x34B;
	[tilespmem:s16+$0xFFFFFC00] =	vst v4;
	v2 =	vadd.s32 $0x36B0, v2;
	v4 =	vadd.s32 s4, v1  }
0xcd: {  	v10 =	vadd.s32 s23, v1;
	v7 =	vld.idx.msk [tilespmem:v7+s3+$0x0], $0xffff;
	[tilespmem:s14+$0x80] =	vst v2;
	v2 =	vadd.s32 $0x3E8, v8  }
0xce: {  	s5 =	simm.s32 $0x4E7;
	v5 =	vld.idx.msk [tilespmem:v5+s3+$0x0], $0xffff;
	[tilespmem:s8+$0xFFFFFA00] =	vst v2;
	v2 =	vadd.s32 $0x2710, v9  }
0xcf: {  	s6 =	simm.s32 $0x1B0;
	v8 =	vadd.s32 s5, v1;
	v6 =	vld.idx.msk [tilespmem:v6+s3+$0x0], $0xffff;
	[tilespmem:s15+$0xFFFFFE80] =	vst v2;
	v2 =	vadd.s32 $0x4A38, v3  }
0xd0: {  	s9 =	simm.s32 $0x683;
	v3 =	vadd.s32 s6, v1;
	[tilespmem:s0+$0x300] =	vst v2  }
0xd1: {  	v2 =	vld.idx.msk [tilespmem:v4+s3+$0x0], $0xffff;
	v4 =	vadd.s32 s9, v1  }
0xd2: {  	v9 =	vld.idx.msk [tilespmem:v10+s3+$0x0], $0xffff;
	v7 =	vadd.s32 $0x1770, v7  }
0xd3: {  	s21 =	simm.s32 $0x34C;
	[tilespmem:s16+$0xFFFFFC80] =	vst v7;
	v5 =	vadd.s32 $0x3A98, v5  }
0xd4: {  	s22 =	simm.s32 $0x15;
	v10 =	vadd.s32 s21, v1;
	v8 =	vld.idx.msk [tilespmem:v8+s3+$0x0], $0xffff;
	[tilespmem:s14+$0x100] =	vst v5;
	v5 =	vadd.s32 $0x7D0, v6  }
0xd5: {  	v7 =	vadd.s32 s22, v1;
	v3 =	vld.idx.msk [tilespmem:v3+s3+$0x0], $0xffff;
	[tilespmem:s8+$0xFFFFFA80] =	vst v5  }
0xd6: {  	v4 =	vld.idx.msk [tilespmem:v4+s3+$0x0], $0xffff  }
0xd7: {  	s23 =	simm.s32 $0x4E8;
	v5 =	vadd.s32 $0x2AF8, v9  }
0xd8: {  	s4 =	simm.s32 $0x1B1;
	v6 =	vadd.s32 s23, v1;
	[tilespmem:s15+$0xFFFFFF00] =	vst v5;
	v2 =	vadd.s32 $0x4E20, v2  }
0xd9: {  	s5 =	simm.s32 $0x684;
	v9 =	vadd.s32 s4, v1;
	v5 =	vld.idx.msk [tilespmem:v10+s3+$0x0], $0xffff;
	[tilespmem:s0+$0x380] =	vst v2;
	v2 =	vadd.s32 $0x1B58, v8  }
0xda: {  	s6 =	simm.s32 $0x34D;
	v10 =	vadd.s32 s5, v1;
	v7 =	vld.idx.msk [tilespmem:v7+s3+$0x0], $0xffff;
	[tilespmem:s16+$0xFFFFFD00] =	vst v2;
	v2 =	vadd.s32 $0x3E80, v3  }
0xdb: {  	v11 =	vadd.s32 s6, v1;
	s5 =	simm.s32 $0x16;
	[tilespmem:s14+$0x180] =	vst v2;
	v2 =	vadd.s32 $0xBB8, v4  }
0xdc: {  	[tilespmem:s8+$0xFFFFFB00] =	vst v2;
	v2 =	vadd.s32 s5, v1  }
0xdd: {  	s31 =	simm.s32 $0x1B9;
	s6 =	simm.s32 $0x820;
	v6 =	vld.idx.msk [tilespmem:v6+s3+$0x0], $0xffff  }
0xde: {  	s2 =	simm.s32 $0x4F9;
	s21 =	simm.s32 $0x1B2;
	s9 =	simm.s32 $0x4E9;
	v3 =	vld.idx.msk [tilespmem:v9+s3+$0x0], $0xffff;
	v9 =	vadd.s32 s6, v1;
	v4 =	vadd.s32 $0x2EE0, v5  }
0xdf: {  	s22 =	simm.s32 $0x359;
	s23 =	simm.s32 $0x699;
	s4 =	simm.s32 $0x19;
	v8 =	vld.idx.msk [tilespmem:v10+s3+$0x0], $0xffff;
	[tilespmem:s15+$0xFFFFFF80] =	vst v4;
	v10 =	vadd.s32 $0x5208, v7;
	v7 =	vadd.s32 s9, v1  }
0xe0: {  	s6 =	simm.s32 $0x9D9;
	s5 =	simm.s32 $0x839;
	v4 =	vadd.s32 s21, v1;
	s21 =	simm.s32 $0x4E40;
	v5 =	vld.idx.msk [tilespmem:v11+s3+$0x0], $0xffff;
	[tilespmem:s0+$0x400] =	vst v10  }
.LBB2_4:
0xe1: {  	p0 =	sne.s32 s6, $0xB79;
	s9 =	sadd.s32 $0xFFFFFFEC, s23;
	v2 =	vld.idx.msk [tilespmem:v2+s3+$0x0], $0xffff  }
0xe2: {  	v6 =	vadd.s32 $0x1F40, v6;
	v10 =	vadd.s32 s9, v1;
	s9 =	sadd.s32 $0xFFFFFFF5, s22  }
0xe3: {  	v3 =	vadd.s32 $0x4268, v3;
	v9 =	vld.idx.msk [tilespmem:v9+s3+$0x0], $0xffff;
	[tilespmem:s16+$0xFFFFFD80] =	vst v6;
	v6 =	vadd.s32 s9, v1;
	s9 =	sadd.s32 $0xFFFFFFFE, s4  }
0xe4: {  	v7 =	vld.idx.msk [tilespmem:v7+s3+$0x0], $0xffff;
	[tilespmem:s14+$0x200] =	vst v3;
	v3 =	vadd.s32 s9, v1  }
0xe5: {  	s9 =	sadd.s32 $0xFFFFFFE8, s5;
	v8 =	vadd.s32 $0xFA0, v8;
	v4 =	vld.idx.msk [tilespmem:v4+s3+$0x0], $0xffff  }
0xe6: {  	v11 =	vadd.s32 s9, v1;
	s9 =	sadd.s32 $0xFFFFFFF1, s2;
	v5 =	vadd.s32 $0x32C8, v5;
	[tilespmem:s8+$0xFFFFFB80] =	vst v8  }
0xe7: {  	v2 =	vadd.s32 $0x55F0, v2;
	v8 =	vld.idx.msk [tilespmem:v10+s3+$0x0], $0xffff;
	v10 =	vadd.s32 s9, v1;
	[tilespmem:s15+$0x0] =	vst v5;
	s9 =	sadd.s32 $0xFFFFFFFA, s31  }
0xe8: {  	v5 =	vld.idx.msk [tilespmem:v6+s3+$0x0], $0xffff;
	v6 =	vadd.s32 s9, v1;
	[tilespmem:s0+$0x480] =	vst v2  }
0xe9: {  	s8 =	sadd.s32 $0x10, s8;
	s9 =	sadd.s32 $0xFFFFFFED, s23;
	v2 =	vld.idx.msk [tilespmem:v3+s3+$0x0], $0xffff  }
0xea: {  	v3 =	vadd.s32 s9, v1;
	v7 =	vadd.s32 $0x2328, v7;
	s9 =	sadd.s32 $0xFFFFFFF6, s22;
	[tilespmem:s8+$0xFFFFF980] =	vst v9  }
0xeb: {  	v4 =	vadd.s32 $0x4650, v4;
	v9 =	vld.idx.msk [tilespmem:v11+s3+$0x0], $0xffff;
	[tilespmem:s16+$0xFFFFFE00] =	vst v7;
	v7 =	vadd.s32 s9, v1;
	s9 =	sadd.s32 $0xFFFFFFFF, s4  }
0xec: {  	v10 =	vld.idx.msk [tilespmem:v10+s3+$0x0], $0xffff;
	[tilespmem:s14+$0x280] =	vst v4;
	v4 =	vadd.s32 s9, v1  }
0xed: {  	s9 =	sadd.s32 $0xFFFFFFE9, s5;
	v8 =	vadd.s32 $0x1388, v8;
	v6 =	vld.idx.msk [tilespmem:v6+s3+$0x0], $0xffff  }
0xee: {  	v11 =	vadd.s32 s9, v1;
	s9 =	sadd.s32 $0xFFFFFFF2, s2;
	v5 =	vadd.s32 $0x36B0, v5;
	[tilespmem:s21+$0xFFFFFC00] =	vst v8  }
0xef: {  	v8 =	vadd.s32 s9, v1;
	s9 =	sadd.s32 $0xFFFFFFFB, s31;
	v2 =	vadd.s32 $0x59D8, v2;
	v3 =	vld.idx.msk [tilespmem:v3+s3+$0x0], $0xffff;
	[tilespmem:s15+$0x80] =	vst v5  }
0xf0: {  	v5 =	vld.idx.msk [tilespmem:v7+s3+$0x0], $0xffff;
	v7 =	vadd.s32 s9, v1;
	[tilespmem:s0+$0x500] =	vst v2  }
0xf1: {  	v2 =	vadd.s32 $0x3E8, v9;
	s9 =	sadd.s32 $0xFFFFFFEE, s23;
	v4 =	vld.idx.msk [tilespmem:v4+s3+$0x0], $0xffff  }
0xf2: {  	v9 =	vadd.s32 $0x2710, v10;
	[tilespmem:s8+$0xFFFFFA00] =	vst v2;
	v2 =	vadd.s32 s9, v1;
	s9 =	sadd.s32 $0xFFFFFFF7, s22  }
0xf3: {  	v6 =	vadd.s32 $0x4A38, v6;
	v10 =	vld.idx.msk [tilespmem:v11+s3+$0x0], $0xffff;
	[tilespmem:s16+$0xFFFFFE80] =	vst v9;
	v9 =	vadd.s32 s9, v1  }
0xf4: {  	v8 =	vld.idx.msk [tilespmem:v8+s3+$0x0], $0xffff;
	[tilespmem:s14+$0x300] =	vst v6;
	v6 =	vadd.s32 s4, v1;
	s4 =	smov.u32 s31;
	s31 =	smov.u32 s22;
	s22 =	smov.u32 s2  }
0xf5: {  	s9 =	sadd.s32 $0xFFFFFFEA, s5;
	v3 =	vadd.s32 $0x1770, v3;
	s2 =	smov.u32 s23;
	s23 =	smov.u32 s5;
	v7 =	vld.idx.msk [tilespmem:v7+s3+$0x0], $0xffff  }
0xf6: {  	v11 =	vadd.s32 s9, v1;
	s5 =	smov.u32 s6;
	s9 =	sadd.s32 $0xFFFFFFF3, s22;
	[tilespmem:s21+$0xFFFFFC80] =	vst v3;
	v3 =	vadd.s32 $0x3A98, v5  }
0xf7: {  	v5 =	vadd.s32 s9, v1;
	s9 =	sadd.s32 $0xFFFFFFFC, s4;
	v2 =	vld.idx.msk [tilespmem:v2+s3+$0x0], $0xffff;
	[tilespmem:s15+$0x100] =	vst v3;
	v3 =	vadd.s32 $0x5DC0, v4  }
0xf8: {  	v4 =	vld.idx.msk [tilespmem:v9+s3+$0x0], $0xffff;
	v9 =	vadd.s32 s9, v1;
	[tilespmem:s0+$0x580] =	vst v3  }
0xf9: {  	v3 =	vadd.s32 $0x7D0, v10;
	v6 =	vld.idx.msk [tilespmem:v6+s3+$0x0], $0xffff  }
0xfa: {  	s9 =	sadd.s32 $0xFFFFFFEF, s2;
	[tilespmem:s8+$0xFFFFFA80] =	vst v3;
	v3 =	vadd.s32 $0x2AF8, v8  }
0xfb: {  	v10 =	vadd.s32 s9, v1;
	s9 =	sadd.s32 $0xFFFFFFF8, s31;
	v8 =	vld.idx.msk [tilespmem:v11+s3+$0x0], $0xffff;
	[tilespmem:s16+$0xFFFFFF00] =	vst v3;
	v3 =	vadd.s32 $0x4E20, v7  }
0xfc: {  	v7 =	vadd.s32 s9, v1;
	v5 =	vld.idx.msk [tilespmem:v5+s3+$0x0], $0xffff;
	[tilespmem:s14+$0x380] =	vst v3  }
0xfd: {  	s9 =	sadd.s32 $0xFFFFFFEB, s23;
	v2 =	vadd.s32 $0x1B58, v2;
	v11 =	vld.idx.msk [tilespmem:v9+s3+$0x0], $0xffff  }
0xfe: {  	v12 =	vadd.s32 s9, v1;
	s9 =	sadd.s32 $0xFFFFFFF4, s22;
	[tilespmem:s21+$0xFFFFFD00] =	vst v2;
	v2 =	vadd.s32 $0x3E80, v4  }
0xff: {  	v4 =	vadd.s32 s9, v1;
	s9 =	sadd.s32 $0xFFFFFFFD, s4;
	v3 =	vadd.s32 $0x61A8, v6;
	[tilespmem:s15+$0x180] =	vst v2  }
.Ltmp1:
0x100: {  	v2 =	vadd.s32 s9, v1;
	v6 =	vld.idx.msk [tilespmem:v10+s3+$0x0], $0xffff;
	[tilespmem:s0+$0x600] =	vst v3;
	s0 =	smov.u32 s14;
	s14 =	smov.u32 s15;
	(pc) =	sbr.rel @p0 .LBB2_4-.Ltmp1, $4  }
0x101: {  	s9 =	sadd.s32 $0xFFFFFFE7, s6;
	v8 =	vadd.s32 $0xBB8, v8;
	s15 =	smov.u32 s16;
	s16 =	smov.u32 s21;
	v3 =	vld.idx.msk [tilespmem:v7+s3+$0x0], $0xffff  }
0x102: {  	v9 =	vadd.s32 s9, v1;
	s9 =	sadd.s32 $0xFFFFFFF0, s2;
	s21 =	smov.u32 s8;
	v5 =	vadd.s32 $0x2EE0, v5;
	[tilespmem:s8+$0xFFFFFB00] =	vst v8  }
0x103: {  	v7 =	vadd.s32 s9, v1;
	s9 =	sadd.s32 $0xFFFFFFF9, s31;
	v10 =	vadd.s32 $0x5208, v11;
	v8 =	vld.idx.msk [tilespmem:v12+s3+$0x0], $0xffff;
	[tilespmem:s15+$0xFFFFFF80] =	vst v5  }
0x104: {  	s6 =	sadd.s32 $0x1A0, s6;
	v5 =	vld.idx.msk [tilespmem:v4+s3+$0x0], $0xffff;
	v4 =	vadd.s32 s9, v1;
	[tilespmem:s0+$0x400] =	vst v10  }
0x105: {  	_ =	sdelay $0x3  }
0x106: {  	v9 =	vld.idx.msk [tilespmem:v9+s3+$0x0], $0xffff;
	s6 =	sadd.s32 $0xFFFFFFE8, s5  }
0x107: {  	v10 =	vadd.s32 s6, v1;
	_ =	sdelay $0x2  }
0x108: {  	s6 =	sadd.s32 $0x10, s8  }
0x109: {  	[tilespmem:s6+$0xFFFFF980] =	vst v9  }
0x10a: {  	v9 =	vld.idx.msk [tilespmem:v10+s3+$0x0], $0xffff  }
0x10b: {  	s9 =	sadd.s32 $0xFFFFFFE9, s5  }
0x10c: {  	v10 =	vadd.s32 s9, v1;
	_ =	sdelay $0x2  }
0x10d: {  	v9 =	vadd.s32 $0x3E8, v9  }
0x10e: {  	[tilespmem:s6+$0xFFFFFA00] =	vst v9  }
0x10f: {  	v9 =	vld.idx.msk [tilespmem:v10+s3+$0x0], $0xffff  }
0x110: {  	s9 =	sadd.s32 $0xFFFFFFEA, s5  }
0x111: {  	v10 =	vadd.s32 s9, v1;
	_ =	sdelay $0x2  }
0x112: {  	v9 =	vadd.s32 $0x7D0, v9  }
0x113: {  	[tilespmem:s6+$0xFFFFFA80] =	vst v9  }
0x114: {  	v9 =	vld.idx.msk [tilespmem:v10+s3+$0x0], $0xffff  }
0x115: {  	s9 =	sadd.s32 $0xFFFFFFEB, s5  }
0x116: {  	v10 =	vadd.s32 s9, v1;
	_ =	sdelay $0x2  }
0x117: {  	v9 =	vadd.s32 $0xBB8, v9  }
0x118: {  	[tilespmem:s6+$0xFFFFFB00] =	vst v9  }
0x119: {  	s9 =	sadd.s32 $0xFFFFFFEC, s23;
	v9 =	vld.idx.msk [tilespmem:v10+s3+$0x0], $0xffff  }
0x11a: {  	v10 =	vadd.s32 s9, v1;
	s9 =	sadd.s32 $0xFFFFFFEC, s5  }
0x11b: {  	v11 =	vadd.s32 s9, v1;
	_ =	sdelay $0x1  }
0x11c: {  	v8 =	vadd.s32 $0xFA0, v8  }
0x11d: {  	[tilespmem:s8+$0xFFFFFB80] =	vst v8;
	v8 =	vadd.s32 $0xFA0, v9  }
0x11e: {  	v9 =	vld.idx.msk [tilespmem:v10+s3+$0x0], $0xffff;
	[tilespmem:s6+$0xFFFFFB80] =	vst v8  }
0x11f: {  	s9 =	sadd.s32 $0xFFFFFFED, s23;
	v8 =	vld.idx.msk [tilespmem:v11+s3+$0x0], $0xffff  }
0x120: {  	v10 =	vadd.s32 s9, v1;
	s9 =	sadd.s32 $0xFFFFFFED, s5  }
0x121: {  	v11 =	vadd.s32 s9, v1;
	_ =	sdelay $0x1  }
0x122: {  	v9 =	vadd.s32 $0x1388, v9  }
0x123: {  	[tilespmem:s21+$0xFFFFFC00] =	vst v9;
	v8 =	vadd.s32 $0x1388, v8  }
0x124: {  	v9 =	vld.idx.msk [tilespmem:v10+s3+$0x0], $0xffff;
	[tilespmem:s6+$0xFFFFFC00] =	vst v8  }
0x125: {  	s9 =	sadd.s32 $0xFFFFFFEE, s23;
	v8 =	vld.idx.msk [tilespmem:v11+s3+$0x0], $0xffff  }
0x126: {  	v10 =	vadd.s32 s9, v1;
	s9 =	sadd.s32 $0xFFFFFFEE, s5  }
0x127: {  	v11 =	vadd.s32 s9, v1;
	_ =	sdelay $0x1  }
0x128: {  	v9 =	vadd.s32 $0x1770, v9  }
0x129: {  	[tilespmem:s21+$0xFFFFFC80] =	vst v9;
	v8 =	vadd.s32 $0x1770, v8  }
0x12a: {  	v9 =	vld.idx.msk [tilespmem:v10+s3+$0x0], $0xffff;
	[tilespmem:s6+$0xFFFFFC80] =	vst v8  }
0x12b: {  	s9 =	sadd.s32 $0xFFFFFFEF, s23;
	v8 =	vld.idx.msk [tilespmem:v11+s3+$0x0], $0xffff  }
0x12c: {  	v10 =	vadd.s32 s9, v1;
	s9 =	sadd.s32 $0xFFFFFFEF, s5  }
0x12d: {  	v11 =	vadd.s32 s9, v1;
	_ =	sdelay $0x1  }
0x12e: {  	v9 =	vadd.s32 $0x1B58, v9  }
0x12f: {  	[tilespmem:s21+$0xFFFFFD00] =	vst v9;
	v8 =	vadd.s32 $0x1B58, v8  }
0x130: {  	v9 =	vld.idx.msk [tilespmem:v10+s3+$0x0], $0xffff;
	[tilespmem:s6+$0xFFFFFD00] =	vst v8  }
0x131: {  	s9 =	sadd.s32 $0xFFFFFFF0, s23;
	v8 =	vld.idx.msk [tilespmem:v11+s3+$0x0], $0xffff  }
0x132: {  	v10 =	vadd.s32 s9, v1;
	s9 =	sadd.s32 $0xFFFFFFF0, s5  }
0x133: {  	v11 =	vadd.s32 s9, v1  }
0x134: {  	v6 =	vadd.s32 $0x1F40, v6  }
0x135: {  	[tilespmem:s16+$0xFFFFFD80] =	vst v6;
	v6 =	vadd.s32 $0x1F40, v9  }
0x136: {  	v7 =	vld.idx.msk [tilespmem:v7+s3+$0x0], $0xffff;
	[tilespmem:s21+$0xFFFFFD80] =	vst v6;
	v6 =	vadd.s32 $0x1F40, v8  }
0x137: {  	s9 =	sadd.s32 $0xFFFFFFF1, s2;
	v8 =	vld.idx.msk [tilespmem:v10+s3+$0x0], $0xffff;
	[tilespmem:s6+$0xFFFFFD80] =	vst v6  }
0x138: {  	v6 =	vadd.s32 s9, v1;
	s9 =	sadd.s32 $0xFFFFFFF1, s23;
	v9 =	vld.idx.msk [tilespmem:v11+s3+$0x0], $0xffff  }
0x139: {  	v10 =	vadd.s32 s9, v1;
	s9 =	sadd.s32 $0xFFFFFFF1, s5  }
0x13a: {  	v11 =	vadd.s32 s9, v1  }
0x13b: {  	v7 =	vadd.s32 $0x2328, v7  }
0x13c: {  	[tilespmem:s16+$0xFFFFFE00] =	vst v7;
	v7 =	vadd.s32 $0x2328, v8  }
0x13d: {  	v6 =	vld.idx.msk [tilespmem:v6+s3+$0x0], $0xffff;
	[tilespmem:s21+$0xFFFFFE00] =	vst v7;
	v7 =	vadd.s32 $0x2328, v9  }
0x13e: {  	s9 =	sadd.s32 $0xFFFFFFF2, s2;
	v8 =	vld.idx.msk [tilespmem:v10+s3+$0x0], $0xffff;
	[tilespmem:s6+$0xFFFFFE00] =	vst v7  }
0x13f: {  	v7 =	vadd.s32 s9, v1;
	s9 =	sadd.s32 $0xFFFFFFF2, s23;
	v9 =	vld.idx.msk [tilespmem:v11+s3+$0x0], $0xffff  }
0x140: {  	v10 =	vadd.s32 s9, v1;
	s9 =	sadd.s32 $0xFFFFFFF2, s5  }
0x141: {  	v11 =	vadd.s32 s9, v1  }
0x142: {  	v6 =	vadd.s32 $0x2710, v6  }
0x143: {  	[tilespmem:s16+$0xFFFFFE80] =	vst v6;
	v6 =	vadd.s32 $0x2710, v8  }
0x144: {  	v7 =	vld.idx.msk [tilespmem:v7+s3+$0x0], $0xffff;
	[tilespmem:s21+$0xFFFFFE80] =	vst v6;
	v6 =	vadd.s32 $0x2710, v9  }
0x145: {  	s9 =	sadd.s32 $0xFFFFFFF3, s2;
	v8 =	vld.idx.msk [tilespmem:v10+s3+$0x0], $0xffff;
	[tilespmem:s6+$0xFFFFFE80] =	vst v6  }
0x146: {  	v6 =	vadd.s32 s9, v1;
	s9 =	sadd.s32 $0xFFFFFFF3, s23;
	v9 =	vld.idx.msk [tilespmem:v11+s3+$0x0], $0xffff  }
0x147: {  	v10 =	vadd.s32 s9, v1;
	s9 =	sadd.s32 $0xFFFFFFF3, s5  }
0x148: {  	v11 =	vadd.s32 s9, v1  }
0x149: {  	v7 =	vadd.s32 $0x2AF8, v7  }
0x14a: {  	[tilespmem:s16+$0xFFFFFF00] =	vst v7;
	v7 =	vadd.s32 $0x2AF8, v8  }
0x14b: {  	v6 =	vld.idx.msk [tilespmem:v6+s3+$0x0], $0xffff;
	[tilespmem:s21+$0xFFFFFF00] =	vst v7;
	v7 =	vadd.s32 $0x2AF8, v9  }
0x14c: {  	s9 =	sadd.s32 $0xFFFFFFF4, s2;
	v8 =	vld.idx.msk [tilespmem:v10+s3+$0x0], $0xffff;
	[tilespmem:s6+$0xFFFFFF00] =	vst v7  }
0x14d: {  	v7 =	vadd.s32 s9, v1;
	s9 =	sadd.s32 $0xFFFFFFF4, s23;
	v9 =	vld.idx.msk [tilespmem:v11+s3+$0x0], $0xffff  }
0x14e: {  	v10 =	vadd.s32 s9, v1;
	s9 =	sadd.s32 $0xFFFFFFF4, s5  }
0x14f: {  	v11 =	vadd.s32 s9, v1  }
0x150: {  	v6 =	vadd.s32 $0x2EE0, v6  }
0x151: {  	[tilespmem:s16+$0xFFFFFF80] =	vst v6;
	v6 =	vadd.s32 $0x2EE0, v8  }
0x152: {  	s9 =	sadd.s32 $0xFFFFFFF5, s22;
	v7 =	vld.idx.msk [tilespmem:v7+s3+$0x0], $0xffff;
	[tilespmem:s21+$0xFFFFFF80] =	vst v6;
	v6 =	vadd.s32 $0x2EE0, v9  }
0x153: {  	v8 =	vadd.s32 s9, v1;
	s9 =	sadd.s32 $0xFFFFFFF5, s2;
	v9 =	vld.idx.msk [tilespmem:v10+s3+$0x0], $0xffff;
	[tilespmem:s6+$0xFFFFFF80] =	vst v6  }
0x154: {  	v6 =	vadd.s32 s9, v1;
	s9 =	sadd.s32 $0xFFFFFFF5, s23;
	v10 =	vld.idx.msk [tilespmem:v11+s3+$0x0], $0xffff  }
0x155: {  	v11 =	vadd.s32 s9, v1;
	s9 =	sadd.s32 $0xFFFFFFF5, s5  }
0x156: {  	v5 =	vadd.s32 $0x32C8, v5;
	v12 =	vadd.s32 s9, v1  }
0x157: {  	[tilespmem:s15+$0x0] =	vst v5;
	v5 =	vadd.s32 $0x32C8, v7  }
0x158: {  	v7 =	vld.idx.msk [tilespmem:v8+s3+$0x0], $0xffff;
	[tilespmem:s16+$0x0] =	vst v5;
	v5 =	vadd.s32 $0x32C8, v9  }
0x159: {  	s9 =	sadd.s32 $0xFFFFFFF6, s22;
	v6 =	vld.idx.msk [tilespmem:v6+s3+$0x0], $0xffff;
	[tilespmem:s21+$0x0] =	vst v5;
	v5 =	vadd.s32 $0x32C8, v10  }
0x15a: {  	v8 =	vadd.s32 s9, v1;
	s9 =	sadd.s32 $0xFFFFFFF6, s2;
	v9 =	vld.idx.msk [tilespmem:v11+s3+$0x0], $0xffff;
	[tilespmem:s6+$0x0] =	vst v5  }
0x15b: {  	v5 =	vadd.s32 s9, v1;
	s9 =	sadd.s32 $0xFFFFFFF6, s23;
	v10 =	vld.idx.msk [tilespmem:v12+s3+$0x0], $0xffff  }
0x15c: {  	v11 =	vadd.s32 s9, v1;
	s9 =	sadd.s32 $0xFFFFFFF6, s5  }
0x15d: {  	v7 =	vadd.s32 $0x36B0, v7;
	v12 =	vadd.s32 s9, v1  }
0x15e: {  	[tilespmem:s15+$0x80] =	vst v7;
	v6 =	vadd.s32 $0x36B0, v6  }
0x15f: {  	v7 =	vld.idx.msk [tilespmem:v8+s3+$0x0], $0xffff;
	[tilespmem:s16+$0x80] =	vst v6;
	v6 =	vadd.s32 $0x36B0, v9  }
0x160: {  	s9 =	sadd.s32 $0xFFFFFFF7, s22;
	v5 =	vld.idx.msk [tilespmem:v5+s3+$0x0], $0xffff;
	[tilespmem:s21+$0x80] =	vst v6;
	v6 =	vadd.s32 $0x36B0, v10  }
0x161: {  	v8 =	vadd.s32 s9, v1;
	s9 =	sadd.s32 $0xFFFFFFF7, s2;
	v9 =	vld.idx.msk [tilespmem:v11+s3+$0x0], $0xffff;
	[tilespmem:s6+$0x80] =	vst v6  }
0x162: {  	v6 =	vadd.s32 s9, v1;
	s9 =	sadd.s32 $0xFFFFFFF7, s23;
	v10 =	vld.idx.msk [tilespmem:v12+s3+$0x0], $0xffff  }
0x163: {  	v11 =	vadd.s32 s9, v1;
	s9 =	sadd.s32 $0xFFFFFFF7, s5  }
0x164: {  	v7 =	vadd.s32 $0x3A98, v7;
	v12 =	vadd.s32 s9, v1  }
0x165: {  	[tilespmem:s15+$0x100] =	vst v7;
	v5 =	vadd.s32 $0x3A98, v5  }
0x166: {  	v7 =	vld.idx.msk [tilespmem:v8+s3+$0x0], $0xffff;
	[tilespmem:s16+$0x100] =	vst v5;
	v5 =	vadd.s32 $0x3A98, v9  }
0x167: {  	s9 =	sadd.s32 $0xFFFFFFF8, s22;
	v6 =	vld.idx.msk [tilespmem:v6+s3+$0x0], $0xffff;
	[tilespmem:s21+$0x100] =	vst v5;
	v5 =	vadd.s32 $0x3A98, v10  }
0x168: {  	v8 =	vadd.s32 s9, v1;
	s9 =	sadd.s32 $0xFFFFFFF8, s2;
	v9 =	vld.idx.msk [tilespmem:v11+s3+$0x0], $0xffff;
	[tilespmem:s6+$0x100] =	vst v5  }
0x169: {  	v5 =	vadd.s32 s9, v1;
	s9 =	sadd.s32 $0xFFFFFFF8, s23;
	v10 =	vld.idx.msk [tilespmem:v12+s3+$0x0], $0xffff  }
0x16a: {  	v11 =	vadd.s32 s9, v1;
	s9 =	sadd.s32 $0xFFFFFFF8, s5  }
0x16b: {  	v7 =	vadd.s32 $0x3E80, v7;
	v12 =	vadd.s32 s9, v1  }
0x16c: {  	[tilespmem:s15+$0x180] =	vst v7;
	v6 =	vadd.s32 $0x3E80, v6  }
0x16d: {  	v7 =	vld.idx.msk [tilespmem:v8+s3+$0x0], $0xffff;
	[tilespmem:s16+$0x180] =	vst v6;
	v6 =	vadd.s32 $0x3E80, v9  }
0x16e: {  	s9 =	sadd.s32 $0xFFFFFFF9, s22;
	v5 =	vld.idx.msk [tilespmem:v5+s3+$0x0], $0xffff;
	[tilespmem:s21+$0x180] =	vst v6;
	v6 =	vadd.s32 $0x3E80, v10  }
0x16f: {  	v8 =	vadd.s32 s9, v1;
	s9 =	sadd.s32 $0xFFFFFFF9, s2;
	v9 =	vld.idx.msk [tilespmem:v11+s3+$0x0], $0xffff;
	[tilespmem:s6+$0x180] =	vst v6  }
0x170: {  	v6 =	vadd.s32 s9, v1;
	s9 =	sadd.s32 $0xFFFFFFF9, s23;
	v10 =	vld.idx.msk [tilespmem:v12+s3+$0x0], $0xffff  }
0x171: {  	v3 =	vadd.s32 $0x4268, v3;
	v11 =	vadd.s32 s9, v1;
	s9 =	sadd.s32 $0xFFFFFFF9, s5  }
0x172: {  	[tilespmem:s14+$0x200] =	vst v3;
	v3 =	vadd.s32 $0x4268, v7;
	v7 =	vadd.s32 s9, v1  }
0x173: {  	v4 =	vld.idx.msk [tilespmem:v4+s3+$0x0], $0xffff;
	[tilespmem:s15+$0x200] =	vst v3;
	v3 =	vadd.s32 $0x4268, v5  }
0x174: {  	s9 =	sadd.s32 $0xFFFFFFFA, s31;
	v5 =	vld.idx.msk [tilespmem:v8+s3+$0x0], $0xffff;
	[tilespmem:s16+$0x200] =	vst v3;
	v3 =	vadd.s32 $0x4268, v9  }
0x175: {  	v8 =	vadd.s32 s9, v1;
	s9 =	sadd.s32 $0xFFFFFFFA, s22;
	v6 =	vld.idx.msk [tilespmem:v6+s3+$0x0], $0xffff;
	[tilespmem:s21+$0x200] =	vst v3;
	v3 =	vadd.s32 $0x4268, v10  }
0x176: {  	v9 =	vadd.s32 s9, v1;
	s9 =	sadd.s32 $0xFFFFFFFA, s2;
	v10 =	vld.idx.msk [tilespmem:v11+s3+$0x0], $0xffff;
	[tilespmem:s6+$0x200] =	vst v3  }
0x177: {  	v3 =	vadd.s32 s9, v1;
	s9 =	sadd.s32 $0xFFFFFFFA, s23;
	v7 =	vld.idx.msk [tilespmem:v7+s3+$0x0], $0xffff  }
0x178: {  	v4 =	vadd.s32 $0x4650, v4;
	v11 =	vadd.s32 s9, v1;
	s9 =	sadd.s32 $0xFFFFFFFA, s5  }
0x179: {  	[tilespmem:s14+$0x280] =	vst v4;
	v4 =	vadd.s32 $0x4650, v5;
	v5 =	vadd.s32 s9, v1  }
0x17a: {  	v8 =	vld.idx.msk [tilespmem:v8+s3+$0x0], $0xffff;
	[tilespmem:s15+$0x280] =	vst v4;
	v4 =	vadd.s32 $0x4650, v6  }
0x17b: {  	s9 =	sadd.s32 $0xFFFFFFFB, s31;
	v6 =	vld.idx.msk [tilespmem:v9+s3+$0x0], $0xffff;
	[tilespmem:s16+$0x280] =	vst v4;
	v4 =	vadd.s32 $0x4650, v10  }
0x17c: {  	v9 =	vadd.s32 s9, v1;
	s9 =	sadd.s32 $0xFFFFFFFB, s22;
	v3 =	vld.idx.msk [tilespmem:v3+s3+$0x0], $0xffff;
	[tilespmem:s21+$0x280] =	vst v4;
	v4 =	vadd.s32 $0x4650, v7  }
0x17d: {  	v7 =	vadd.s32 s9, v1;
	s9 =	sadd.s32 $0xFFFFFFFB, s2;
	v10 =	vld.idx.msk [tilespmem:v11+s3+$0x0], $0xffff;
	[tilespmem:s6+$0x280] =	vst v4  }
0x17e: {  	v4 =	vadd.s32 s9, v1;
	s9 =	sadd.s32 $0xFFFFFFFB, s23;
	v5 =	vld.idx.msk [tilespmem:v5+s3+$0x0], $0xffff  }
0x17f: {  	v8 =	vadd.s32 $0x4A38, v8;
	v11 =	vadd.s32 s9, v1;
	s9 =	sadd.s32 $0xFFFFFFFB, s5  }
0x180: {  	[tilespmem:s14+$0x300] =	vst v8;
	v6 =	vadd.s32 $0x4A38, v6;
	v8 =	vadd.s32 s9, v1  }
0x181: {  	v9 =	vld.idx.msk [tilespmem:v9+s3+$0x0], $0xffff;
	[tilespmem:s15+$0x300] =	vst v6;
	v3 =	vadd.s32 $0x4A38, v3  }
0x182: {  	s9 =	sadd.s32 $0xFFFFFFFC, s31;
	v6 =	vld.idx.msk [tilespmem:v7+s3+$0x0], $0xffff;
	[tilespmem:s16+$0x300] =	vst v3;
	v3 =	vadd.s32 $0x4A38, v10  }
0x183: {  	v7 =	vadd.s32 s9, v1;
	s9 =	sadd.s32 $0xFFFFFFFC, s22;
	v4 =	vld.idx.msk [tilespmem:v4+s3+$0x0], $0xffff;
	[tilespmem:s21+$0x300] =	vst v3;
	v3 =	vadd.s32 $0x4A38, v5  }
0x184: {  	v5 =	vadd.s32 s9, v1;
	s9 =	sadd.s32 $0xFFFFFFFC, s2;
	v10 =	vld.idx.msk [tilespmem:v11+s3+$0x0], $0xffff;
	[tilespmem:s6+$0x300] =	vst v3  }
0x185: {  	v3 =	vadd.s32 s9, v1;
	s9 =	sadd.s32 $0xFFFFFFFC, s23;
	v8 =	vld.idx.msk [tilespmem:v8+s3+$0x0], $0xffff  }
0x186: {  	v9 =	vadd.s32 $0x4E20, v9;
	v11 =	vadd.s32 s9, v1;
	s9 =	sadd.s32 $0xFFFFFFFC, s5  }
0x187: {  	[tilespmem:s14+$0x380] =	vst v9;
	v6 =	vadd.s32 $0x4E20, v6;
	v9 =	vadd.s32 s9, v1  }
0x188: {  	v7 =	vld.idx.msk [tilespmem:v7+s3+$0x0], $0xffff;
	[tilespmem:s15+$0x380] =	vst v6;
	v4 =	vadd.s32 $0x4E20, v4  }
0x189: {  	s9 =	sadd.s32 $0xFFFFFFFD, s31;
	v5 =	vld.idx.msk [tilespmem:v5+s3+$0x0], $0xffff;
	[tilespmem:s16+$0x380] =	vst v4;
	v4 =	vadd.s32 $0x4E20, v10  }
0x18a: {  	v6 =	vadd.s32 s9, v1;
	s9 =	sadd.s32 $0xFFFFFFFD, s22;
	v3 =	vld.idx.msk [tilespmem:v3+s3+$0x0], $0xffff;
	[tilespmem:s21+$0x380] =	vst v4;
	v4 =	vadd.s32 $0x4E20, v8  }
0x18b: {  	v8 =	vadd.s32 s9, v1;
	s9 =	sadd.s32 $0xFFFFFFFD, s2;
	v10 =	vld.idx.msk [tilespmem:v11+s3+$0x0], $0xffff;
	[tilespmem:s6+$0x380] =	vst v4  }
0x18c: {  	v4 =	vadd.s32 s9, v1;
	s9 =	sadd.s32 $0xFFFFFFFD, s23;
	v9 =	vld.idx.msk [tilespmem:v9+s3+$0x0], $0xffff  }
0x18d: {  	v7 =	vadd.s32 $0x5208, v7;
	v11 =	vadd.s32 s9, v1;
	s9 =	sadd.s32 $0xFFFFFFFD, s5  }
0x18e: {  	v2 =	vld.idx.msk [tilespmem:v2+s3+$0x0], $0xffff;
	[tilespmem:s14+$0x400] =	vst v7;
	v5 =	vadd.s32 $0x5208, v5;
	v7 =	vadd.s32 s9, v1  }
0x18f: {  	s9 =	sadd.s32 $0xFFFFFFFE, s4;
	v6 =	vld.idx.msk [tilespmem:v6+s3+$0x0], $0xffff;
	[tilespmem:s15+$0x400] =	vst v5;
	v3 =	vadd.s32 $0x5208, v3  }
0x190: {  	v5 =	vadd.s32 s9, v1;
	s9 =	sadd.s32 $0xFFFFFFFE, s31;
	v8 =	vld.idx.msk [tilespmem:v8+s3+$0x0], $0xffff;
	[tilespmem:s16+$0x400] =	vst v3;
	v3 =	vadd.s32 $0x5208, v10  }
0x191: {  	v10 =	vadd.s32 s9, v1;
	s9 =	sadd.s32 $0xFFFFFFFE, s22;
	v4 =	vld.idx.msk [tilespmem:v4+s3+$0x0], $0xffff;
	[tilespmem:s21+$0x400] =	vst v3;
	v3 =	vadd.s32 $0x5208, v9  }
0x192: {  	v9 =	vadd.s32 s9, v1;
	s9 =	sadd.s32 $0xFFFFFFFE, s2;
	v11 =	vld.idx.msk [tilespmem:v11+s3+$0x0], $0xffff;
	[tilespmem:s6+$0x400] =	vst v3  }
0x193: {  	v2 =	vadd.s32 $0x55F0, v2;
	v3 =	vadd.s32 s9, v1;
	s9 =	sadd.s32 $0xFFFFFFFE, s23;
	v7 =	vld.idx.msk [tilespmem:v7+s3+$0x0], $0xffff  }
0x194: {  	[tilespmem:s0+$0x480] =	vst v2;
	v2 =	vadd.s32 $0x55F0, v6;
	v6 =	vadd.s32 s9, v1;
	s9 =	sadd.s32 $0xFFFFFFFE, s5  }
0x195: {  	v5 =	vld.idx.msk [tilespmem:v5+s3+$0x0], $0xffff;
	[tilespmem:s14+$0x480] =	vst v2;
	v2 =	vadd.s32 $0x55F0, v8;
	v8 =	vadd.s32 s9, v1  }
0x196: {  	s9 =	sadd.s32 $0xFFFFFFFF, s4;
	v10 =	vld.idx.msk [tilespmem:v10+s3+$0x0], $0xffff;
	[tilespmem:s15+$0x480] =	vst v2;
	v2 =	vadd.s32 $0x55F0, v4  }
0x197: {  	v4 =	vadd.s32 s9, v1;
	s9 =	sadd.s32 $0xFFFFFFFF, s31;
	v9 =	vld.idx.msk [tilespmem:v9+s3+$0x0], $0xffff;
	[tilespmem:s16+$0x480] =	vst v2;
	v2 =	vadd.s32 $0x55F0, v11  }
0x198: {  	v11 =	vadd.s32 s9, v1;
	s9 =	sadd.s32 $0xFFFFFFFF, s22;
	v3 =	vld.idx.msk [tilespmem:v3+s3+$0x0], $0xffff;
	[tilespmem:s21+$0x480] =	vst v2;
	v2 =	vadd.s32 $0x55F0, v7  }
0x199: {  	v7 =	vadd.s32 s9, v1;
	s9 =	sadd.s32 $0xFFFFFFFF, s2;
	v6 =	vld.idx.msk [tilespmem:v6+s3+$0x0], $0xffff;
	[tilespmem:s6+$0x480] =	vst v2  }
0x19a: {  	v2 =	vadd.s32 $0x59D8, v5;
	v5 =	vadd.s32 s9, v1;
	s9 =	sadd.s32 $0xFFFFFFFF, s23;
	v8 =	vld.idx.msk [tilespmem:v8+s3+$0x0], $0xffff  }
0x19b: {  	[tilespmem:s0+$0x500] =	vst v2;
	v2 =	vadd.s32 $0x59D8, v10;
	v10 =	vadd.s32 s9, v1;
	s9 =	sadd.s32 $0xFFFFFFFF, s5  }
0x19c: {  	v4 =	vld.idx.msk [tilespmem:v4+s3+$0x0], $0xffff;
	[tilespmem:s14+$0x500] =	vst v2;
	v2 =	vadd.s32 $0x59D8, v9;
	v9 =	vadd.s32 s9, v1  }
0x19d: {  	v11 =	vld.idx.msk [tilespmem:v11+s3+$0x0], $0xffff;
	[tilespmem:s15+$0x500] =	vst v2;
	v2 =	vadd.s32 $0x59D8, v3  }
0x19e: {  	v3 =	vadd.s32 s4, v1;
	v7 =	vld.idx.msk [tilespmem:v7+s3+$0x0], $0xffff;
	[tilespmem:s16+$0x500] =	vst v2;
	v2 =	vadd.s32 $0x59D8, v6  }
0x19f: {  	v6 =	vadd.s32 s31, v1;
	v5 =	vld.idx.msk [tilespmem:v5+s3+$0x0], $0xffff;
	[tilespmem:s21+$0x500] =	vst v2;
	v2 =	vadd.s32 $0x59D8, v8  }
0x1a0: {  	v8 =	vadd.s32 s22, v1;
	v10 =	vld.idx.msk [tilespmem:v10+s3+$0x0], $0xffff;
	[tilespmem:s6+$0x500] =	vst v2  }
0x1a1: {  	v2 =	vadd.s32 $0x5DC0, v4;
	v4 =	vadd.s32 s2, v1;
	v9 =	vld.idx.msk [tilespmem:v9+s3+$0x0], $0xffff  }
0x1a2: {  	[tilespmem:s0+$0x580] =	vst v2;
	v2 =	vadd.s32 $0x5DC0, v11;
	v11 =	vadd.s32 s23, v1  }
0x1a3: {  	v3 =	vld.idx.msk [tilespmem:v3+s3+$0x0], $0xffff;
	[tilespmem:s14+$0x580] =	vst v2;
	v2 =	vadd.s32 $0x5DC0, v7;
	v7 =	vadd.s32 s5, v1  }
0x1a4: {  	v6 =	vld.idx.msk [tilespmem:v6+s3+$0x0], $0xffff;
	[tilespmem:s15+$0x580] =	vst v2;
	v2 =	vadd.s32 $0x5DC0, v5  }
0x1a5: {  	v5 =	vld.idx.msk [tilespmem:v8+s3+$0x0], $0xffff;
	[tilespmem:s16+$0x580] =	vst v2;
	v2 =	vadd.s32 $0x5DC0, v10  }
0x1a6: {  	v4 =	vld.idx.msk [tilespmem:v4+s3+$0x0], $0xffff;
	[tilespmem:s21+$0x580] =	vst v2;
	v2 =	vadd.s32 $0x5DC0, v9  }
0x1a7: {  	v8 =	vld.idx.msk [tilespmem:v11+s3+$0x0], $0xffff;
	[tilespmem:s6+$0x580] =	vst v2  }
0x1a8: {  	v2 =	vadd.s32 $0x61A8, v3;
	v3 =	vld.idx.msk [tilespmem:v7+s3+$0x0], $0xffff  }
0x1a9: {  	[tilespmem:s0+$0x600] =	vst v2;
	v2 =	vadd.s32 $0x61A8, v6  }
0x1aa: {  	[tilespmem:s14+$0x600] =	vst v2;
	v2 =	vadd.s32 $0x61A8, v5  }
0x1ab: {  	[tilespmem:s15+$0x600] =	vst v2;
	v2 =	vadd.s32 $0x61A8, v4  }
0x1ac: {  	[tilespmem:s16+$0x600] =	vst v2;
	v2 =	vadd.s32 $0x61A8, v8  }
0x1ad: {  	[tilespmem:s21+$0x600] =	vst v2;
	v2 =	vadd.s32 $0x61A8, v3  }
0x1ae: {  	[tilespmem:s6+$0x600] =	vst v2  }
0x1af: {  	_ =	strace $0x9000004D  }
0x1b0: {  	_ =	swait.ge [sflag:s25], $0x80  }
0x1b1: {  	[sflag:s25] =	ssyncset.done $0x0  }
0x1b2: {  	[sflag:s25] =	ssyncadd.s32 $0xFFFFFF80  }
0x1b3: {  	v2 =	vld [tilespmem:$0x4680];
	_ =	strace $0x8000004E  }
0x1b4: {  	_ =	swait.ge [sflag:s26], $0xBB8  }
0x1b5: {  	[sflag:s26] =	ssyncset.done $0x0  }
0x1b6: {  	[sflag:s26] =	ssyncadd.s32 $0xFFFFF448  }
0x1b7: {  	_ =	strace $0x9000004E  }
0x1b8: {  	s0 =	simm.s32 $0x0;
	_ =	strace $0x8000004F  }
0x1b9: {  	v4 =	vld [tilespmem:s0+$0x4780];
	_ =	sdelay $0x1  }
0x1ba: {  	v6 =	vld [tilespmem:s0+$0x4800];
	_ =	sdelay $0x1  }
0x1bb: {  	v7 =	vld [tilespmem:s0+$0x4880]  }
0x1bc: {  	v8 =	vld [tilespmem:s0+$0x4900];
	v3 =	vshra.s32 v4, $0x1  }
0x1bd: {  	v9 =	vld [tilespmem:s0+$0x4980]  }
0x1be: {  	v10 =	vld [tilespmem:s0+$0x4A00];
	v5 =	vshra.s32 v6, $0x1;
	_ =	sdelay $0x1  }
0x1bf: {  	v11 =	vshra.s32 v7, $0x1  }
0x1c0: {  	s2 =	simm.s32 $0x10;
	v4 =	vand.u32 $0x1, v4;
	v12 =	vld.idx.msk [tilespmem:v3+s20+$0x0], $0xffff  }
0x1c1: {  	v13 =	vshra.s32 v8, $0x1;
	vm0 =	veq.s32 v4, $0x0;
	v4 =	vld [tilespmem:s2+$0x4880]  }
0x1c2: {  	v15 =	vshra.s32 v9, $0x1;
	v18 =	vand.u32 $0x1, v9;
	v9 =	vshra.s32 v10, $0x1;
	v14 =	vld.idx.msk [tilespmem:v5+s20+$0x0], $0xffff  }
0x1c3: {  	v5 =	vld [tilespmem:s2+$0x4780]  }
0x1c4: {  	v16 =	vand.u32 $0x1, v10;
	v17 =	vand.u32 $0x1, v8;
	v11 =	vld.idx.msk [tilespmem:v11+s20+$0x0], $0xffff  }
0x1c5: {  	v6 =	vand.u32 $0x1, v6;
	v3 =	vld [tilespmem:s2+$0x4800];
	v8 =	vand.u32 $0xFFFF0000, v12;
	v10 =	vshll.u32 v12, $0x10  }
0x1c6: {  	vm11 =	veq.s32 v6, $0x0;
	v6 =	vand.u32 $0x1, v7;
	v12 =	vld.idx.msk [tilespmem:v13+s20+$0x0], $0xffff;
	v8 =	vsel vm0, v10, v8  }
0x1c7: {  	v20 =	vld.idx.msk [tilespmem:v9+s20+$0x0], $0xffff;
	v13 =	vshll.u32 v14, $0x10;
	v10 =	vand.u32 $0xFFFF0000, v14;
	v7 =	vadd.f32 v8, v2  }
0x1c8: {  	vm12 =	veq.s32 v6, $0x0;
	v19 =	vshra.s32 v5, $0x1;
	v14 =	vld.idx.msk [tilespmem:v15+s20+$0x0], $0xffff;
	v10 =	vsel vm11, v13, v10  }
0x1c9: {  	v8 =	vld [tilespmem:s2+$0x4900];
	v6 =	vadd.f32 v10, v7;
	v7 =	vand.u32 $0xFFFF0000, v11;
	v10 =	vshll.u32 v11, $0x10  }
0x1ca: {  	vm13 =	veq.s32 v17, $0x0;
	v9 =	vld [tilespmem:s2+$0x4A00];
	v21 =	vshra.s32 v3, $0x1;
	v7 =	vsel vm12, v10, v7  }
0x1cb: {  	v11 =	vld [tilespmem:s2+$0x4980];
	v10 =	vshll.u32 v12, $0x10;
	v6 =	vadd.f32 v7, v6;
	v7 =	vand.u32 $0xFFFF0000, v12  }
0x1cc: {  	vm14 =	veq.s32 v18, $0x0;
	v15 =	vshra.s32 v4, $0x1;
	v7 =	vsel vm13, v10, v7  }
0x1cd: {  	v10 =	vshll.u32 v14, $0x10;
	v6 =	vadd.f32 v7, v6;
	v7 =	vand.u32 $0xFFFF0000, v14  }
0x1ce: {  	vm15 =	veq.s32 v16, $0x0;
	v12 =	vld.idx.msk [tilespmem:v19+s20+$0x0], $0xffff;
	v13 =	vshra.s32 v8, $0x1;
	v7 =	vsel vm14, v10, v7  }
0x1cf: {  	s4 =	simm.s32 $0x20;
	v17 =	vand.u32 $0xFFFF0000, v20;
	v18 =	vshll.u32 v20, $0x10;
	v10 =	vld.idx.msk [tilespmem:v21+s20+$0x0], $0xffff;
	v16 =	vadd.f32 v7, v6  }
0x1d0: {  	s5 =	simm.s32 $0xC0;
	v17 =	vsel vm15, v18, v17;
	v14 =	vshra.s32 v11, $0x1;
	v7 =	vld [tilespmem:s4+$0x4780];
	v6 =	vand.u32 $0x1, v9  }
.LBB2_6:
0x1d1: {  	p0 =	sne.s32 s5, $0x1C0;
	v15 =	vld.idx.msk [tilespmem:v15+s20+$0x0], $0xffff;
	v18 =	vand.u32 $0x1, v8;
	v19 =	vand.u32 $0x1, v11;
	v8 =	vadd.f32 v17, v16  }
0x1d2: {  	v5 =	vand.u32 $0x1, v5;
	v11 =	vand.u32 $0x1, v3;
	v9 =	vshra.s32 v9, $0x1;
	v3 =	vld [tilespmem:s4+$0x4800]  }
0x1d3: {  	vm0 =	veq.s32 v5, $0x0;
	v17 =	vand.u32 $0xFFFF0000, v12;
	v12 =	vshll.u32 v12, $0x10;
	v13 =	vld.idx.msk [tilespmem:v13+s20+$0x0], $0xffff;
	[tilespmem:s0+$0x4700] =	vst v8;
	s0 =	smov.u32 s2;
	s2 =	smov.u32 s4  }
0x1d4: {  	v8 =	vsel vm0, v12, v17;
	vm0 =	veq.s32 v11, $0x0;
	v11 =	vand.u32 $0x1, v4;
	v4 =	vld [tilespmem:s2+$0x4880]  }
0x1d5: {  	v12 =	vadd.f32 v8, v2;
	v16 =	vand.u32 $0xFFFF0000, v10;
	v10 =	vshll.u32 v10, $0x10;
	v14 =	vld.idx.msk [tilespmem:v14+s20+$0x0], $0xffff;
	v5 =	vmovc v7  }
0x1d6: {  	v10 =	vsel vm0, v10, v16;
	vm0 =	veq.s32 v11, $0x0;
	v7 =	vshra.s32 v5, $0x1;
	v8 =	vld [tilespmem:s2+$0x4900]  }
0x1d7: {  	v10 =	vadd.f32 v10, v12;
	v11 =	vand.u32 $0xFFFF0000, v15;
	v12 =	vshll.u32 v15, $0x10;
	v17 =	vld.idx.msk [tilespmem:v9+s20+$0x0], $0xffff  }
0x1d8: {  	v16 =	vshra.s32 v3, $0x1;
	v12 =	vsel vm0, v12, v11;
	vm0 =	veq.s32 v18, $0x0;
	v9 =	vld [tilespmem:s2+$0x4A00]  }
0x1d9: {  	v10 =	vadd.f32 v12, v10;
	v12 =	vand.u32 $0xFFFF0000, v13;
	v13 =	vshll.u32 v13, $0x10;
	v11 =	vld [tilespmem:s2+$0x4980]  }
.Ltmp2:
0x1da: {  	v15 =	vshra.s32 v4, $0x1;
	v13 =	vsel vm0, v13, v12;
	vm0 =	veq.s32 v19, $0x0;
	(pc) =	sbr.rel @p0 .LBB2_6-.Ltmp2, $4  }
0x1db: {  	v12 =	vld.idx.msk [tilespmem:v7+s20+$0x0], $0xffff;
	v7 =	vadd.f32 v13, v10;
	v10 =	vand.u32 $0xFFFF0000, v14;
	v14 =	vshll.u32 v14, $0x10  }
0x1dc: {  	v13 =	vshra.s32 v8, $0x1;
	v14 =	vsel vm0, v14, v10;
	vm0 =	veq.s32 v6, $0x0  }
0x1dd: {  	s4 =	sshra.s32 s5, $0x2;
	v18 =	vand.u32 $0xFFFF0000, v17;
	v17 =	vshll.u32 v17, $0x10;
	v10 =	vld.idx.msk [tilespmem:v16+s20+$0x0], $0xffff;
	v16 =	vadd.f32 v14, v7  }
0x1de: {  	s5 =	sadd.s32 $0x40, s5;
	v6 =	vand.u32 $0x1, v9;
	v17 =	vsel vm0, v17, v18;
	v7 =	vld [tilespmem:s4+$0x4780];
	v14 =	vshra.s32 v11, $0x1  }
0x1df: {  	_ =	sdelay $0x2  }
0x1e0: {  	v8 =	vand.u32 $0x1, v8  }
0x1e1: {  	v15 =	vld.idx.msk [tilespmem:v15+s20+$0x0], $0xffff;
	v5 =	vand.u32 $0x1, v5;
	v9 =	vshra.s32 v9, $0x1;
	v16 =	vadd.f32 v17, v16  }
0x1e2: {  	v18 =	vld [tilespmem:s4+$0x4800];
	vm0 =	veq.s32 v5, $0x0;
	v5 =	vand.u32 $0xFFFF0000, v12;
	v12 =	vshll.u32 v12, $0x10  }
0x1e3: {  	v3 =	vand.u32 $0x1, v3;
	v13 =	vld.idx.msk [tilespmem:v13+s20+$0x0], $0xffff;
	v4 =	vand.u32 $0x1, v4;
	v5 =	vsel vm0, v12, v5  }
0x1e4: {  	v12 =	vld [tilespmem:s4+$0x4880];
	vm0 =	veq.s32 v3, $0x0;
	v3 =	vand.u32 $0xFFFF0000, v10;
	v10 =	vshll.u32 v10, $0x10  }
0x1e5: {  	v14 =	vld.idx.msk [tilespmem:v14+s20+$0x0], $0xffff;
	v5 =	vadd.f32 v5, v2;
	v17 =	vshra.s32 v7, $0x1;
	v3 =	vsel vm0, v10, v3  }
0x1e6: {  	v10 =	vld [tilespmem:s4+$0x4900];
	vm0 =	veq.s32 v4, $0x0;
	v4 =	vand.u32 $0xFFFF0000, v15;
	v15 =	vshll.u32 v15, $0x10  }
0x1e7: {  	v9 =	vld.idx.msk [tilespmem:v9+s20+$0x0], $0xffff;
	v19 =	vshra.s32 v18, $0x1;
	v3 =	vadd.f32 v3, v5;
	v4 =	vsel vm0, v15, v4  }
0x1e8: {  	vm0 =	veq.s32 v8, $0x0;
	v8 =	vld [tilespmem:s4+$0x4980];
	v15 =	vand.u32 $0xFFFF0000, v13;
	v13 =	vshll.u32 v13, $0x10  }
0x1e9: {  	v11 =	vand.u32 $0x1, v11;
	v5 =	vld [tilespmem:s4+$0x4A00];
	v13 =	vsel vm0, v13, v15;
	v15 =	vshra.s32 v12, $0x1  }
0x1ea: {  	v7 =	vand.u32 $0x1, v7;
	vm0 =	veq.s32 v11, $0x0;
	v3 =	vadd.f32 v4, v3;
	v11 =	vld.idx.msk [tilespmem:v17+s20+$0x0], $0xffff  }
0x1eb: {  	v17 =	vand.u32 $0xFFFF0000, v14;
	v14 =	vshll.u32 v14, $0x10;
	v4 =	vshra.s32 v10, $0x1  }
0x1ec: {  	v3 =	vadd.f32 v13, v3;
	v14 =	vsel vm0, v14, v17;
	vm0 =	veq.s32 v6, $0x0;
	v6 =	vld.idx.msk [tilespmem:v19+s20+$0x0], $0xffff  }
0x1ed: {  	v17 =	vand.u32 $0xFFFF0000, v9;
	v9 =	vshll.u32 v9, $0x10;
	v13 =	vshra.s32 v8, $0x1  }
0x1ee: {  	v9 =	vsel vm0, v9, v17;
	v17 =	vand.u32 $0x1, v18;
	v18 =	vshra.s32 v5, $0x1;
	v15 =	vld.idx.msk [tilespmem:v15+s20+$0x0], $0xffff  }
0x1ef: {  	vm0 =	veq.s32 v7, $0x0;
	v7 =	vand.u32 $0xFFFF0000, v11;
	v11 =	vshll.u32 v11, $0x10  }
0x1f0: {  	v4 =	vld.idx.msk [tilespmem:v4+s20+$0x0], $0xffff;
	v7 =	vsel vm0, v11, v7;
	vm0 =	veq.s32 v17, $0x0;
	v11 =	vand.u32 $0x1, v12  }
0x1f1: {  	v2 =	vadd.f32 v7, v2;
	v7 =	vand.u32 $0xFFFF0000, v6;
	v6 =	vshll.u32 v6, $0x10  }
0x1f2: {  	v10 =	vand.u32 $0x1, v10;
	v12 =	vld.idx.msk [tilespmem:v13+s20+$0x0], $0xffff;
	v6 =	vsel vm0, v6, v7;
	vm0 =	veq.s32 v11, $0x0  }
0x1f3: {  	v7 =	vshll.u32 v15, $0x10;
	v2 =	vadd.f32 v6, v2;
	v6 =	vand.u32 $0xFFFF0000, v15  }
0x1f4: {  	v8 =	vand.u32 $0x1, v8;
	v11 =	vld.idx.msk [tilespmem:v18+s20+$0x0], $0xffff;
	v6 =	vsel vm0, v7, v6;
	vm0 =	veq.s32 v10, $0x0  }
0x1f5: {  	v2 =	vadd.f32 v6, v2;
	v6 =	vand.u32 $0xFFFF0000, v4;
	v4 =	vshll.u32 v4, $0x10  }
0x1f6: {  	v5 =	vand.u32 $0x1, v5;
	v4 =	vsel vm0, v4, v6;
	vm0 =	veq.s32 v8, $0x0  }
0x1f7: {  	v6 =	vshll.u32 v12, $0x10;
	v2 =	vadd.f32 v4, v2;
	v4 =	vand.u32 $0xFFFF0000, v12  }
0x1f8: {  	v3 =	vadd.f32 v14, v3;
	v4 =	vsel vm0, v6, v4;
	vm0 =	veq.s32 v5, $0x0  }
0x1f9: {  	v5 =	vshll.u32 v11, $0x10;
	v2 =	vadd.f32 v4, v2;
	v4 =	vand.u32 $0xFFFF0000, v11  }
0x1fa: {  	v3 =	vadd.f32 v9, v3;
	v4 =	vsel vm0, v5, v4  }
0x1fb: {  	[tilespmem:s0+$0x4700] =	vst v16;
	v2 =	vadd.f32 v4, v2  }
0x1fc: {  	[tilespmem:s2+$0x4700] =	vst v3  }
0x1fd: {  	[tilespmem:s4+$0x4700] =	vst v2  }
0x1fe: {  	_ =	strace $0x9000004F  }
0x1ff: {  	_ =	strace $0x80000050  }
0x200: {  	_ =	swait.ge [sflag:s28], $0xFA0  }
0x201: {  	[sflag:s28] =	ssyncset.done $0x0  }
0x202: {  	[sflag:s28] =	ssyncadd.s32 $0xFFFFF060  }
0x203: {  	_ =	strace $0x90000050  }
0x204: {  	s0 =	simm.s32 $0x0;
	_ =	strace $0x80000051  }
0x205: {  	v3 =	vld [tilespmem:s0+$0x4A80];
	_ =	sdelay $0x1  }
0x206: {  	v10 =	vld [tilespmem:s0+$0x4B00];
	_ =	sdelay $0x1  }
0x207: {  	v7 =	vld [tilespmem:s0+$0x4B80]  }
0x208: {  	v8 =	vld [tilespmem:s0+$0x4C00];
	v2 =	vshra.s32 v3, $0x1  }
0x209: {  	v6 =	vld [tilespmem:s0+$0x4E00]  }
0x20a: {  	v5 =	vld [tilespmem:s0+$0x4C80];
	v4 =	vshra.s32 v10, $0x1  }
0x20b: {  	v13 =	vld [tilespmem:s0+$0x4D00]  }
0x20c: {  	v11 =	vld [tilespmem:s0+$0x4D80];
	v9 =	vshra.s32 v7, $0x1  }
0x20d: {  	v14 =	vld.idx.msk [tilespmem:v2+s20+$0x0], $0xffff  }
0x20e: {  	v16 =	vld [tilespmem:s0+$0x4700];
	v15 =	vshra.s32 v8, $0x1  }
0x20f: {  	v18 =	vshra.s32 v5, $0x1;
	v12 =	vand.u32 $0x1, v7;
	v8 =	vand.u32 $0x1, v8;
	v17 =	vld.idx.msk [tilespmem:v4+s20+$0x0], $0xffff  }
0x210: {  	v7 =	vand.u32 $0x1, v13;
	v3 =	vand.u32 $0x1, v3;
	v19 =	vand.u32 $0x1, v10  }
0x211: {  	s2 =	simm.s32 $0x10;
	v13 =	vshra.s32 v13, $0x1;
	vm0 =	veq.s32 v3, $0x0;
	v2 =	vand.u32 $0x1, v6;
	v9 =	vld.idx.msk [tilespmem:v9+s20+$0x0], $0xffff  }
0x212: {  	v3 =	vld [tilespmem:s2+$0x4A80];
	v4 =	vand.u32 $0x1, v11;
	v20 =	vand.u32 $0xFFFF0000, v14;
	v14 =	vshll.u32 v14, $0x10  }
0x213: {  	v10 =	vld.idx.msk [tilespmem:v15+s20+$0x0], $0xffff;
	v15 =	vsel vm0, v14, v20;
	vm0 =	veq.s32 v19, $0x0;
	v14 =	vshra.s32 v11, $0x1  }
0x214: {  	s4 =	simm.s32 $0x80;
	v11 =	vld.idx.msk [tilespmem:v18+s20+$0x0], $0xffff;
	v15 =	vadd.f32 v15, v16;
	v16 =	vand.u32 $0xFFFF0000, v17;
	v17 =	vshll.u32 v17, $0x10  }
.LBB2_8:
0x215: {  	p0 =	sne.s32 s4, $0x1C0;
	v18 =	vld [tilespmem:s2+$0x4B00];
	v16 =	vsel vm0, v17, v16;
	vm0 =	veq.s32 v12, $0x0;
	v6 =	vshra.s32 v6, $0x1  }
0x216: {  	v12 =	vadd.f32 v16, v15;
	v15 =	vand.u32 $0xFFFF0000, v9;
	v9 =	vshll.u32 v9, $0x10;
	v13 =	vld.idx.msk [tilespmem:v13+s20+$0x0], $0xffff  }
0x217: {  	v5 =	vand.u32 $0x1, v5;
	v16 =	vld [tilespmem:s2+$0x4B80];
	v9 =	vsel vm0, v9, v15;
	vm0 =	veq.s32 v8, $0x0  }
0x218: {  	v8 =	vadd.f32 v9, v12;
	v9 =	vand.u32 $0xFFFF0000, v10;
	v10 =	vshll.u32 v10, $0x10;
	v12 =	vld.idx.msk [tilespmem:v14+s20+$0x0], $0xffff  }
0x219: {  	v14 =	vshra.s32 v3, $0x1;
	v15 =	vld [tilespmem:s2+$0x4C00];
	v9 =	vsel vm0, v10, v9;
	vm0 =	veq.s32 v5, $0x0  }
0x21a: {  	v5 =	vadd.f32 v9, v8;
	v8 =	vand.u32 $0xFFFF0000, v11;
	v9 =	vshll.u32 v11, $0x10;
	v10 =	vld.idx.msk [tilespmem:v6+s20+$0x0], $0xffff  }
0x21b: {  	v11 =	vshra.s32 v18, $0x1;
	v6 =	vld [tilespmem:s2+$0x4E00];
	v8 =	vsel vm0, v9, v8;
	vm0 =	veq.s32 v7, $0x0  }
0x21c: {  	v9 =	vshll.u32 v13, $0x10;
	v17 =	vld [tilespmem:s2+$0x4D80];
	v7 =	vadd.f32 v8, v5;
	v8 =	vand.u32 $0xFFFF0000, v13  }
0x21d: {  	v13 =	vshra.s32 v16, $0x1;
	v5 =	vld [tilespmem:s2+$0x4C80];
	v8 =	vsel vm0, v9, v8;
	vm0 =	veq.s32 v4, $0x0  }
0x21e: {  	v19 =	vld [tilespmem:s2+$0x4D00];
	v4 =	vadd.f32 v8, v7;
	v7 =	vand.u32 $0xFFFF0000, v12;
	v8 =	vshll.u32 v12, $0x10  }
0x21f: {  	v20 =	vshra.s32 v15, $0x1;
	v14 =	vld.idx.msk [tilespmem:v14+s20+$0x0], $0xffff;
	v7 =	vsel vm0, v8, v7;
	vm0 =	veq.s32 v2, $0x0  }
0x220: {  	v8 =	vshll.u32 v10, $0x10;
	v7 =	vadd.f32 v7, v4;
	v4 =	vand.u32 $0xFFFF0000, v10  }
0x221: {  	v2 =	vand.u32 $0x1, v6;
	v11 =	vld.idx.msk [tilespmem:v11+s20+$0x0], $0xffff;
	v8 =	vsel vm0, v8, v4  }
0x222: {  	v4 =	vand.u32 $0x1, v17;
	v21 =	vld [tilespmem:s2+$0x4700];
	v22 =	vshra.s32 v5, $0x1;
	v10 =	vadd.f32 v8, v7  }
.Ltmp3:
0x223: {  	v12 =	vand.u32 $0x1, v16;
	v8 =	vand.u32 $0x1, v15;
	v9 =	vld.idx.msk [tilespmem:v13+s20+$0x0], $0xffff;
	v7 =	vand.u32 $0x1, v19;
	(pc) =	sbr.rel @p0 .LBB2_8-.Ltmp3, $4  }
0x224: {  	v3 =	vand.u32 $0x1, v3;
	v15 =	vand.u32 $0x1, v18;
	v13 =	vshra.s32 v19, $0x1;
	[tilespmem:s0+$0x4700] =	vst v10;
	s0 =	smov.u32 s2  }
0x225: {  	vm0 =	veq.s32 v3, $0x0;
	s2 =	sshra.s32 s4, $0x2;
	v16 =	vand.u32 $0xFFFF0000, v14;
	v14 =	vshll.u32 v14, $0x10;
	v10 =	vld.idx.msk [tilespmem:v20+s20+$0x0], $0xffff  }
0x226: {  	v16 =	vsel vm0, v14, v16;
	vm0 =	veq.s32 v15, $0x0;
	v14 =	vshra.s32 v17, $0x1;
	v3 =	vld [tilespmem:s2+$0x4A80]  }
0x227: {  	s4 =	sadd.s32 $0x40, s4;
	v17 =	vshll.u32 v11, $0x10;
	v15 =	vadd.f32 v16, v21;
	v16 =	vand.u32 $0xFFFF0000, v11;
	v11 =	vld.idx.msk [tilespmem:v22+s20+$0x0], $0xffff  }
0x228: {  	_ =	sdelay $0x1  }
0x229: {  	v16 =	vsel vm0, v17, v16;
	vm9 =	veq.s32 v12, $0x0;
	v6 =	vshra.s32 v6, $0x1  }
0x22a: {  	v12 =	vld [tilespmem:s2+$0x4B00];
	v15 =	vadd.f32 v16, v15;
	v16 =	vand.u32 $0xFFFF0000, v9;
	v9 =	vshll.u32 v9, $0x10  }
0x22b: {  	v13 =	vld.idx.msk [tilespmem:v13+s20+$0x0], $0xffff;
	vm10 =	veq.s32 v8, $0x0;
	v9 =	vsel vm9, v9, v16  }
0x22c: {  	v8 =	vld [tilespmem:s2+$0x4B80];
	v9 =	vadd.f32 v9, v15;
	v15 =	vand.u32 $0xFFFF0000, v10;
	v10 =	vshll.u32 v10, $0x10  }
0x22d: {  	v5 =	vand.u32 $0x1, v5;
	v14 =	vld.idx.msk [tilespmem:v14+s20+$0x0], $0xffff;
	v16 =	vshra.s32 v3, $0x1;
	v10 =	vsel vm10, v10, v15  }
0x22e: {  	vm11 =	veq.s32 v5, $0x0;
	v15 =	vld [tilespmem:s2+$0x4C00];
	v5 =	vadd.f32 v10, v9  }
0x22f: {  	v9 =	vand.u32 $0xFFFF0000, v11;
	v10 =	vshll.u32 v11, $0x10;
	v6 =	vld.idx.msk [tilespmem:v6+s20+$0x0], $0xffff;
	v11 =	vshra.s32 v12, $0x1  }
0x230: {  	vm12 =	veq.s32 v7, $0x0;
	v7 =	vld [tilespmem:s2+$0x4D80];
	v9 =	vsel vm11, v10, v9  }
0x231: {  	v10 =	vshll.u32 v13, $0x10;
	v5 =	vadd.f32 v9, v5;
	v9 =	vand.u32 $0xFFFF0000, v13;
	v13 =	vld [tilespmem:s2+$0x4C80]  }
0x232: {  	vm13 =	veq.s32 v4, $0x0;
	v3 =	vand.u32 $0x1, v3;
	v17 =	vshra.s32 v8, $0x1;
	v4 =	vld.idx.msk [tilespmem:v16+s20+$0x0], $0xffff  }
0x233: {  	vm1 =	veq.s32 v2, $0x0;
	vm14 =	veq.s32 v3, $0x0;
	v9 =	vsel vm12, v10, v9;
	v10 =	vld [tilespmem:s2+$0x4D00]  }
0x234: {  	v18 =	vshra.s32 v15, $0x1;
	v2 =	vand.u32 $0xFFFF0000, v6;
	v6 =	vshll.u32 v6, $0x10;
	v11 =	vld.idx.msk [tilespmem:v11+s20+$0x0], $0xffff  }
0x235: {  	v16 =	vand.u32 $0xFFFF0000, v14;
	v14 =	vshll.u32 v14, $0x10;
	v2 =	vsel vm1, v6, v2;
	v6 =	vld [tilespmem:s2+$0x4700]  }
0x236: {  	v14 =	vsel vm13, v14, v16;
	v5 =	vadd.f32 v9, v5;
	v9 =	vld [tilespmem:s2+$0x4E00];
	v16 =	vshra.s32 v13, $0x1  }
0x237: {  	v8 =	vand.u32 $0x1, v8;
	v17 =	vld.idx.msk [tilespmem:v17+s20+$0x0], $0xffff;
	v3 =	vand.u32 $0xFFFF0000, v4;
	v4 =	vshll.u32 v4, $0x10  }
0x238: {  	v12 =	vand.u32 $0x1, v12;
	v3 =	vsel vm14, v4, v3;
	v4 =	vshra.s32 v10, $0x1  }
0x239: {  	vm15 =	veq.s32 v12, $0x0;
	v12 =	vshra.s32 v7, $0x1;
	vm4 =	veq.s32 v8, $0x0;
	v18 =	vld.idx.msk [tilespmem:v18+s20+$0x0], $0xffff  }
0x23a: {  	v3 =	vadd.f32 v3, v6;
	v6 =	vand.u32 $0xFFFF0000, v11;
	v11 =	vshll.u32 v11, $0x10  }
0x23b: {  	v15 =	vand.u32 $0x1, v15;
	v8 =	vshra.s32 v9, $0x1;
	v16 =	vld.idx.msk [tilespmem:v16+s20+$0x0], $0xffff;
	v6 =	vsel vm15, v11, v6  }
0x23c: {  	v11 =	vshll.u32 v17, $0x10;
	v3 =	vadd.f32 v6, v3;
	v6 =	vand.u32 $0xFFFF0000, v17  }
0x23d: {  	vm5 =	veq.s32 v15, $0x0;
	v4 =	vld.idx.msk [tilespmem:v4+s20+$0x0], $0xffff;
	v6 =	vsel vm4, v11, v6;
	v11 =	vand.u32 $0x1, v13  }
0x23e: {  	v13 =	vshll.u32 v18, $0x10;
	v3 =	vadd.f32 v6, v3;
	v6 =	vand.u32 $0xFFFF0000, v18  }
0x23f: {  	v12 =	vld.idx.msk [tilespmem:v12+s20+$0x0], $0xffff;
	v10 =	vand.u32 $0x1, v10;
	vm6 =	veq.s32 v11, $0x0;
	v6 =	vsel vm5, v13, v6  }
0x240: {  	v3 =	vadd.f32 v6, v3;
	v6 =	vand.u32 $0xFFFF0000, v16;
	v11 =	vshll.u32 v16, $0x10  }
0x241: {  	v7 =	vand.u32 $0x1, v7;
	vm7 =	veq.s32 v10, $0x0;
	v8 =	vld.idx.msk [tilespmem:v8+s20+$0x0], $0xffff;
	v6 =	vsel vm6, v11, v6  }
0x242: {  	v3 =	vadd.f32 v6, v3;
	v6 =	vand.u32 $0xFFFF0000, v4;
	v4 =	vshll.u32 v4, $0x10  }
0x243: {  	vm8 =	veq.s32 v7, $0x0;
	v9 =	vand.u32 $0x1, v9;
	v4 =	vsel vm7, v4, v6  }
0x244: {  	v6 =	vshll.u32 v12, $0x10;
	v3 =	vadd.f32 v4, v3;
	v4 =	vand.u32 $0xFFFF0000, v12  }
0x245: {  	v5 =	vadd.f32 v14, v5;
	vm9 =	veq.s32 v9, $0x0;
	v4 =	vsel vm8, v6, v4  }
0x246: {  	v6 =	vshll.u32 v8, $0x10;
	v3 =	vadd.f32 v4, v3;
	v4 =	vand.u32 $0xFFFF0000, v8  }
0x247: {  	v2 =	vadd.f32 v2, v5;
	v4 =	vsel vm9, v6, v4  }
0x248: {  	v3 =	vadd.f32 v4, v3  }
0x249: {  	[tilespmem:s0+$0x4700] =	vst v2  }
0x24a: {  	[tilespmem:s2+$0x4700] =	vst v3  }
0x24b: {  	_ =	strace $0x90000051  }
0x24c: {  	_ =	strace $0x80000052  }
0x24d: {  	_ =	swait.ge [sflag:s29], $0xBB8  }
0x24e: {  	[sflag:s29] =	ssyncset.done $0x0  }
0x24f: {  	[sflag:s29] =	ssyncadd.s32 $0xFFFFF448  }
0x250: {  	_ =	strace $0x90000052  }
0x251: {  	s0 =	simm.s32 $0x0;
	_ =	strace $0x80000053  }
0x252: {  	v3 =	vld [tilespmem:s0+$0x4E80];
	_ =	sdelay $0x1  }
0x253: {  	v5 =	vld [tilespmem:s0+$0x4F00];
	_ =	sdelay $0x1  }
0x254: {  	v6 =	vld [tilespmem:s0+$0x4F80]  }
0x255: {  	v2 =	vshra.s32 v3, $0x1  }
0x256: {  	v7 =	vld [tilespmem:s0+$0x5000]  }
0x257: {  	v9 =	vld [tilespmem:s0+$0x5100];
	v4 =	vshra.s32 v5, $0x1  }
0x258: {  	v8 =	vld [tilespmem:s0+$0x5080]  }
0x259: {  	v12 =	vld [tilespmem:s0+$0x4700];
	v10 =	vshra.s32 v6, $0x1  }
0x25a: {  	s2 =	simm.s32 $0x10;
	v3 =	vand.u32 $0x1, v3;
	v11 =	vld.idx.msk [tilespmem:v2+s20+$0x0], $0xffff  }
0x25b: {  	v13 =	vshra.s32 v7, $0x1;
	vm10 =	veq.s32 v3, $0x0;
	v3 =	vld [tilespmem:s2+$0x4F80]  }
0x25c: {  	v16 =	vand.u32 $0x1, v9;
	v9 =	vshra.s32 v9, $0x1;
	v14 =	vld.idx.msk [tilespmem:v4+s20+$0x0], $0xffff  }
0x25d: {  	v15 =	vshra.s32 v8, $0x1;
	v4 =	vld [tilespmem:s2+$0x4E80]  }
0x25e: {  	v17 =	vand.u32 $0x1, v7;
	v8 =	vand.u32 $0x1, v8;
	v10 =	vld.idx.msk [tilespmem:v10+s20+$0x0], $0xffff  }
0x25f: {  	v5 =	vand.u32 $0x1, v5;
	v2 =	vld [tilespmem:s2+$0x4F00];
	v7 =	vand.u32 $0xFFFF0000, v11;
	v11 =	vshll.u32 v11, $0x10  }
0x260: {  	vm11 =	veq.s32 v5, $0x0;
	v5 =	vand.u32 $0x1, v6;
	v13 =	vld.idx.msk [tilespmem:v13+s20+$0x0], $0xffff;
	v7 =	vsel vm10, v11, v7  }
0x261: {  	v19 =	vld.idx.msk [tilespmem:v9+s20+$0x0], $0xffff;
	v11 =	vand.u32 $0xFFFF0000, v14;
	v6 =	vadd.f32 v7, v12;
	v12 =	vshll.u32 v14, $0x10  }
0x262: {  	vm12 =	veq.s32 v5, $0x0;
	v18 =	vshra.s32 v4, $0x1;
	v14 =	vld.idx.msk [tilespmem:v15+s20+$0x0], $0xffff;
	v11 =	vsel vm11, v12, v11  }
0x263: {  	v7 =	vld [tilespmem:s2+$0x5000];
	v5 =	vadd.f32 v11, v6;
	v6 =	vand.u32 $0xFFFF0000, v10;
	v10 =	vshll.u32 v10, $0x10  }
0x264: {  	vm13 =	veq.s32 v17, $0x0;
	v9 =	vld [tilespmem:s2+$0x5100];
	v20 =	vshra.s32 v2, $0x1;
	v6 =	vsel vm12, v10, v6  }
0x265: {  	v11 =	vld [tilespmem:s2+$0x5080];
	v10 =	vshll.u32 v13, $0x10;
	v5 =	vadd.f32 v6, v5;
	v6 =	vand.u32 $0xFFFF0000, v13  }
0x266: {  	vm14 =	veq.s32 v8, $0x0;
	v15 =	vshra.s32 v3, $0x1;
	v6 =	vsel vm13, v10, v6  }
0x267: {  	v8 =	vld [tilespmem:s2+$0x4700];
	v10 =	vshll.u32 v14, $0x10;
	v5 =	vadd.f32 v6, v5;
	v6 =	vand.u32 $0xFFFF0000, v14  }
0x268: {  	vm15 =	veq.s32 v16, $0x0;
	v12 =	vld.idx.msk [tilespmem:v18+s20+$0x0], $0xffff;
	v13 =	vshra.s32 v7, $0x1;
	v6 =	vsel vm14, v10, v6  }
0x269: {  	s4 =	simm.s32 $0x20;
	v17 =	vand.u32 $0xFFFF0000, v19;
	v18 =	vshll.u32 v19, $0x10;
	v10 =	vld.idx.msk [tilespmem:v20+s20+$0x0], $0xffff;
	v16 =	vadd.f32 v6, v5  }
0x26a: {  	s5 =	simm.s32 $0xC0;
	v17 =	vsel vm15, v18, v17;
	v14 =	vshra.s32 v11, $0x1;
	v6 =	vld [tilespmem:s4+$0x4E80];
	v5 =	vand.u32 $0x1, v9  }
.LBB2_10:
0x26b: {  	p0 =	sne.s32 s5, $0x1C0;
	v15 =	vld.idx.msk [tilespmem:v15+s20+$0x0], $0xffff;
	v18 =	vand.u32 $0x1, v7;
	v19 =	vand.u32 $0x1, v11;
	v7 =	vadd.f32 v17, v16  }
0x26c: {  	v4 =	vand.u32 $0x1, v4;
	v11 =	vand.u32 $0x1, v2;
	v9 =	vshra.s32 v9, $0x1;
	v2 =	vld [tilespmem:s4+$0x4F00]  }
0x26d: {  	vm0 =	veq.s32 v4, $0x0;
	v16 =	vand.u32 $0xFFFF0000, v12;
	v12 =	vshll.u32 v12, $0x10;
	v13 =	vld.idx.msk [tilespmem:v13+s20+$0x0], $0xffff;
	[tilespmem:s0+$0x4700] =	vst v7;
	s0 =	smov.u32 s2;
	s2 =	smov.u32 s4  }
0x26e: {  	v7 =	vsel vm0, v12, v16;
	vm0 =	veq.s32 v11, $0x0;
	v11 =	vand.u32 $0x1, v3;
	v3 =	vld [tilespmem:s2+$0x4F80]  }
0x26f: {  	v8 =	vadd.f32 v7, v8;
	v12 =	vand.u32 $0xFFFF0000, v10;
	v10 =	vshll.u32 v10, $0x10;
	v14 =	vld.idx.msk [tilespmem:v14+s20+$0x0], $0xffff;
	v4 =	vmovc v6  }
0x270: {  	v10 =	vsel vm0, v10, v12;
	vm0 =	veq.s32 v11, $0x0;
	v6 =	vshra.s32 v4, $0x1;
	v7 =	vld [tilespmem:s2+$0x5000]  }
0x271: {  	v8 =	vadd.f32 v10, v8;
	v10 =	vand.u32 $0xFFFF0000, v15;
	v11 =	vshll.u32 v15, $0x10;
	v17 =	vld.idx.msk [tilespmem:v9+s20+$0x0], $0xffff  }
0x272: {  	v16 =	vshra.s32 v2, $0x1;
	v10 =	vsel vm0, v11, v10;
	vm0 =	veq.s32 v18, $0x0;
	v9 =	vld [tilespmem:s2+$0x5100]  }
0x273: {  	v8 =	vadd.f32 v10, v8;
	v10 =	vand.u32 $0xFFFF0000, v13;
	v12 =	vshll.u32 v13, $0x10;
	v11 =	vld [tilespmem:s2+$0x5080]  }
.Ltmp4:
0x274: {  	v15 =	vshra.s32 v3, $0x1;
	v10 =	vsel vm0, v12, v10;
	vm0 =	veq.s32 v19, $0x0;
	(pc) =	sbr.rel @p0 .LBB2_10-.Ltmp4, $4  }
0x275: {  	v12 =	vld.idx.msk [tilespmem:v6+s20+$0x0], $0xffff;
	v6 =	vadd.f32 v10, v8;
	v10 =	vand.u32 $0xFFFF0000, v14;
	v14 =	vshll.u32 v14, $0x10  }
0x276: {  	v13 =	vshra.s32 v7, $0x1;
	v8 =	vld [tilespmem:s2+$0x4700];
	v14 =	vsel vm0, v14, v10;
	vm0 =	veq.s32 v5, $0x0  }
0x277: {  	s4 =	sshra.s32 s5, $0x2;
	v18 =	vand.u32 $0xFFFF0000, v17;
	v17 =	vshll.u32 v17, $0x10;
	v10 =	vld.idx.msk [tilespmem:v16+s20+$0x0], $0xffff;
	v16 =	vadd.f32 v14, v6  }
0x278: {  	s5 =	sadd.s32 $0x40, s5;
	v5 =	vand.u32 $0x1, v9;
	v17 =	vsel vm0, v17, v18;
	v6 =	vld [tilespmem:s4+$0x4E80];
	v14 =	vshra.s32 v11, $0x1  }
0x279: {  	_ =	sdelay $0x2  }
0x27a: {  	v7 =	vand.u32 $0x1, v7;
	v11 =	vand.u32 $0x1, v11  }
0x27b: {  	v15 =	vld.idx.msk [tilespmem:v15+s20+$0x0], $0xffff;
	v4 =	vand.u32 $0x1, v4;
	v9 =	vshra.s32 v9, $0x1;
	v16 =	vadd.f32 v17, v16  }
0x27c: {  	v18 =	vld [tilespmem:s4+$0x4F00];
	v2 =	vand.u32 $0x1, v2;
	v3 =	vand.u32 $0x1, v3;
	vm0 =	veq.s32 v4, $0x0  }
0x27d: {  	v13 =	vld.idx.msk [tilespmem:v13+s20+$0x0], $0xffff;
	v4 =	vand.u32 $0xFFFF0000, v12;
	v12 =	vshll.u32 v12, $0x10;
	vm11 =	veq.s32 v2, $0x0  }
0x27e: {  	vm12 =	veq.s32 v3, $0x0;
	v4 =	vsel vm0, v12, v4;
	v12 =	vld [tilespmem:s4+$0x4F80];
	v2 =	vand.u32 $0xFFFF0000, v10  }
0x27f: {  	v14 =	vld.idx.msk [tilespmem:v14+s20+$0x0], $0xffff;
	v10 =	vshll.u32 v10, $0x10;
	v4 =	vadd.f32 v4, v8;
	v17 =	vshra.s32 v6, $0x1  }
0x280: {  	vm13 =	veq.s32 v7, $0x0;
	v2 =	vsel vm11, v10, v2;
	v10 =	vld [tilespmem:s4+$0x5000];
	v3 =	vand.u32 $0xFFFF0000, v15  }
0x281: {  	v15 =	vshll.u32 v15, $0x10;
	v8 =	vld.idx.msk [tilespmem:v9+s20+$0x0], $0xffff;
	v9 =	vshra.s32 v18, $0x1;
	v2 =	vadd.f32 v2, v4  }
0x282: {  	v7 =	vld [tilespmem:s4+$0x5080];
	v3 =	vsel vm12, v15, v3;
	v15 =	vand.u32 $0xFFFF0000, v13;
	v13 =	vshll.u32 v13, $0x10  }
0x283: {  	vm14 =	veq.s32 v11, $0x0;
	v4 =	vld [tilespmem:s4+$0x5100];
	v13 =	vsel vm13, v13, v15;
	v15 =	vshra.s32 v12, $0x1  }
0x284: {  	v2 =	vadd.f32 v3, v2;
	v11 =	vld.idx.msk [tilespmem:v17+s20+$0x0], $0xffff;
	v17 =	vand.u32 $0xFFFF0000, v14;
	v14 =	vshll.u32 v14, $0x10  }
0x285: {  	v3 =	vld [tilespmem:s4+$0x4700];
	v14 =	vsel vm14, v14, v17;
	v17 =	vshra.s32 v10, $0x1  }
0x286: {  	vm15 =	veq.s32 v5, $0x0;
	v6 =	vand.u32 $0x1, v6;
	v2 =	vadd.f32 v13, v2;
	v5 =	vld.idx.msk [tilespmem:v9+s20+$0x0], $0xffff  }
0x287: {  	v13 =	vshra.s32 v7, $0x1;
	v9 =	vand.u32 $0xFFFF0000, v8;
	v8 =	vshll.u32 v8, $0x10  }
0x288: {  	vm4 =	veq.s32 v6, $0x0;
	v8 =	vsel vm15, v8, v9;
	v9 =	vld.idx.msk [tilespmem:v15+s20+$0x0], $0xffff;
	v15 =	vand.u32 $0x1, v18  }
0x289: {  	v18 =	vshra.s32 v4, $0x1;
	v6 =	vand.u32 $0xFFFF0000, v11;
	v11 =	vshll.u32 v11, $0x10  }
0x28a: {  	vm5 =	veq.s32 v15, $0x0;
	v17 =	vld.idx.msk [tilespmem:v17+s20+$0x0], $0xffff;
	v6 =	vsel vm4, v11, v6;
	v11 =	vand.u32 $0x1, v12  }
0x28b: {  	v3 =	vadd.f32 v6, v3;
	v6 =	vand.u32 $0xFFFF0000, v5;
	v5 =	vshll.u32 v5, $0x10  }
0x28c: {  	v10 =	vand.u32 $0x1, v10;
	v12 =	vld.idx.msk [tilespmem:v13+s20+$0x0], $0xffff;
	vm6 =	veq.s32 v11, $0x0;
	v5 =	vsel vm5, v5, v6  }
0x28d: {  	v6 =	vshll.u32 v9, $0x10;
	v3 =	vadd.f32 v5, v3;
	v5 =	vand.u32 $0xFFFF0000, v9  }
0x28e: {  	v7 =	vand.u32 $0x1, v7;
	vm7 =	veq.s32 v10, $0x0;
	v9 =	vld.idx.msk [tilespmem:v18+s20+$0x0], $0xffff;
	v5 =	vsel vm6, v6, v5  }
0x28f: {  	v3 =	vadd.f32 v5, v3;
	v5 =	vand.u32 $0xFFFF0000, v17;
	v6 =	vshll.u32 v17, $0x10  }
0x290: {  	vm8 =	veq.s32 v7, $0x0;
	v4 =	vand.u32 $0x1, v4;
	v5 =	vsel vm7, v6, v5  }
0x291: {  	v6 =	vshll.u32 v12, $0x10;
	v3 =	vadd.f32 v5, v3;
	v5 =	vand.u32 $0xFFFF0000, v12  }
0x292: {  	v2 =	vadd.f32 v14, v2;
	vm9 =	veq.s32 v4, $0x0;
	v5 =	vsel vm8, v6, v5  }
0x293: {  	v4 =	vand.u32 $0xFFFF0000, v9;
	v3 =	vadd.f32 v5, v3;
	v5 =	vshll.u32 v9, $0x10  }
0x294: {  	v2 =	vadd.f32 v8, v2;
	v4 =	vsel vm9, v5, v4  }
0x295: {  	[tilespmem:s0+$0x4700] =	vst v16;
	v3 =	vadd.f32 v4, v3  }
0x296: {  	[tilespmem:s2+$0x4700] =	vst v2  }
0x297: {  	[tilespmem:s4+$0x4700] =	vst v3  }
0x298: {  	_ =	strace $0x90000053  }
0x299: {  	_ =	strace $0x80000054  }
0x29a: {  	_ =	swait.ge [sflag:s30], $0xBB8  }
0x29b: {  	[sflag:s30] =	ssyncset.done $0x0  }
0x29c: {  	[sflag:s30] =	ssyncadd.s32 $0xFFFFF448  }
0x29d: {  	_ =	strace $0x90000054  }
0x29e: {  	s0 =	simm.s32 $0x0;
	_ =	strace $0x80000055  }
0x29f: {  	v3 =	vld [tilespmem:s0+$0x5180];
	_ =	sdelay $0x1  }
0x2a0: {  	v5 =	vld [tilespmem:s0+$0x5200];
	_ =	sdelay $0x1  }
0x2a1: {  	v6 =	vld [tilespmem:s0+$0x5280]  }
0x2a2: {  	v2 =	vshra.s32 v3, $0x1  }
0x2a3: {  	v7 =	vld [tilespmem:s0+$0x5300]  }
0x2a4: {  	v9 =	vld [tilespmem:s0+$0x5400];
	v4 =	vshra.s32 v5, $0x1  }
0x2a5: {  	v8 =	vld [tilespmem:s0+$0x5380]  }
0x2a6: {  	v12 =	vld [tilespmem:s0+$0x4700];
	v10 =	vshra.s32 v6, $0x1  }
0x2a7: {  	s2 =	simm.s32 $0x10;
	v3 =	vand.u32 $0x1, v3;
	v11 =	vld.idx.msk [tilespmem:v2+s20+$0x0], $0xffff  }
0x2a8: {  	v13 =	vshra.s32 v7, $0x1;
	vm10 =	veq.s32 v3, $0x0;
	v3 =	vld [tilespmem:s2+$0x5280]  }
0x2a9: {  	v16 =	vand.u32 $0x1, v9;
	v9 =	vshra.s32 v9, $0x1;
	v14 =	vld.idx.msk [tilespmem:v4+s20+$0x0], $0xffff  }
0x2aa: {  	v15 =	vshra.s32 v8, $0x1;
	v4 =	vld [tilespmem:s2+$0x5180]  }
0x2ab: {  	v17 =	vand.u32 $0x1, v7;
	v8 =	vand.u32 $0x1, v8;
	v10 =	vld.idx.msk [tilespmem:v10+s20+$0x0], $0xffff  }
0x2ac: {  	v5 =	vand.u32 $0x1, v5;
	v2 =	vld [tilespmem:s2+$0x5200];
	v7 =	vand.u32 $0xFFFF0000, v11;
	v11 =	vshll.u32 v11, $0x10  }
0x2ad: {  	vm11 =	veq.s32 v5, $0x0;
	v5 =	vand.u32 $0x1, v6;
	v13 =	vld.idx.msk [tilespmem:v13+s20+$0x0], $0xffff;
	v7 =	vsel vm10, v11, v7  }
0x2ae: {  	v19 =	vld.idx.msk [tilespmem:v9+s20+$0x0], $0xffff;
	v11 =	vand.u32 $0xFFFF0000, v14;
	v6 =	vadd.f32 v7, v12;
	v12 =	vshll.u32 v14, $0x10  }
0x2af: {  	vm12 =	veq.s32 v5, $0x0;
	v18 =	vshra.s32 v4, $0x1;
	v14 =	vld.idx.msk [tilespmem:v15+s20+$0x0], $0xffff;
	v11 =	vsel vm11, v12, v11  }
0x2b0: {  	v7 =	vld [tilespmem:s2+$0x5300];
	v5 =	vadd.f32 v11, v6;
	v6 =	vand.u32 $0xFFFF0000, v10;
	v10 =	vshll.u32 v10, $0x10  }
0x2b1: {  	vm13 =	veq.s32 v17, $0x0;
	v9 =	vld [tilespmem:s2+$0x5400];
	v20 =	vshra.s32 v2, $0x1;
	v6 =	vsel vm12, v10, v6  }
0x2b2: {  	v11 =	vld [tilespmem:s2+$0x5380];
	v10 =	vshll.u32 v13, $0x10;
	v5 =	vadd.f32 v6, v5;
	v6 =	vand.u32 $0xFFFF0000, v13  }
0x2b3: {  	vm14 =	veq.s32 v8, $0x0;
	v15 =	vshra.s32 v3, $0x1;
	v6 =	vsel vm13, v10, v6  }
0x2b4: {  	v8 =	vld [tilespmem:s2+$0x4700];
	v10 =	vshll.u32 v14, $0x10;
	v5 =	vadd.f32 v6, v5;
	v6 =	vand.u32 $0xFFFF0000, v14  }
0x2b5: {  	vm15 =	veq.s32 v16, $0x0;
	v12 =	vld.idx.msk [tilespmem:v18+s20+$0x0], $0xffff;
	v13 =	vshra.s32 v7, $0x1;
	v6 =	vsel vm14, v10, v6  }
0x2b6: {  	s4 =	simm.s32 $0x20;
	v17 =	vand.u32 $0xFFFF0000, v19;
	v18 =	vshll.u32 v19, $0x10;
	v10 =	vld.idx.msk [tilespmem:v20+s20+$0x0], $0xffff;
	v16 =	vadd.f32 v6, v5  }
0x2b7: {  	s5 =	simm.s32 $0xC0;
	v17 =	vsel vm15, v18, v17;
	v14 =	vshra.s32 v11, $0x1;
	v6 =	vld [tilespmem:s4+$0x5180];
	v5 =	vand.u32 $0x1, v9  }
.LBB2_12:
0x2b8: {  	p0 =	sne.s32 s5, $0x1C0;
	v15 =	vld.idx.msk [tilespmem:v15+s20+$0x0], $0xffff;
	v18 =	vand.u32 $0x1, v7;
	v19 =	vand.u32 $0x1, v11;
	v7 =	vadd.f32 v17, v16  }
0x2b9: {  	v4 =	vand.u32 $0x1, v4;
	v11 =	vand.u32 $0x1, v2;
	v9 =	vshra.s32 v9, $0x1;
	v2 =	vld [tilespmem:s4+$0x5200]  }
0x2ba: {  	vm0 =	veq.s32 v4, $0x0;
	v16 =	vand.u32 $0xFFFF0000, v12;
	v12 =	vshll.u32 v12, $0x10;
	v13 =	vld.idx.msk [tilespmem:v13+s20+$0x0], $0xffff;
	[tilespmem:s0+$0x4700] =	vst v7;
	s0 =	smov.u32 s2;
	s2 =	smov.u32 s4  }
0x2bb: {  	v7 =	vsel vm0, v12, v16;
	vm0 =	veq.s32 v11, $0x0;
	v11 =	vand.u32 $0x1, v3;
	v3 =	vld [tilespmem:s2+$0x5280]  }
0x2bc: {  	v8 =	vadd.f32 v7, v8;
	v12 =	vand.u32 $0xFFFF0000, v10;
	v10 =	vshll.u32 v10, $0x10;
	v14 =	vld.idx.msk [tilespmem:v14+s20+$0x0], $0xffff;
	v4 =	vmovc v6  }
0x2bd: {  	v10 =	vsel vm0, v10, v12;
	vm0 =	veq.s32 v11, $0x0;
	v6 =	vshra.s32 v4, $0x1;
	v7 =	vld [tilespmem:s2+$0x5300]  }
0x2be: {  	v8 =	vadd.f32 v10, v8;
	v10 =	vand.u32 $0xFFFF0000, v15;
	v11 =	vshll.u32 v15, $0x10;
	v17 =	vld.idx.msk [tilespmem:v9+s20+$0x0], $0xffff  }
0x2bf: {  	v16 =	vshra.s32 v2, $0x1;
	v10 =	vsel vm0, v11, v10;
	vm0 =	veq.s32 v18, $0x0;
	v9 =	vld [tilespmem:s2+$0x5400]  }
0x2c0: {  	v8 =	vadd.f32 v10, v8;
	v10 =	vand.u32 $0xFFFF0000, v13;
	v12 =	vshll.u32 v13, $0x10;
	v11 =	vld [tilespmem:s2+$0x5380]  }
.Ltmp5:
0x2c1: {  	v15 =	vshra.s32 v3, $0x1;
	v10 =	vsel vm0, v12, v10;
	vm0 =	veq.s32 v19, $0x0;
	(pc) =	sbr.rel @p0 .LBB2_12-.Ltmp5, $4  }
0x2c2: {  	v12 =	vld.idx.msk [tilespmem:v6+s20+$0x0], $0xffff;
	v6 =	vadd.f32 v10, v8;
	v10 =	vand.u32 $0xFFFF0000, v14;
	v14 =	vshll.u32 v14, $0x10  }
0x2c3: {  	v13 =	vshra.s32 v7, $0x1;
	v8 =	vld [tilespmem:s2+$0x4700];
	v14 =	vsel vm0, v14, v10;
	vm0 =	veq.s32 v5, $0x0  }
0x2c4: {  	s4 =	sshra.s32 s5, $0x2;
	v18 =	vand.u32 $0xFFFF0000, v17;
	v17 =	vshll.u32 v17, $0x10;
	v10 =	vld.idx.msk [tilespmem:v16+s20+$0x0], $0xffff;
	v16 =	vadd.f32 v14, v6  }
0x2c5: {  	s5 =	sadd.s32 $0x40, s5;
	v5 =	vand.u32 $0x1, v9;
	v17 =	vsel vm0, v17, v18;
	v6 =	vld [tilespmem:s4+$0x5180];
	v14 =	vshra.s32 v11, $0x1  }
0x2c6: {  	_ =	sdelay $0x3  }
0x2c7: {  	v7 =	vand.u32 $0x1, v7;
	v15 =	vld.idx.msk [tilespmem:v15+s20+$0x0], $0xffff  }
0x2c8: {  	v11 =	vand.u32 $0x1, v11;
	v4 =	vand.u32 $0x1, v4;
	v9 =	vshra.s32 v9, $0x1;
	v18 =	vld [tilespmem:s4+$0x5200]  }
0x2c9: {  	v16 =	vadd.f32 v17, v16;
	v2 =	vand.u32 $0x1, v2;
	v13 =	vld.idx.msk [tilespmem:v13+s20+$0x0], $0xffff;
	v3 =	vand.u32 $0x1, v3  }
0x2ca: {  	v32 =	vld [tilespmem:s4+$0x5280];
	vm9 =	veq.s32 v5, $0x0;
	vm0 =	veq.s32 v4, $0x0;
	v30 =	vand.u32 $0xFFFF0000, v12  }
0x2cb: {  	v14 =	vld.idx.msk [tilespmem:v14+s20+$0x0], $0xffff;
	v31 =	vshll.u32 v12, $0x10;
	vm5 =	veq.s32 v2, $0x0;
	vm6 =	veq.s32 v3, $0x0  }
0x2cc: {  	v35 =	vld [tilespmem:s4+$0x5300];
	vm7 =	veq.s32 v7, $0x0;
	vm8 =	veq.s32 v11, $0x0;
	v34 =	vshra.s32 v6, $0x1  }
0x2cd: {  	v38 =	vld [tilespmem:s4+$0x5380];
	v4 =	vsel vm0, v31, v30;
	v2 =	vand.u32 $0xFFFF0000, v10;
	v33 =	vshll.u32 v10, $0x10  }
0x2ce: {  	v40 =	vld [tilespmem:s4+$0x5400];
	v4 =	vadd.f32 v4, v8;
	v2 =	vsel vm5, v33, v2;
	v37 =	vshra.s32 v18, $0x1  }
0x2cf: {  	v49 =	vand.u32 $0x1, v6;
	v3 =	vand.u32 $0xFFFF0000, v15;
	v15 =	vshll.u32 v15, $0x10  }
0x2d0: {  	v39 =	vand.u32 $0xFFFF0000, v13;
	v2 =	vadd.f32 v2, v4;
	v41 =	vshra.s32 v32, $0x1  }
0x2d1: {  	v13 =	vshll.u32 v13, $0x10;
	v43 =	vand.u32 $0xFFFF0000, v14;
	v3 =	vsel vm6, v15, v3;
	v42 =	vld.idx.msk [tilespmem:v34+s20+$0x0], $0xffff  }
0x2d2: {  	v14 =	vshll.u32 v14, $0x10;
	v44 =	vshra.s32 v35, $0x1;
	v2 =	vadd.f32 v3, v2;
	v3 =	vld [tilespmem:s4+$0x4700]  }
0x2d3: {  	v47 =	vshra.s32 v38, $0x1;
	v50 =	vand.u32 $0x1, v18;
	v51 =	vshra.s32 v40, $0x1;
	v45 =	vld.idx.msk [tilespmem:v37+s20+$0x0], $0xffff  }
0x2d4: {  	vm10 =	veq.s32 v49, $0x0;
	v12 =	vand.u32 $0x1, v32;
	v10 =	vand.u32 $0x1, v35  }
0x2d5: {  	v7 =	vand.u32 $0x1, v38;
	v4 =	vand.u32 $0x1, v40;
	v13 =	vsel vm7, v13, v39;
	v48 =	vld.idx.msk [tilespmem:v41+s20+$0x0], $0xffff  }
0x2d6: {  	v14 =	vsel vm8, v14, v43;
	v52 =	vand.u32 $0xFFFF0000, v42;
	v11 =	vshll.u32 v42, $0x10  }
0x2d7: {  	vm11 =	veq.s32 v50, $0x0;
	vm12 =	veq.s32 v12, $0x0;
	v53 =	vld.idx.msk [tilespmem:v44+s20+$0x0], $0xffff;
	v6 =	vsel vm10, v11, v52  }
0x2d8: {  	v36 =	vld.idx.msk [tilespmem:v9+s20+$0x0], $0xffff;
	v54 =	vand.u32 $0xFFFF0000, v45;
	v5 =	vshll.u32 v45, $0x10;
	v3 =	vadd.f32 v6, v3  }
0x2d9: {  	vm13 =	veq.s32 v10, $0x0;
	v2 =	vadd.f32 v13, v2;
	v13 =	vld.idx.msk [tilespmem:v47+s20+$0x0], $0xffff;
	v5 =	vsel vm11, v5, v54  }
0x2da: {  	v55 =	vand.u32 $0xFFFF0000, v48;
	v56 =	vshll.u32 v48, $0x10;
	v3 =	vadd.f32 v5, v3  }
0x2db: {  	vm14 =	veq.s32 v7, $0x0;
	vm15 =	veq.s32 v4, $0x0;
	v57 =	vld.idx.msk [tilespmem:v51+s20+$0x0], $0xffff;
	v5 =	vsel vm12, v56, v55  }
0x2dc: {  	v58 =	vand.u32 $0xFFFF0000, v53;
	v59 =	vshll.u32 v53, $0x10;
	v3 =	vadd.f32 v5, v3  }
0x2dd: {  	v46 =	vand.u32 $0xFFFF0000, v36;
	v8 =	vshll.u32 v36, $0x10;
	v5 =	vsel vm13, v59, v58  }
0x2de: {  	v60 =	vand.u32 $0xFFFF0000, v13;
	v61 =	vshll.u32 v13, $0x10;
	v3 =	vadd.f32 v5, v3  }
0x2df: {  	v8 =	vsel vm9, v8, v46;
	v2 =	vadd.f32 v14, v2;
	v5 =	vsel vm14, v61, v60  }
0x2e0: {  	v62 =	vand.u32 $0xFFFF0000, v57;
	v63 =	vshll.u32 v57, $0x10;
	v3 =	vadd.f32 v5, v3  }
0x2e1: {  	v2 =	vadd.f32 v8, v2;
	v4 =	vsel vm15, v63, v62  }
0x2e2: {  	[tilespmem:s0+$0x4700] =	vst v16;
	v3 =	vadd.f32 v4, v3  }
0x2e3: {  	[tilespmem:s2+$0x4700] =	vst v2  }
0x2e4: {  	[tilespmem:s4+$0x4700] =	vst v3  }
0x2e5: {  	s1 =	sadd.s32 $0x1, s1;
	_ =	strace $0x90000055  }
0x2e6: {  	s31 =	simm.s32 $0x4700;
	p0 =	sne.s32 s1, s13;
	_ =	strace $0x80000056  }
0x2e7: {  	[hbm4b:s12+s3] =	stream.linear.scatter [tilespmem:s31], [sflag:$0x8], $0x80, $0x200038;
	[tilespmem:$0x57B0] =	vst v63  }
.Ltmp6:
0x2e8: {  	_ = 	snop;
	(pc) =	sbr.rel @p0 .LBB2_1-.Ltmp6, $4  }
0x2e9: {  	_ =	swait.ge [sflag:s19], $0x80  }
0x2ea: {  	[sflag:s19] =	ssyncset.done $0x0  }
0x2eb: {  	[sflag:s19] =	ssyncadd.s32 $0xFFFFFF80  }
0x2ec: {  	_ =	strace $0x90000056  }
0x2ed: {  	_ =	sfence.sel $0x180000  }
0x2ee: {  	[bflag:$0x0] =	sbarrier.arrive $0xFFFF  }
0x2ef: {  	_ =	strace $0x90000047  }
0x2f0: {  	s0 =	stileid.u32;
	[bflag:$0x2] =	sbarrier.arrive $0xFFFF  }
0x2f1: {  	p0 =	sne.s32 s0, $0x0;
	s0 =	rddreg [dreg:$0x3]  }
0x2f2: {  	s0 =	sadd.s32 @!p0 $0x100000, s0  }
0x2f3: {  	[sflag:s0] =	ssyncadd.tile.s32 @!p0 $0x1;
	_ =	shalt  }
.Lfunc_end2:
_tile_overlayer_lowered:
.L_overlay_start_2:
0x2f4: {  	(tag) =	ssettag $0x2  }
0x2f5: {  	s0 =	rddreg [dreg:$0x0];
	s2 =	stileid.u32  }
0x2f6: {  	s1 =	rddreg [dreg:$0x1];
	p0 =	sne.s32 s2, $0x0  }
0x2f7: {  	s3 =	rddreg [dreg:$0x2];
	[bflag:$0x3] =	sbarrier.arrive $0xFFFF;
	s2 =	simm.s32 @!p0 $0x1C08  }
0x2f8: {  	[timem:s3], [sflag:s2] =	dma.local @!p0 [hbm:s0], s1  }
0x2f9: {  	s0 =	simm.s32 @!p0 $0x8  }
0x2fa: {  	_ =	swait.ge @!p0 [sflag:s0], s1  }
0x2fb: {  	s1 =	ssub.s32 @!p0 $0x0, s1;
	[sflag:s0] =	ssyncset.done @!p0 $0x0  }
0x2fc: {  	[sflag:s0] =	ssyncadd.s32 @!p0 s1  }
0x2fd: {  	[bflag:$0x3] =	sbarrier.arrive $0xFFFF  }
0x2fe: {  	_ =	shalt  }

</sc_bundles>
